<compile_context>
chip_gen: v7x
topology: tpu7x:2x2x1
jax: 0.10.2.dev20260603
libtpu: 0.0.44.dev20260713+nightly
codegen_flags: <defaults>
</compile_context>

<pallas_src>
import functools

import jax
import jax.numpy as jnp
from jax import lax
from jax.experimental import pallas as pl
from jax.experimental.pallas import tpu as pltpu
from jax.experimental.pallas import tpu_sc as plsc

ND = 5000
NP = 5000
E = 160000
F = 128

NPAD = 5120
EPAD = 163840
CH = 64
NC, NS = 2, 16
NW = NC * NS
CPT = EPAD // CH // NS
NB = 2
IDXB = 32
RPT = NPAD // NS
EPW = EPAD // NW
BLK = 512

_mesh = plsc.VectorSubcoreMesh(
    core_axis_name="c", subcore_axis_name="s", num_cores=NC, num_subcores=NS)

_f32 = jnp.float32


NROWS = NPAD // 128


@functools.partial(
    pl.kernel,
    out_type=(
        jax.ShapeDtypeStruct((NPAD, F), _f32),
        jax.ShapeDtypeStruct((NPAD, F), _f32),
        jax.ShapeDtypeStruct((NROWS, 128), _f32),
        jax.ShapeDtypeStruct((NROWS, 128), _f32),
    ),
    mesh=_mesh,
    scratch_types=[
        pltpu.VMEM_SHARED((NPAD, F), _f32),
        pltpu.VMEM_SHARED((NPAD, F), _f32),
        pltpu.VMEM_SHARED((NROWS, 128), _f32),
        pltpu.VMEM((IDXB, CH), jnp.int32),
        pltpu.VMEM((IDXB, CH), jnp.int32),
        pltpu.VMEM((NROWS, 128), _f32),
        pltpu.VMEM((NROWS,), jnp.int32),
        pltpu.VMEM((CH, F), _f32),
        pltpu.VMEM((CH, F), _f32),
        pltpu.SemaphoreType.DMA,
        pltpu.SemaphoreType.DMA,
        pltpu.SemaphoreType.DMA,
        pltpu.SemaphoreType.DMA,
    ],
    compiler_params=pltpu.CompilerParams(needs_layout_passes=False),
)
def _sc_aggregate(xd_hbm, xp_hbm, src3_hbm, dst3_hbm, zrow_hbm, iota_hbm,
                  aggp_out, aggd_out, cntp_out, cntd_out,
                  acc, x_sh, cnt_sh, by_idx, at_idx, hist, iota_v,
                  rows0, rows1, gsem0, gsem1, ssem0, ssem1):
    c = lax.axis_index("c")
    s = lax.axis_index("s")
    r0 = s * RPT

    pltpu.sync_copy(zrow_hbm.at[pl.ds(r0, RPT)], acc.at[pl.ds(r0, RPT)])
    pltpu.sync_copy(zrow_hbm.at[pl.ds(0, NROWS)], hist)
    pltpu.sync_copy(iota_hbm, iota_v)

    @pl.when(s == 0)
    def _():
        pltpu.sync_copy(zrow_hbm.at[pl.ds(0, NROWS)], cnt_sh)

    rows = (rows0, rows1)
    gsems = (gsem0, gsem1)
    ssems = (ssem0, ssem1)
    ones16 = jnp.ones((16,), _f32)

    def run(x_hbm, by3_hbm, at3_hbm, out_hbm, cnt_out):
        pltpu.sync_copy(x_hbm.at[pl.ds(r0, RPT)], x_sh.at[pl.ds(r0, RPT)])
        plsc.subcore_barrier()

        @pl.loop(0, CPT // IDXB)
        def _blk(q):
            pltpu.sync_copy(by3_hbm.at[s, pl.ds(q * IDXB, IDXB)], by_idx)
            pltpu.sync_copy(at3_hbm.at[s, pl.ds(q * IDXB, IDXB)], at_idx)
            for b in range(NB):
                pltpu.async_copy(x_sh.at[by_idx.at[b]], rows[b], gsems[b])

            @pl.loop(0, IDXB // NB)
            def _grp(g):
                for b in range(NB):
                    i = g * NB + b
                    pltpu.make_async_copy(x_sh.at[by_idx.at[i]], rows[b], gsems[b]).wait()
                    pltpu.async_copy(rows[b], acc.at[at_idx.at[i]], ssems[b], add=True)

                    @pl.loop(0, CH // 16)
                    def _h(j):
                        i16 = at_idx[i, pl.ds(j * 16, 16)]
                        plsc.addupdate_scatter(hist, [i16 >> 7, i16 & 127], ones16)

                @pl.when(g < IDXB // NB - 1)
                def _():
                    for b in range(NB):
                        i = g * NB + b
                        pltpu.make_async_copy(rows[b], acc.at[at_idx.at[i]], ssems[b]).wait()
                        pltpu.async_copy(x_sh.at[by_idx.at[(g + 1) * NB + b]], rows[b], gsems[b])

            last = IDXB - NB
            for b in range(NB):
                pltpu.make_async_copy(rows[b], acc.at[at_idx.at[last + b]], ssems[b]).wait()

        pltpu.sync_copy(hist, cnt_sh.at[iota_v], add=True)
        plsc.subcore_barrier()
        pltpu.sync_copy(acc.at[pl.ds(r0, RPT)], out_hbm.at[pl.ds(r0, RPT)])

        @pl.when(s == 0)
        def _():
            pltpu.sync_copy(cnt_sh, cnt_out)

    @pl.when(c == 0)
    def _():
        run(xd_hbm, src3_hbm, dst3_hbm, aggp_out, cntp_out)

    @pl.when(c == 1)
    def _():
        run(xp_hbm, dst3_hbm, src3_hbm, aggd_out, cntd_out)


_row = lambda r: (r, 0)
_wmap = lambda r: (0, 0)


def _tc_layer1_body(x_ref, p_ref, c_ref, ws_ref, wc_ref,
                    h_ref, dinv_ref):
    dinv = 1.0 / jnp.maximum(c_ref[...], 1.0)
    agg = p_ref[...] * dinv
    h = jnp.dot(x_ref[...], ws_ref[...], preferred_element_type=_f32)
    h = h + jnp.dot(agg, wc_ref[...], preferred_element_type=_f32)
    h_ref[...] = jnp.maximum(h, 0.0)
    dinv_ref[...] = dinv


_tc_layer1 = pl.pallas_call(
    _tc_layer1_body,
    grid=(NPAD // BLK,),
    in_specs=[
        pl.BlockSpec((BLK, F), _row),
        pl.BlockSpec((BLK, F), _row),
        pl.BlockSpec((BLK, 1), _row),
        pl.BlockSpec((F, F), _wmap),
        pl.BlockSpec((F, F), _wmap),
    ],
    out_specs=[
        pl.BlockSpec((BLK, F), _row),
        pl.BlockSpec((BLK, 1), _row),
    ],
    out_shape=[
        jax.ShapeDtypeStruct((NPAD, F), _f32),
        jax.ShapeDtypeStruct((NPAD, 1), _f32),
    ],
)


def _tc_layer2_body(x_ref, p_ref, dinv_ref, ws_ref, wc_ref, wp_ref,
                    h_ref, a_ref):
    agg = p_ref[...] * dinv_ref[...]
    h = jnp.dot(x_ref[...], ws_ref[...], preferred_element_type=_f32)
    h = h + jnp.dot(agg, wc_ref[...], preferred_element_type=_f32)
    h_ref[...] = h
    a_ref[...] = jnp.sum(h * wp_ref[...], axis=1, keepdims=True)


_tc_layer2 = pl.pallas_call(
    _tc_layer2_body,
    grid=(NPAD // BLK,),
    in_specs=[
        pl.BlockSpec((BLK, F), _row),
        pl.BlockSpec((BLK, F), _row),
        pl.BlockSpec((BLK, 1), _row),
        pl.BlockSpec((F, F), _wmap),
        pl.BlockSpec((F, F), _wmap),
        pl.BlockSpec((1, F), _wmap),
    ],
    out_specs=[
        pl.BlockSpec((BLK, F), _row),
        pl.BlockSpec((BLK, 1), _row),
    ],
    out_shape=[
        jax.ShapeDtypeStruct((NPAD, F), _f32),
        jax.ShapeDtypeStruct((NPAD, 1), _f32),
    ],
)


@functools.partial(
    pl.kernel,
    out_type=(
        jax.ShapeDtypeStruct((EPAD,), _f32),
        jax.ShapeDtypeStruct((EPAD,), _f32),
    ),
    mesh=_mesh,
    scratch_types=[
        pltpu.VMEM((NPAD // 128, 128), _f32),
        pltpu.VMEM((NPAD // 128, 128), _f32),
        pltpu.VMEM((16,), _f32),
        pltpu.VMEM((EPW,), jnp.int32),
        pltpu.VMEM((EPW,), jnp.int32),
        pltpu.VMEM((EPW,), _f32),
    ],
    compiler_params=pltpu.CompilerParams(needs_layout_passes=False),
)
def _sc_predict(ad_hbm, bp_hbm, bias_hbm, es_hbm, ed_hbm, ns_hbm, nd_hbm,
                pos_out, neg_out, ad_v, bp_v, bias_v, s_v, d_v, out_v):
    c = lax.axis_index("c")
    s = lax.axis_index("s")
    w = c * NS + s
    e0 = w * EPW
    pltpu.sync_copy(ad_hbm, ad_v)
    pltpu.sync_copy(bp_hbm, bp_v)
    pltpu.sync_copy(bias_hbm, bias_v)
    bias = bias_v[...]

    def run(src_hbm, dst_hbm, out_hbm):
        pltpu.sync_copy(src_hbm.at[pl.ds(e0, EPW)], s_v)
        pltpu.sync_copy(dst_hbm.at[pl.ds(e0, EPW)], d_v)

        @pl.loop(0, EPW // 16)
        def _j(j):
            i_s = s_v[pl.ds(j * 16, 16)]
            i_d = d_v[pl.ds(j * 16, 16)]
            ga = plsc.load_gather(ad_v, [i_s >> 7, i_s & 127])
            gb = plsc.load_gather(bp_v, [i_d >> 7, i_d & 127])
            out_v[pl.ds(j * 16, 16)] = ga + gb + bias

        pltpu.sync_copy(out_v, out_hbm.at[pl.ds(e0, EPW)])

    run(es_hbm, ed_hbm, pos_out)
    run(ns_hbm, nd_hbm, neg_out)


def kernel(x_drug, x_protein, edge_src, edge_dst, neg_src, neg_dst,
           w_sd1, w_sp1, w_dp1, w_pd1, w_sd2, w_sp2, w_dp2, w_pd2,
           w_pred, b_pred):
    xd = jnp.pad(x_drug.astype(_f32), ((0, NPAD - ND), (0, 0)))
    xp = jnp.pad(x_protein.astype(_f32), ((0, NPAD - NP), (0, 0)))

    def pad_e(a):
        a = a.astype(jnp.int32)
        return jnp.concatenate([a, jnp.full((EPAD - E,), ND, jnp.int32)])

    es, ed = pad_e(edge_src), pad_e(edge_dst)
    ns2, nd2 = pad_e(neg_src), pad_e(neg_dst)

    es3 = es.reshape(NS, CPT, CH)
    ed3 = ed.reshape(NS, CPT, CH)
    zrow = jnp.zeros((NPAD, F), _f32)
    iota_r = jnp.arange(NROWS, dtype=jnp.int32)

    aggp1, aggd1, cntp1, cntd1 = _sc_aggregate(xd, xp, es3, ed3, zrow, iota_r)
    h1d, dinv_d = _tc_layer1(xd, aggd1, cntd1.reshape(NPAD, 1), w_sd1, w_pd1)
    h1p, dinv_p = _tc_layer1(xp, aggp1, cntp1.reshape(NPAD, 1), w_sp1, w_dp1)

    aggp2, aggd2, _, _ = _sc_aggregate(h1d, h1p, es3, ed3, zrow, iota_r)
    wp_d = w_pred[:F, 0][None, :]
    wp_p = w_pred[F:, 0][None, :]
    h2d, a_d = _tc_layer2(h1d, aggd2, dinv_d, w_sd2, w_pd2, wp_d)
    h2p, b_p = _tc_layer2(h1p, aggp2, dinv_p, w_sp2, w_dp2, wp_p)

    bias16 = jnp.broadcast_to(b_pred.reshape(1).astype(_f32), (16,))
    ad2 = a_d.reshape(NPAD // 128, 128)
    bp2 = b_p.reshape(NPAD // 128, 128)
    pos, neg = _sc_predict(ad2, bp2, bias16, es, ed, ns2, nd2)

    return (pos[:E][:, None], neg[:E][:, None], h2d[:ND], h2p[:NP])

# --- scband reference (transcript-rebuilt; emitter-appended) ---
"""Pipeline reference for scband-gnn-model-64536178589824 (READ-ONLY COPY).

The authoritative reference and input builder live on the scoring server;
editing this copy changes nothing except your own understanding.
"""

import jax, jax.numpy as jnp
import numpy as np

ND = 5000
NP = 5000
E = 160000
F_IN = 128
F_HID = 128
F_OUT = 128


def setup_inputs(seed: int = 0) -> dict:
    key = jax.random.key(seed)
    ks = jax.random.split(key, 20)
    d = {}
    d['x_drug'] = jax.random.normal(ks[0], (ND, F_IN), dtype=jnp.float32)
    d['x_protein'] = jax.random.normal(ks[1], (NP, F_IN), dtype=jnp.float32)
    d['edge_src'] = jax.random.randint(ks[2], (E,), 0, ND)
    d['edge_dst'] = jax.random.randint(ks[3], (E,), 0, NP)
    d['neg_src'] = jax.random.randint(ks[4], (E,), 0, ND)
    d['neg_dst'] = jax.random.randint(ks[5], (E,), 0, NP)
    s1 = 0.05
    d['w_sd1'] = jax.random.normal(ks[6], (F_IN, F_HID), dtype=jnp.float32) * s1
    d['w_sp1'] = jax.random.normal(ks[7], (F_IN, F_HID), dtype=jnp.float32) * s1
    d['w_dp1'] = jax.random.normal(ks[8], (F_IN, F_HID), dtype=jnp.float32) * s1
    d['w_pd1'] = jax.random.normal(ks[9], (F_IN, F_HID), dtype=jnp.float32) * s1
    d['w_sd2'] = jax.random.normal(ks[10], (F_HID, F_OUT), dtype=jnp.float32) * s1
    d['w_sp2'] = jax.random.normal(ks[11], (F_HID, F_OUT), dtype=jnp.float32) * s1
    d['w_dp2'] = jax.random.normal(ks[12], (F_HID, F_OUT), dtype=jnp.float32) * s1
    d['w_pd2'] = jax.random.normal(ks[13], (F_HID, F_OUT), dtype=jnp.float32) * s1
    d['w_pred'] = jax.random.normal(ks[14], (2 * F_OUT, 1), dtype=jnp.float32) * s1
    d['b_pred'] = jnp.zeros((1,), dtype=jnp.float32)
    return d


def _rgcn_layer(x_d, x_p, w_sd, w_sp, w_dp, w_pd, src, dst, act):
    ones = jnp.ones((src.shape[0],), dtype=jnp.float32)
    deg_p = jax.ops.segment_sum(ones, dst, num_segments=NP)
    deg_d = jax.ops.segment_sum(ones, src, num_segments=ND)
    agg_p = jax.ops.segment_sum(x_d[src], dst, num_segments=NP) / jnp.maximum(deg_p, 1.0)[:, None]
    agg_d = jax.ops.segment_sum(x_p[dst], src, num_segments=ND) / jnp.maximum(deg_d, 1.0)[:, None]
    h_d = x_d @ w_sd + agg_d @ w_pd
    h_p = x_p @ w_sp + agg_p @ w_dp
    if act:
        h_d = jax.nn.relu(h_d)
        h_p = jax.nn.relu(h_p)
    return h_d, h_p


def reference(x_drug, x_protein, edge_src, edge_dst, neg_src, neg_dst,
              w_sd1, w_sp1, w_dp1, w_pd1, w_sd2, w_sp2, w_dp2, w_pd2,
              w_pred, b_pred):
    # Two-layer heterogeneous RGCN over drug/protein bipartite graph
    h_d, h_p = _rgcn_layer(x_drug, x_protein, w_sd1, w_sp1, w_dp1, w_pd1, edge_src, edge_dst, act=True)
    h_d, h_p = _rgcn_layer(h_d, h_p, w_sd2, w_sp2, w_dp2, w_pd2, edge_src, edge_dst, act=False)
    # apply_edges: concat src drug feature with dst protein feature per edge
    pos_h = jnp.concatenate([h_d[edge_src], h_p[edge_dst]], axis=1)
    neg_h = jnp.concatenate([h_d[neg_src], h_p[neg_dst]], axis=1)
    # MLPPredicator(out_features*2, 1)
    pos_pred = pos_h @ w_pred + b_pred
    neg_pred = neg_h @ w_pred + b_pred
    return (pos_pred, neg_pred, h_d, h_p)

if __name__ == "__main__":
    import jax
    _d = setup_inputs()
    print(jax.jit(kernel)(*tuple(_d.values())))

</pallas_src>

<mosaic_0001>
#map = affine_map<(d0, d1) -> (0, 0)>
#map1 = affine_map<(d0, d1) -> (0, 0, 0)>
#map2 = affine_map<(d0, d1) -> (0)>
module attributes {stable_mosaic.version = 14 : i64} {
  func.func @_sc_aggregate(%arg0: i32, %arg1: i32, %arg2: memref<5120x128xf32, #tpu.memory_space<hbm>>, %arg3: memref<5120x128xf32, #tpu.memory_space<hbm>>, %arg4: memref<16x160x64xi32, #tpu.memory_space<hbm>>, %arg5: memref<16x160x64xi32, #tpu.memory_space<hbm>>, %arg6: memref<5120x128xf32, #tpu.memory_space<hbm>>, %arg7: memref<40xi32, #tpu.memory_space<hbm>>, %arg8: memref<5120x128xf32, #tpu.memory_space<hbm>>, %arg9: memref<5120x128xf32, #tpu.memory_space<hbm>>, %arg10: memref<40x128xf32, #tpu.memory_space<hbm>>, %arg11: memref<40x128xf32, #tpu.memory_space<hbm>>, %arg12: memref<5120x128xf32, #tpu.memory_space<vmem_shared>>, %arg13: memref<5120x128xf32, #tpu.memory_space<vmem_shared>>, %arg14: memref<40x128xf32, #tpu.memory_space<vmem_shared>>, %arg15: memref<32x64xi32, #tpu.memory_space<vmem>>, %arg16: memref<32x64xi32, #tpu.memory_space<vmem>>, %arg17: memref<40x128xf32, #tpu.memory_space<vmem>>, %arg18: memref<40xi32, #tpu.memory_space<vmem>>, %arg19: memref<64x128xf32, #tpu.memory_space<vmem>>, %arg20: memref<64x128xf32, #tpu.memory_space<vmem>>, %arg21: memref<!tpu.dma_semaphore, #tpu.memory_space<semaphore_mem>>, %arg22: memref<!tpu.dma_semaphore, #tpu.memory_space<semaphore_mem>>, %arg23: memref<!tpu.dma_semaphore, #tpu.memory_space<semaphore_mem>>, %arg24: memref<!tpu.dma_semaphore, #tpu.memory_space<semaphore_mem>>) attributes {dimension_semantics = [#tpu.dimension_semantics<core_parallel>, #tpu.dimension_semantics<subcore_parallel>], iteration_bounds = array<i64: 2, 16>, scalar_prefetch = 0 : i64, scratch_operands = 13 : i64, tpu.core_type = #tpu.core_type<sc_vector_subcore>, window_params = [{transform_indices = #map}, {transform_indices = #map}, {transform_indices = #map1}, {transform_indices = #map1}, {transform_indices = #map}, {transform_indices = #map2}, {transform_indices = #map}, {transform_indices = #map}, {transform_indices = #map}, {transform_indices = #map}]} {
    %mul3A = arith.constant 320 : i32
    %mul3A_0 = arith.muli %arg1, %mul3A : i32
    "tpu.region"() ({
      %run_scoped3A = tpu.sem_alloc : memref<!tpu.dma_semaphore, #tpu.memory_space<semaphore_mem>>
      %dma_start3A = arith.constant 0 : i32
      %dma_start3A_14 = tpu.memref_slice %arg12[%mul3A_0, %dma_start3A] : memref<5120x128xf32, #tpu.memory_space<vmem_shared>> -> memref<320x128xf32, #tpu.memory_space<vmem_shared>>
      %dma_start3A_15 = arith.constant 0 : i32
      %dma_start3A_16 = tpu.memref_slice %arg6[%mul3A_0, %dma_start3A_15] : memref<5120x128xf32, #tpu.memory_space<hbm>> -> memref<320x128xf32, #tpu.memory_space<hbm>>
      tpu.enqueue_dma source(%dma_start3A_16 : memref<320x128xf32, #tpu.memory_space<hbm>>) target(%dma_start3A_14 : memref<320x128xf32, #tpu.memory_space<vmem_shared>>) target_semaphore(%run_scoped3A : memref<!tpu.dma_semaphore, #tpu.memory_space<semaphore_mem>>)
      %dma_wait3A = arith.constant 0 : i32
      %dma_wait3A_17 = tpu.memref_slice %arg12[%mul3A_0, %dma_wait3A] : memref<5120x128xf32, #tpu.memory_space<vmem_shared>> -> memref<320x128xf32, #tpu.memory_space<vmem_shared>>
      %dma_wait3A_18 = arith.constant 0 : i32
      %dma_wait3A_19 = tpu.memref_slice %arg6[%mul3A_0, %dma_wait3A_18] : memref<5120x128xf32, #tpu.memory_space<hbm>> -> memref<320x128xf32, #tpu.memory_space<hbm>>
      tpu.wait_dma2 semaphore(%run_scoped3A : memref<!tpu.dma_semaphore, #tpu.memory_space<semaphore_mem>>) src(%dma_wait3A_19 : memref<320x128xf32, #tpu.memory_space<hbm>>) dst(%dma_wait3A_17 : memref<320x128xf32, #tpu.memory_space<vmem_shared>>)
      tpu.yield
    }) : () -> ()
    "tpu.region"() ({
      %run_scoped3A = tpu.sem_alloc : memref<!tpu.dma_semaphore, #tpu.memory_space<semaphore_mem>>
      %dma_start3A = arith.constant 0 : i32
      %dma_start3A_14 = arith.constant 0 : i32
      %dma_start3A_15 = tpu.memref_slice %arg6[%dma_start3A, %dma_start3A_14] : memref<5120x128xf32, #tpu.memory_space<hbm>> -> memref<40x128xf32, #tpu.memory_space<hbm>>
      %dma_start3A_16 = arith.constant 0 : i32
      %dma_start3A_17 = arith.constant 0 : i32
      %dma_start3A_18 = tpu.memref_slice %arg6[%dma_start3A_16, %dma_start3A_17] : memref<5120x128xf32, #tpu.memory_space<hbm>> -> memref<40x128xf32, #tpu.memory_space<hbm>>
      tpu.enqueue_dma source(%dma_start3A_18 : memref<40x128xf32, #tpu.memory_space<hbm>>) target(%arg17 : memref<40x128xf32, #tpu.memory_space<vmem>>) target_semaphore(%run_scoped3A : memref<!tpu.dma_semaphore, #tpu.memory_space<semaphore_mem>>)
      %dma_wait3A = arith.constant 0 : i32
      %dma_wait3A_19 = arith.constant 0 : i32
      %dma_wait3A_20 = tpu.memref_slice %arg6[%dma_wait3A, %dma_wait3A_19] : memref<5120x128xf32, #tpu.memory_space<hbm>> -> memref<40x128xf32, #tpu.memory_space<hbm>>
      %dma_wait3A_21 = arith.constant 0 : i32
      %dma_wait3A_22 = arith.constant 0 : i32
      %dma_wait3A_23 = tpu.memref_slice %arg6[%dma_wait3A_21, %dma_wait3A_22] : memref<5120x128xf32, #tpu.memory_space<hbm>> -> memref<40x128xf32, #tpu.memory_space<hbm>>
      tpu.wait_dma2 semaphore(%run_scoped3A : memref<!tpu.dma_semaphore, #tpu.memory_space<semaphore_mem>>) src(%dma_wait3A_23 : memref<40x128xf32, #tpu.memory_space<hbm>>) dst(%arg17 : memref<40x128xf32, #tpu.memory_space<vmem>>)
      tpu.yield
    }) : () -> ()
    "tpu.region"() ({
      %run_scoped3A = tpu.sem_alloc : memref<!tpu.dma_semaphore, #tpu.memory_space<semaphore_mem>>
      tpu.enqueue_dma source(%arg7 : memref<40xi32, #tpu.memory_space<hbm>>) target(%arg18 : memref<40xi32, #tpu.memory_space<vmem>>) target_semaphore(%run_scoped3A : memref<!tpu.dma_semaphore, #tpu.memory_space<semaphore_mem>>)
      tpu.wait_dma2 semaphore(%run_scoped3A : memref<!tpu.dma_semaphore, #tpu.memory_space<semaphore_mem>>) src(%arg7 : memref<40xi32, #tpu.memory_space<hbm>>) dst(%arg18 : memref<40xi32, #tpu.memory_space<vmem>>)
      tpu.yield
    }) : () -> ()
    %eq3A = arith.constant 0 : i32
    %eq3A_1 = arith.cmpi eq, %arg1, %eq3A : i32
    %convert_element_type3A = arith.extui %eq3A_1 : i1 to i32
    %cond3A = arith.constant 0 : i32
    %cond3A_2 = arith.cmpi ne, %convert_element_type3A, %cond3A : i32
    scf.if %cond3A_2 {
      "tpu.region"() ({
        %run_scoped3A = tpu.sem_alloc : memref<!tpu.dma_semaphore, #tpu.memory_space<semaphore_mem>>
        %dma_start3A = arith.constant 0 : i32
        %dma_start3A_14 = arith.constant 0 : i32
        %dma_start3A_15 = tpu.memref_slice %arg6[%dma_start3A, %dma_start3A_14] : memref<5120x128xf32, #tpu.memory_space<hbm>> -> memref<40x128xf32, #tpu.memory_space<hbm>>
        tpu.enqueue_dma source(%dma_start3A_15 : memref<40x128xf32, #tpu.memory_space<hbm>>) target(%arg14 : memref<40x128xf32, #tpu.memory_space<vmem_shared>>) target_semaphore(%run_scoped3A : memref<!tpu.dma_semaphore, #tpu.memory_space<semaphore_mem>>)
        %dma_wait3A = arith.constant 0 : i32
        %dma_wait3A_16 = arith.constant 0 : i32
        %dma_wait3A_17 = tpu.memref_slice %arg6[%dma_wait3A, %dma_wait3A_16] : memref<5120x128xf32, #tpu.memory_space<hbm>> -> memref<40x128xf32, #tpu.memory_space<hbm>>
        tpu.wait_dma2 semaphore(%run_scoped3A : memref<!tpu.dma_semaphore, #tpu.memory_space<semaphore_mem>>) src(%dma_wait3A_17 : memref<40x128xf32, #tpu.memory_space<hbm>>) dst(%arg14 : memref<40x128xf32, #tpu.memory_space<vmem_shared>>)
        tpu.yield
      }) : () -> ()
    } else {
    }
    %broadcast_in_dim3A = arith.constant 1.000000e+00 : f32
    %broadcast_in_dim3A_3 = vector.broadcast %broadcast_in_dim3A : f32 to vector<16xf32>
    %eq3A_4 = arith.constant 0 : i32
    %eq3A_5 = arith.cmpi eq, %arg0, %eq3A_4 : i32
    %convert_element_type3A_6 = arith.extui %eq3A_5 : i1 to i32
    %cond3A_7 = arith.constant 0 : i32
    %cond3A_8 = arith.cmpi ne, %convert_element_type3A_6, %cond3A_7 : i32
    scf.if %cond3A_8 {
      "tpu.region"() ({
        %run_scoped3A = tpu.sem_alloc : memref<!tpu.dma_semaphore, #tpu.memory_space<semaphore_mem>>
        %dma_start3A = arith.constant 0 : i32
        %dma_start3A_24 = tpu.memref_slice %arg13[%mul3A_0, %dma_start3A] : memref<5120x128xf32, #tpu.memory_space<vmem_shared>> -> memref<320x128xf32, #tpu.memory_space<vmem_shared>>
        %dma_start3A_25 = arith.constant 0 : i32
        %dma_start3A_26 = tpu.memref_slice %arg2[%mul3A_0, %dma_start3A_25] : memref<5120x128xf32, #tpu.memory_space<hbm>> -> memref<320x128xf32, #tpu.memory_space<hbm>>
        tpu.enqueue_dma source(%dma_start3A_26 : memref<320x128xf32, #tpu.memory_space<hbm>>) target(%dma_start3A_24 : memref<320x128xf32, #tpu.memory_space<vmem_shared>>) target_semaphore(%run_scoped3A : memref<!tpu.dma_semaphore, #tpu.memory_space<semaphore_mem>>)
        %dma_wait3A = arith.constant 0 : i32
        %dma_wait3A_27 = tpu.memref_slice %arg13[%mul3A_0, %dma_wait3A] : memref<5120x128xf32, #tpu.memory_space<vmem_shared>> -> memref<320x128xf32, #tpu.memory_space<vmem_shared>>
        %dma_wait3A_28 = arith.constant 0 : i32
        %dma_wait3A_29 = tpu.memref_slice %arg2[%mul3A_0, %dma_wait3A_28] : memref<5120x128xf32, #tpu.memory_space<hbm>> -> memref<320x128xf32, #tpu.memory_space<hbm>>
        tpu.wait_dma2 semaphore(%run_scoped3A : memref<!tpu.dma_semaphore, #tpu.memory_space<semaphore_mem>>) src(%dma_wait3A_29 : memref<320x128xf32, #tpu.memory_space<hbm>>) dst(%dma_wait3A_27 : memref<320x128xf32, #tpu.memory_space<vmem_shared>>)
        tpu.yield
      }) : () -> ()
      %barrier3A = arith.constant 0 : index
      tpu.barrier barrier_id(%barrier3A)
      %scan3A = arith.constant 0 : i32
      %scan3A_14 = arith.constant 5 : i32
      %scan3A_15 = arith.addi %scan3A, %scan3A_14 : i32
      %scan3A_16 = arith.constant 1 : i32
      scf.for %scan3A_24 = %scan3A to %scan3A_15 step %scan3A_16  : i32 {
        %mul3A_25 = arith.constant 1 : i32
        %mul3A_26 = arith.muli %scan3A_24, %mul3A_25 : i32
        %add3A = arith.constant 0 : i32
        %add3A_27 = arith.addi %add3A, %mul3A_26 : i32
        %mul3A_28 = arith.constant 32 : i32
        %mul3A_29 = arith.muli %add3A_27, %mul3A_28 : i32
        "tpu.region"() ({
          %run_scoped3A = tpu.sem_alloc : memref<!tpu.dma_semaphore, #tpu.memory_space<semaphore_mem>>
          %dma_start3A_63 = arith.constant 0 : i32
          %dma_start3A_64 = tpu.memref_slice %arg4[%arg1, %mul3A_29, %dma_start3A_63] : memref<16x160x64xi32, #tpu.memory_space<hbm>> -> memref<1x32x64xi32, #tpu.memory_space<hbm>>
          %dma_start3A_65 = tpu.memref_squeeze %dma_start3A_64 : memref<1x32x64xi32, #tpu.memory_space<hbm>> -> memref<32x64xi32, #tpu.memory_space<hbm>>
          %dma_start3A_66 = arith.constant 0 : i32
          %dma_start3A_67 = tpu.memref_slice %arg4[%arg1, %mul3A_29, %dma_start3A_66] : memref<16x160x64xi32, #tpu.memory_space<hbm>> -> memref<1x32x64xi32, #tpu.memory_space<hbm>>
          %dma_start3A_68 = tpu.memref_squeeze %dma_start3A_67 : memref<1x32x64xi32, #tpu.memory_space<hbm>> -> memref<32x64xi32, #tpu.memory_space<hbm>>
          tpu.enqueue_dma source(%dma_start3A_68 : memref<32x64xi32, #tpu.memory_space<hbm>>) target(%arg15 : memref<32x64xi32, #tpu.memory_space<vmem>>) target_semaphore(%run_scoped3A : memref<!tpu.dma_semaphore, #tpu.memory_space<semaphore_mem>>)
          %dma_wait3A_69 = arith.constant 0 : i32
          %dma_wait3A_70 = tpu.memref_slice %arg4[%arg1, %mul3A_29, %dma_wait3A_69] : memref<16x160x64xi32, #tpu.memory_space<hbm>> -> memref<1x32x64xi32, #tpu.memory_space<hbm>>
          %dma_wait3A_71 = tpu.memref_squeeze %dma_wait3A_70 : memref<1x32x64xi32, #tpu.memory_space<hbm>> -> memref<32x64xi32, #tpu.memory_space<hbm>>
          %dma_wait3A_72 = arith.constant 0 : i32
          %dma_wait3A_73 = tpu.memref_slice %arg4[%arg1, %mul3A_29, %dma_wait3A_72] : memref<16x160x64xi32, #tpu.memory_space<hbm>> -> memref<1x32x64xi32, #tpu.memory_space<hbm>>
          %dma_wait3A_74 = tpu.memref_squeeze %dma_wait3A_73 : memref<1x32x64xi32, #tpu.memory_space<hbm>> -> memref<32x64xi32, #tpu.memory_space<hbm>>
          tpu.wait_dma2 semaphore(%run_scoped3A : memref<!tpu.dma_semaphore, #tpu.memory_space<semaphore_mem>>) src(%dma_wait3A_74 : memref<32x64xi32, #tpu.memory_space<hbm>>) dst(%arg15 : memref<32x64xi32, #tpu.memory_space<vmem>>)
          tpu.yield
        }) : () -> ()
        %mul3A_30 = arith.constant 32 : i32
        %mul3A_31 = arith.muli %add3A_27, %mul3A_30 : i32
        "tpu.region"() ({
          %run_scoped3A = tpu.sem_alloc : memref<!tpu.dma_semaphore, #tpu.memory_space<semaphore_mem>>
          %dma_start3A_63 = arith.constant 0 : i32
          %dma_start3A_64 = tpu.memref_slice %arg5[%arg1, %mul3A_31, %dma_start3A_63] : memref<16x160x64xi32, #tpu.memory_space<hbm>> -> memref<1x32x64xi32, #tpu.memory_space<hbm>>
          %dma_start3A_65 = tpu.memref_squeeze %dma_start3A_64 : memref<1x32x64xi32, #tpu.memory_space<hbm>> -> memref<32x64xi32, #tpu.memory_space<hbm>>
          %dma_start3A_66 = arith.constant 0 : i32
          %dma_start3A_67 = tpu.memref_slice %arg5[%arg1, %mul3A_31, %dma_start3A_66] : memref<16x160x64xi32, #tpu.memory_space<hbm>> -> memref<1x32x64xi32, #tpu.memory_space<hbm>>
          %dma_start3A_68 = tpu.memref_squeeze %dma_start3A_67 : memref<1x32x64xi32, #tpu.memory_space<hbm>> -> memref<32x64xi32, #tpu.memory_space<hbm>>
          tpu.enqueue_dma source(%dma_start3A_68 : memref<32x64xi32, #tpu.memory_space<hbm>>) target(%arg16 : memref<32x64xi32, #tpu.memory_space<vmem>>) target_semaphore(%run_scoped3A : memref<!tpu.dma_semaphore, #tpu.memory_space<semaphore_mem>>)
          %dma_wait3A_69 = arith.constant 0 : i32
          %dma_wait3A_70 = tpu.memref_slice %arg5[%arg1, %mul3A_31, %dma_wait3A_69] : memref<16x160x64xi32, #tpu.memory_space<hbm>> -> memref<1x32x64xi32, #tpu.memory_space<hbm>>
          %dma_wait3A_71 = tpu.memref_squeeze %dma_wait3A_70 : memref<1x32x64xi32, #tpu.memory_space<hbm>> -> memref<32x64xi32, #tpu.memory_space<hbm>>
          %dma_wait3A_72 = arith.constant 0 : i32
          %dma_wait3A_73 = tpu.memref_slice %arg5[%arg1, %mul3A_31, %dma_wait3A_72] : memref<16x160x64xi32, #tpu.memory_space<hbm>> -> memref<1x32x64xi32, #tpu.memory_space<hbm>>
          %dma_wait3A_74 = tpu.memref_squeeze %dma_wait3A_73 : memref<1x32x64xi32, #tpu.memory_space<hbm>> -> memref<32x64xi32, #tpu.memory_space<hbm>>
          tpu.wait_dma2 semaphore(%run_scoped3A : memref<!tpu.dma_semaphore, #tpu.memory_space<semaphore_mem>>) src(%dma_wait3A_74 : memref<32x64xi32, #tpu.memory_space<hbm>>) dst(%arg16 : memref<32x64xi32, #tpu.memory_space<vmem>>)
          tpu.yield
        }) : () -> ()
        %dma_start3A = arith.constant 0 : i32
        %dma_start3A_32 = arith.constant 0 : i32
        %dma_start3A_33 = tpu.memref_slice %arg15[%dma_start3A, %dma_start3A_32] : memref<32x64xi32, #tpu.memory_space<vmem>> -> memref<1x64xi32, #tpu.memory_space<vmem>>
        %dma_start3A_34 = tpu.memref_squeeze %dma_start3A_33 : memref<1x64xi32, #tpu.memory_space<vmem>> -> memref<64xi32, #tpu.memory_space<vmem>>
        %dma_start3A_35 = arith.constant 0 : i32
        %dma_start3A_36 = arith.constant 0 : i32
        %dma_start3A_37 = tpu.memref_slice %arg13[%dma_start3A_35, %dma_start3A_36] : memref<5120x128xf32, #tpu.memory_space<vmem_shared>> -> memref<5120x128xf32, #tpu.memory_space<vmem_shared>>
        tpu.enqueue_indirect_dma source(%dma_start3A_37 : memref<5120x128xf32, #tpu.memory_space<vmem_shared>>) target(%arg19 : memref<64x128xf32, #tpu.memory_space<vmem>>) offsets(%dma_start3A_34 : memref<64xi32, #tpu.memory_space<vmem>>) semaphore(%arg21 : memref<!tpu.dma_semaphore, #tpu.memory_space<semaphore_mem>>)
        %dma_start3A_38 = arith.constant 1 : i32
        %dma_start3A_39 = arith.constant 0 : i32
        %dma_start3A_40 = tpu.memref_slice %arg15[%dma_start3A_38, %dma_start3A_39] : memref<32x64xi32, #tpu.memory_space<vmem>> -> memref<1x64xi32, #tpu.memory_space<vmem>>
        %dma_start3A_41 = tpu.memref_squeeze %dma_start3A_40 : memref<1x64xi32, #tpu.memory_space<vmem>> -> memref<64xi32, #tpu.memory_space<vmem>>
        %dma_start3A_42 = arith.constant 0 : i32
        %dma_start3A_43 = arith.constant 0 : i32
        %dma_start3A_44 = tpu.memref_slice %arg13[%dma_start3A_42, %dma_start3A_43] : memref<5120x128xf32, #tpu.memory_space<vmem_shared>> -> memref<5120x128xf32, #tpu.memory_space<vmem_shared>>
        tpu.enqueue_indirect_dma source(%dma_start3A_44 : memref<5120x128xf32, #tpu.memory_space<vmem_shared>>) target(%arg20 : memref<64x128xf32, #tpu.memory_space<vmem>>) offsets(%dma_start3A_41 : memref<64xi32, #tpu.memory_space<vmem>>) semaphore(%arg22 : memref<!tpu.dma_semaphore, #tpu.memory_space<semaphore_mem>>)
        %scan3A_45 = arith.constant 0 : i32
        %scan3A_46 = arith.constant 16 : i32
        %scan3A_47 = arith.addi %scan3A_45, %scan3A_46 : i32
        %scan3A_48 = arith.constant 1 : i32
        scf.for %scan3A_63 = %scan3A_45 to %scan3A_47 step %scan3A_48  : i32 {
          %mul3A_64 = arith.constant 1 : i32
          %mul3A_65 = arith.muli %scan3A_63, %mul3A_64 : i32
          %add3A_66 = arith.constant 0 : i32
          %add3A_67 = arith.addi %add3A_66, %mul3A_65 : i32
          %mul3A_68 = arith.constant 2 : i32
          %mul3A_69 = arith.muli %add3A_67, %mul3A_68 : i32
          %add3A_70 = arith.constant 0 : i32
          %add3A_71 = arith.addi %mul3A_69, %add3A_70 : i32
          %dma_wait3A_72 = arith.constant 0 : i32
          %dma_wait3A_73 = tpu.memref_slice %arg15[%add3A_71, %dma_wait3A_72] : memref<32x64xi32, #tpu.memory_space<vmem>> -> memref<1x64xi32, #tpu.memory_space<vmem>>
          %dma_wait3A_74 = tpu.memref_squeeze %dma_wait3A_73 : memref<1x64xi32, #tpu.memory_space<vmem>> -> memref<64xi32, #tpu.memory_space<vmem>>
          %dma_wait3A_75 = arith.constant 0 : i32
          %dma_wait3A_76 = arith.constant 0 : i32
          %dma_wait3A_77 = tpu.memref_slice %arg13[%dma_wait3A_75, %dma_wait3A_76] : memref<5120x128xf32, #tpu.memory_space<vmem_shared>> -> memref<5120x128xf32, #tpu.memory_space<vmem_shared>>
          tpu.wait_indirect_dma semaphore(%arg21 : memref<!tpu.dma_semaphore, #tpu.memory_space<semaphore_mem>>) src(%dma_wait3A_77 : memref<5120x128xf32, #tpu.memory_space<vmem_shared>>) dst(%arg19 : memref<64x128xf32, #tpu.memory_space<vmem>>)
          %dma_start3A_78 = arith.constant 0 : i32
          %dma_start3A_79 = tpu.memref_slice %arg16[%add3A_71, %dma_start3A_78] : memref<32x64xi32, #tpu.memory_space<vmem>> -> memref<1x64xi32, #tpu.memory_space<vmem>>
          %dma_start3A_80 = tpu.memref_squeeze %dma_start3A_79 : memref<1x64xi32, #tpu.memory_space<vmem>> -> memref<64xi32, #tpu.memory_space<vmem>>
          %dma_start3A_81 = arith.constant 0 : i32
          %dma_start3A_82 = arith.constant 0 : i32
          %dma_start3A_83 = tpu.memref_slice %arg12[%dma_start3A_81, %dma_start3A_82] : memref<5120x128xf32, #tpu.memory_space<vmem_shared>> -> memref<5120x128xf32, #tpu.memory_space<vmem_shared>>
          tpu.enqueue_indirect_dma source(%arg19 : memref<64x128xf32, #tpu.memory_space<vmem>>) target(%dma_start3A_83 : memref<5120x128xf32, #tpu.memory_space<vmem_shared>>) offsets(%dma_start3A_80 : memref<64xi32, #tpu.memory_space<vmem>>) semaphore(%arg23 : memref<!tpu.dma_semaphore, #tpu.memory_space<semaphore_mem>>) {add = true}
          %scan3A_84 = arith.constant 0 : i32
          %scan3A_85 = arith.constant 4 : i32
          %scan3A_86 = arith.addi %scan3A_84, %scan3A_85 : i32
          %scan3A_87 = arith.constant 1 : i32
          scf.for %scan3A_114 = %scan3A_84 to %scan3A_86 step %scan3A_87  : i32 {
            %mul3A_115 = arith.constant 1 : i32
            %mul3A_116 = arith.muli %scan3A_114, %mul3A_115 : i32
            %add3A_117 = arith.constant 0 : i32
            %add3A_118 = arith.addi %add3A_117, %mul3A_116 : i32
            %mul3A_119 = arith.constant 16 : i32
            %mul3A_120 = arith.muli %add3A_118, %mul3A_119 : i32
            %get3A = arith.index_cast %add3A_71 : i32 to index
            %get3A_121 = arith.index_cast %mul3A_120 : i32 to index
            %get3A_122 = tpu.vector_load %arg16[%get3A, %get3A_121] {strides = array<i32>} : memref<32x64xi32, #tpu.memory_space<vmem>>, vector<16xi32>,
            %shift_right_arithmetic3A = arith.constant 7 : i32
            %shift_right_arithmetic3A_123 = vector.broadcast %shift_right_arithmetic3A : i32 to vector<16xi32>
            %shift_right_arithmetic3A_124 = arith.shrsi %get3A_122, %shift_right_arithmetic3A_123 : vector<16xi32>
            %and3A = arith.constant 127 : i32
            %and3A_125 = vector.broadcast %and3A : i32 to vector<16xi32>
            %and3A_126 = arith.andi %get3A_122, %and3A_125 : vector<16xi32>
            tpu.vector_store_idx %arg17[%shift_right_arithmetic3A_124, %and3A_126], %broadcast_in_dim3A_3 {add = true} : memref<40x128xf32, #tpu.memory_space<vmem>>[vector<16xi32>, vector<16xi32>], vector<16xf32>,
          }
          %scan3A_88 = arith.constant 4 : i32
          %mul3A_89 = arith.constant 2 : i32
          %mul3A_90 = arith.muli %add3A_67, %mul3A_89 : i32
          %add3A_91 = arith.constant 1 : i32
          %add3A_92 = arith.addi %mul3A_90, %add3A_91 : i32
          %dma_wait3A_93 = arith.constant 0 : i32
          %dma_wait3A_94 = tpu.memref_slice %arg15[%add3A_92, %dma_wait3A_93] : memref<32x64xi32, #tpu.memory_space<vmem>> -> memref<1x64xi32, #tpu.memory_space<vmem>>
          %dma_wait3A_95 = tpu.memref_squeeze %dma_wait3A_94 : memref<1x64xi32, #tpu.memory_space<vmem>> -> memref<64xi32, #tpu.memory_space<vmem>>
          %dma_wait3A_96 = arith.constant 0 : i32
          %dma_wait3A_97 = arith.constant 0 : i32
          %dma_wait3A_98 = tpu.memref_slice %arg13[%dma_wait3A_96, %dma_wait3A_97] : memref<5120x128xf32, #tpu.memory_space<vmem_shared>> -> memref<5120x128xf32, #tpu.memory_space<vmem_shared>>
          tpu.wait_indirect_dma semaphore(%arg22 : memref<!tpu.dma_semaphore, #tpu.memory_space<semaphore_mem>>) src(%dma_wait3A_98 : memref<5120x128xf32, #tpu.memory_space<vmem_shared>>) dst(%arg20 : memref<64x128xf32, #tpu.memory_space<vmem>>)
          %dma_start3A_99 = arith.constant 0 : i32
          %dma_start3A_100 = tpu.memref_slice %arg16[%add3A_92, %dma_start3A_99] : memref<32x64xi32, #tpu.memory_space<vmem>> -> memref<1x64xi32, #tpu.memory_space<vmem>>
          %dma_start3A_101 = tpu.memref_squeeze %dma_start3A_100 : memref<1x64xi32, #tpu.memory_space<vmem>> -> memref<64xi32, #tpu.memory_space<vmem>>
          %dma_start3A_102 = arith.constant 0 : i32
          %dma_start3A_103 = arith.constant 0 : i32
          %dma_start3A_104 = tpu.memref_slice %arg12[%dma_start3A_102, %dma_start3A_103] : memref<5120x128xf32, #tpu.memory_space<vmem_shared>> -> memref<5120x128xf32, #tpu.memory_space<vmem_shared>>
          tpu.enqueue_indirect_dma source(%arg20 : memref<64x128xf32, #tpu.memory_space<vmem>>) target(%dma_start3A_104 : memref<5120x128xf32, #tpu.memory_space<vmem_shared>>) offsets(%dma_start3A_101 : memref<64xi32, #tpu.memory_space<vmem>>) semaphore(%arg24 : memref<!tpu.dma_semaphore, #tpu.memory_space<semaphore_mem>>) {add = true}
          %scan3A_105 = arith.constant 0 : i32
          %scan3A_106 = arith.constant 4 : i32
          %scan3A_107 = arith.addi %scan3A_105, %scan3A_106 : i32
          %scan3A_108 = arith.constant 1 : i32
          scf.for %scan3A_114 = %scan3A_105 to %scan3A_107 step %scan3A_108  : i32 {
            %mul3A_115 = arith.constant 1 : i32
            %mul3A_116 = arith.muli %scan3A_114, %mul3A_115 : i32
            %add3A_117 = arith.constant 0 : i32
            %add3A_118 = arith.addi %add3A_117, %mul3A_116 : i32
            %mul3A_119 = arith.constant 16 : i32
            %mul3A_120 = arith.muli %add3A_118, %mul3A_119 : i32
            %get3A = arith.index_cast %add3A_92 : i32 to index
            %get3A_121 = arith.index_cast %mul3A_120 : i32 to index
            %get3A_122 = tpu.vector_load %arg16[%get3A, %get3A_121] {strides = array<i32>} : memref<32x64xi32, #tpu.memory_space<vmem>>, vector<16xi32>,
            %shift_right_arithmetic3A = arith.constant 7 : i32
            %shift_right_arithmetic3A_123 = vector.broadcast %shift_right_arithmetic3A : i32 to vector<16xi32>
            %shift_right_arithmetic3A_124 = arith.shrsi %get3A_122, %shift_right_arithmetic3A_123 : vector<16xi32>
            %and3A = arith.constant 127 : i32
            %and3A_125 = vector.broadcast %and3A : i32 to vector<16xi32>
            %and3A_126 = arith.andi %get3A_122, %and3A_125 : vector<16xi32>
            tpu.vector_store_idx %arg17[%shift_right_arithmetic3A_124, %and3A_126], %broadcast_in_dim3A_3 {add = true} : memref<40x128xf32, #tpu.memory_space<vmem>>[vector<16xi32>, vector<16xi32>], vector<16xf32>,
          }
          %scan3A_109 = arith.constant 4 : i32
          %lt3A = arith.constant 15 : i32
          %lt3A_110 = arith.cmpi slt, %add3A_67, %lt3A : i32
          %convert_element_type3A_111 = arith.extui %lt3A_110 : i1 to i32
          %cond3A_112 = arith.constant 0 : i32
          %cond3A_113 = arith.cmpi ne, %convert_element_type3A_111, %cond3A_112 : i32
          scf.if %cond3A_113 {
            %mul3A_114 = arith.constant 2 : i32
            %mul3A_115 = arith.muli %add3A_67, %mul3A_114 : i32
            %add3A_116 = arith.constant 0 : i32
            %add3A_117 = arith.addi %mul3A_115, %add3A_116 : i32
            %dma_wait3A_118 = arith.constant 0 : i32
            %dma_wait3A_119 = tpu.memref_slice %arg16[%add3A_117, %dma_wait3A_118] : memref<32x64xi32, #tpu.memory_space<vmem>> -> memref<1x64xi32, #tpu.memory_space<vmem>>
            %dma_wait3A_120 = tpu.memref_squeeze %dma_wait3A_119 : memref<1x64xi32, #tpu.memory_space<vmem>> -> memref<64xi32, #tpu.memory_space<vmem>>
            %dma_wait3A_121 = arith.constant 0 : i32
            %dma_wait3A_122 = arith.constant 0 : i32
            %dma_wait3A_123 = tpu.memref_slice %arg12[%dma_wait3A_121, %dma_wait3A_122] : memref<5120x128xf32, #tpu.memory_space<vmem_shared>> -> memref<5120x128xf32, #tpu.memory_space<vmem_shared>>
            tpu.wait_indirect_dma semaphore(%arg23 : memref<!tpu.dma_semaphore, #tpu.memory_space<semaphore_mem>>) src(%arg19 : memref<64x128xf32, #tpu.memory_space<vmem>>) dst(%dma_wait3A_123 : memref<5120x128xf32, #tpu.memory_space<vmem_shared>>)
            %add3A_124 = arith.constant 1 : i32
            %add3A_125 = arith.addi %add3A_67, %add3A_124 : i32
            %mul3A_126 = arith.constant 2 : i32
            %mul3A_127 = arith.muli %add3A_125, %mul3A_126 : i32
            %add3A_128 = arith.constant 0 : i32
            %add3A_129 = arith.addi %mul3A_127, %add3A_128 : i32
            %dma_start3A_130 = arith.constant 0 : i32
            %dma_start3A_131 = tpu.memref_slice %arg15[%add3A_129, %dma_start3A_130] : memref<32x64xi32, #tpu.memory_space<vmem>> -> memref<1x64xi32, #tpu.memory_space<vmem>>
            %dma_start3A_132 = tpu.memref_squeeze %dma_start3A_131 : memref<1x64xi32, #tpu.memory_space<vmem>> -> memref<64xi32, #tpu.memory_space<vmem>>
            %dma_start3A_133 = arith.constant 0 : i32
            %dma_start3A_134 = arith.constant 0 : i32
            %dma_start3A_135 = tpu.memref_slice %arg13[%dma_start3A_133, %dma_start3A_134] : memref<5120x128xf32, #tpu.memory_space<vmem_shared>> -> memref<5120x128xf32, #tpu.memory_space<vmem_shared>>
            tpu.enqueue_indirect_dma source(%dma_start3A_135 : memref<5120x128xf32, #tpu.memory_space<vmem_shared>>) target(%arg19 : memref<64x128xf32, #tpu.memory_space<vmem>>) offsets(%dma_start3A_132 : memref<64xi32, #tpu.memory_space<vmem>>) semaphore(%arg21 : memref<!tpu.dma_semaphore, #tpu.memory_space<semaphore_mem>>)
            %mul3A_136 = arith.constant 2 : i32
            %mul3A_137 = arith.muli %add3A_67, %mul3A_136 : i32
            %add3A_138 = arith.constant 1 : i32
            %add3A_139 = arith.addi %mul3A_137, %add3A_138 : i32
            %dma_wait3A_140 = arith.constant 0 : i32
            %dma_wait3A_141 = tpu.memref_slice %arg16[%add3A_139, %dma_wait3A_140] : memref<32x64xi32, #tpu.memory_space<vmem>> -> memref<1x64xi32, #tpu.memory_space<vmem>>
            %dma_wait3A_142 = tpu.memref_squeeze %dma_wait3A_141 : memref<1x64xi32, #tpu.memory_space<vmem>> -> memref<64xi32, #tpu.memory_space<vmem>>
            %dma_wait3A_143 = arith.constant 0 : i32
            %dma_wait3A_144 = arith.constant 0 : i32
            %dma_wait3A_145 = tpu.memref_slice %arg12[%dma_wait3A_143, %dma_wait3A_144] : memref<5120x128xf32, #tpu.memory_space<vmem_shared>> -> memref<5120x128xf32, #tpu.memory_space<vmem_shared>>
            tpu.wait_indirect_dma semaphore(%arg24 : memref<!tpu.dma_semaphore, #tpu.memory_space<semaphore_mem>>) src(%arg20 : memref<64x128xf32, #tpu.memory_space<vmem>>) dst(%dma_wait3A_145 : memref<5120x128xf32, #tpu.memory_space<vmem_shared>>)
            %add3A_146 = arith.constant 1 : i32
            %add3A_147 = arith.addi %add3A_67, %add3A_146 : i32
            %mul3A_148 = arith.constant 2 : i32
            %mul3A_149 = arith.muli %add3A_147, %mul3A_148 : i32
            %add3A_150 = arith.constant 1 : i32
            %add3A_151 = arith.addi %mul3A_149, %add3A_150 : i32
            %dma_start3A_152 = arith.constant 0 : i32
            %dma_start3A_153 = tpu.memref_slice %arg15[%add3A_151, %dma_start3A_152] : memref<32x64xi32, #tpu.memory_space<vmem>> -> memref<1x64xi32, #tpu.memory_space<vmem>>
            %dma_start3A_154 = tpu.memref_squeeze %dma_start3A_153 : memref<1x64xi32, #tpu.memory_space<vmem>> -> memref<64xi32, #tpu.memory_space<vmem>>
            %dma_start3A_155 = arith.constant 0 : i32
            %dma_start3A_156 = arith.constant 0 : i32
            %dma_start3A_157 = tpu.memref_slice %arg13[%dma_start3A_155, %dma_start3A_156] : memref<5120x128xf32, #tpu.memory_space<vmem_shared>> -> memref<5120x128xf32, #tpu.memory_space<vmem_shared>>
            tpu.enqueue_indirect_dma source(%dma_start3A_157 : memref<5120x128xf32, #tpu.memory_space<vmem_shared>>) target(%arg20 : memref<64x128xf32, #tpu.memory_space<vmem>>) offsets(%dma_start3A_154 : memref<64xi32, #tpu.memory_space<vmem>>) semaphore(%arg22 : memref<!tpu.dma_semaphore, #tpu.memory_space<semaphore_mem>>)
          } else {
          }
        }
        %scan3A_49 = arith.constant 16 : i32
        %dma_wait3A = arith.constant 30 : i32
        %dma_wait3A_50 = arith.constant 0 : i32
        %dma_wait3A_51 = tpu.memref_slice %arg16[%dma_wait3A, %dma_wait3A_50] : memref<32x64xi32, #tpu.memory_space<vmem>> -> memref<1x64xi32, #tpu.memory_space<vmem>>
        %dma_wait3A_52 = tpu.memref_squeeze %dma_wait3A_51 : memref<1x64xi32, #tpu.memory_space<vmem>> -> memref<64xi32, #tpu.memory_space<vmem>>
        %dma_wait3A_53 = arith.constant 0 : i32
        %dma_wait3A_54 = arith.constant 0 : i32
        %dma_wait3A_55 = tpu.memref_slice %arg12[%dma_wait3A_53, %dma_wait3A_54] : memref<5120x128xf32, #tpu.memory_space<vmem_shared>> -> memref<5120x128xf32, #tpu.memory_space<vmem_shared>>
        tpu.wait_indirect_dma semaphore(%arg23 : memref<!tpu.dma_semaphore, #tpu.memory_space<semaphore_mem>>) src(%arg19 : memref<64x128xf32, #tpu.memory_space<vmem>>) dst(%dma_wait3A_55 : memref<5120x128xf32, #tpu.memory_space<vmem_shared>>)
        %dma_wait3A_56 = arith.constant 31 : i32
        %dma_wait3A_57 = arith.constant 0 : i32
        %dma_wait3A_58 = tpu.memref_slice %arg16[%dma_wait3A_56, %dma_wait3A_57] : memref<32x64xi32, #tpu.memory_space<vmem>> -> memref<1x64xi32, #tpu.memory_space<vmem>>
        %dma_wait3A_59 = tpu.memref_squeeze %dma_wait3A_58 : memref<1x64xi32, #tpu.memory_space<vmem>> -> memref<64xi32, #tpu.memory_space<vmem>>
        %dma_wait3A_60 = arith.constant 0 : i32
        %dma_wait3A_61 = arith.constant 0 : i32
        %dma_wait3A_62 = tpu.memref_slice %arg12[%dma_wait3A_60, %dma_wait3A_61] : memref<5120x128xf32, #tpu.memory_space<vmem_shared>> -> memref<5120x128xf32, #tpu.memory_space<vmem_shared>>
        tpu.wait_indirect_dma semaphore(%arg24 : memref<!tpu.dma_semaphore, #tpu.memory_space<semaphore_mem>>) src(%arg20 : memref<64x128xf32, #tpu.memory_space<vmem>>) dst(%dma_wait3A_62 : memref<5120x128xf32, #tpu.memory_space<vmem_shared>>)
      }
      %scan3A_17 = arith.constant 5 : i32
      "tpu.region"() ({
        %run_scoped3A = tpu.sem_alloc : memref<!tpu.dma_semaphore, #tpu.memory_space<semaphore_mem>>
        %dma_start3A = arith.constant 0 : i32
        %dma_start3A_24 = arith.constant 0 : i32
        %dma_start3A_25 = tpu.memref_slice %arg14[%dma_start3A, %dma_start3A_24] : memref<40x128xf32, #tpu.memory_space<vmem_shared>> -> memref<40x128xf32, #tpu.memory_space<vmem_shared>>
        tpu.enqueue_indirect_dma source(%arg17 : memref<40x128xf32, #tpu.memory_space<vmem>>) target(%dma_start3A_25 : memref<40x128xf32, #tpu.memory_space<vmem_shared>>) offsets(%arg18 : memref<40xi32, #tpu.memory_space<vmem>>) semaphore(%run_scoped3A : memref<!tpu.dma_semaphore, #tpu.memory_space<semaphore_mem>>) {add = true}
        %dma_wait3A = arith.constant 0 : i32
        %dma_wait3A_26 = arith.constant 0 : i32
        %dma_wait3A_27 = tpu.memref_slice %arg14[%dma_wait3A, %dma_wait3A_26] : memref<40x128xf32, #tpu.memory_space<vmem_shared>> -> memref<40x128xf32, #tpu.memory_space<vmem_shared>>
        tpu.wait_indirect_dma semaphore(%run_scoped3A : memref<!tpu.dma_semaphore, #tpu.memory_space<semaphore_mem>>) src(%arg17 : memref<40x128xf32, #tpu.memory_space<vmem>>) dst(%dma_wait3A_27 : memref<40x128xf32, #tpu.memory_space<vmem_shared>>)
        tpu.yield
      }) : () -> ()
      %barrier3A_18 = arith.constant 0 : index
      tpu.barrier barrier_id(%barrier3A_18)
      "tpu.region"() ({
        %run_scoped3A = tpu.sem_alloc : memref<!tpu.dma_semaphore, #tpu.memory_space<semaphore_mem>>
        %dma_start3A = arith.constant 0 : i32
        %dma_start3A_24 = tpu.memref_slice %arg8[%mul3A_0, %dma_start3A] : memref<5120x128xf32, #tpu.memory_space<hbm>> -> memref<320x128xf32, #tpu.memory_space<hbm>>
        %dma_start3A_25 = arith.constant 0 : i32
        %dma_start3A_26 = tpu.memref_slice %arg12[%mul3A_0, %dma_start3A_25] : memref<5120x128xf32, #tpu.memory_space<vmem_shared>> -> memref<320x128xf32, #tpu.memory_space<vmem_shared>>
        tpu.enqueue_dma source(%dma_start3A_26 : memref<320x128xf32, #tpu.memory_space<vmem_shared>>) target(%dma_start3A_24 : memref<320x128xf32, #tpu.memory_space<hbm>>) target_semaphore(%run_scoped3A : memref<!tpu.dma_semaphore, #tpu.memory_space<semaphore_mem>>)
        %dma_wait3A = arith.constant 0 : i32
        %dma_wait3A_27 = tpu.memref_slice %arg8[%mul3A_0, %dma_wait3A] : memref<5120x128xf32, #tpu.memory_space<hbm>> -> memref<320x128xf32, #tpu.memory_space<hbm>>
        %dma_wait3A_28 = arith.constant 0 : i32
        %dma_wait3A_29 = tpu.memref_slice %arg12[%mul3A_0, %dma_wait3A_28] : memref<5120x128xf32, #tpu.memory_space<vmem_shared>> -> memref<320x128xf32, #tpu.memory_space<vmem_shared>>
        tpu.wait_dma2 semaphore(%run_scoped3A : memref<!tpu.dma_semaphore, #tpu.memory_space<semaphore_mem>>) src(%dma_wait3A_29 : memref<320x128xf32, #tpu.memory_space<vmem_shared>>) dst(%dma_wait3A_27 : memref<320x128xf32, #tpu.memory_space<hbm>>)
        tpu.yield
      }) : () -> ()
      %eq3A_19 = arith.constant 0 : i32
      %eq3A_20 = arith.cmpi eq, %arg1, %eq3A_19 : i32
      %convert_element_type3A_21 = arith.extui %eq3A_20 : i1 to i32
      %cond3A_22 = arith.constant 0 : i32
      %cond3A_23 = arith.cmpi ne, %convert_element_type3A_21, %cond3A_22 : i32
      scf.if %cond3A_23 {
        "tpu.region"() ({
          %run_scoped3A = tpu.sem_alloc : memref<!tpu.dma_semaphore, #tpu.memory_space<semaphore_mem>>
          tpu.enqueue_dma source(%arg14 : memref<40x128xf32, #tpu.memory_space<vmem_shared>>) target(%arg10 : memref<40x128xf32, #tpu.memory_space<hbm>>) target_semaphore(%run_scoped3A : memref<!tpu.dma_semaphore, #tpu.memory_space<semaphore_mem>>)
          tpu.wait_dma2 semaphore(%run_scoped3A : memref<!tpu.dma_semaphore, #tpu.memory_space<semaphore_mem>>) src(%arg14 : memref<40x128xf32, #tpu.memory_space<vmem_shared>>) dst(%arg10 : memref<40x128xf32, #tpu.memory_space<hbm>>)
          tpu.yield
        }) : () -> ()
      } else {
      }
    } else {
    }
    %eq3A_9 = arith.constant 1 : i32
    %eq3A_10 = arith.cmpi eq, %arg0, %eq3A_9 : i32
    %convert_element_type3A_11 = arith.extui %eq3A_10 : i1 to i32
    %cond3A_12 = arith.constant 0 : i32
    %cond3A_13 = arith.cmpi ne, %convert_element_type3A_11, %cond3A_12 : i32
    scf.if %cond3A_13 {
      "tpu.region"() ({
        %run_scoped3A = tpu.sem_alloc : memref<!tpu.dma_semaphore, #tpu.memory_space<semaphore_mem>>
        %dma_start3A = arith.constant 0 : i32
        %dma_start3A_24 = tpu.memref_slice %arg13[%mul3A_0, %dma_start3A] : memref<5120x128xf32, #tpu.memory_space<vmem_shared>> -> memref<320x128xf32, #tpu.memory_space<vmem_shared>>
        %dma_start3A_25 = arith.constant 0 : i32
        %dma_start3A_26 = tpu.memref_slice %arg3[%mul3A_0, %dma_start3A_25] : memref<5120x128xf32, #tpu.memory_space<hbm>> -> memref<320x128xf32, #tpu.memory_space<hbm>>
        tpu.enqueue_dma source(%dma_start3A_26 : memref<320x128xf32, #tpu.memory_space<hbm>>) target(%dma_start3A_24 : memref<320x128xf32, #tpu.memory_space<vmem_shared>>) target_semaphore(%run_scoped3A : memref<!tpu.dma_semaphore, #tpu.memory_space<semaphore_mem>>)
        %dma_wait3A = arith.constant 0 : i32
        %dma_wait3A_27 = tpu.memref_slice %arg13[%mul3A_0, %dma_wait3A] : memref<5120x128xf32, #tpu.memory_space<vmem_shared>> -> memref<320x128xf32, #tpu.memory_space<vmem_shared>>
        %dma_wait3A_28 = arith.constant 0 : i32
        %dma_wait3A_29 = tpu.memref_slice %arg3[%mul3A_0, %dma_wait3A_28] : memref<5120x128xf32, #tpu.memory_space<hbm>> -> memref<320x128xf32, #tpu.memory_space<hbm>>
        tpu.wait_dma2 semaphore(%run_scoped3A : memref<!tpu.dma_semaphore, #tpu.memory_space<semaphore_mem>>) src(%dma_wait3A_29 : memref<320x128xf32, #tpu.memory_space<hbm>>) dst(%dma_wait3A_27 : memref<320x128xf32, #tpu.memory_space<vmem_shared>>)
        tpu.yield
      }) : () -> ()
      %barrier3A = arith.constant 0 : index
      tpu.barrier barrier_id(%barrier3A)
      %scan3A = arith.constant 0 : i32
      %scan3A_14 = arith.constant 5 : i32
      %scan3A_15 = arith.addi %scan3A, %scan3A_14 : i32
      %scan3A_16 = arith.constant 1 : i32
      scf.for %scan3A_24 = %scan3A to %scan3A_15 step %scan3A_16  : i32 {
        %mul3A_25 = arith.constant 1 : i32
        %mul3A_26 = arith.muli %scan3A_24, %mul3A_25 : i32
        %add3A = arith.constant 0 : i32
        %add3A_27 = arith.addi %add3A, %mul3A_26 : i32
        %mul3A_28 = arith.constant 32 : i32
        %mul3A_29 = arith.muli %add3A_27, %mul3A_28 : i32
        "tpu.region"() ({
          %run_scoped3A = tpu.sem_alloc : memref<!tpu.dma_semaphore, #tpu.memory_space<semaphore_mem>>
          %dma_start3A_63 = arith.constant 0 : i32
          %dma_start3A_64 = tpu.memref_slice %arg5[%arg1, %mul3A_29, %dma_start3A_63] : memref<16x160x64xi32, #tpu.memory_space<hbm>> -> memref<1x32x64xi32, #tpu.memory_space<hbm>>
          %dma_start3A_65 = tpu.memref_squeeze %dma_start3A_64 : memref<1x32x64xi32, #tpu.memory_space<hbm>> -> memref<32x64xi32, #tpu.memory_space<hbm>>
          %dma_start3A_66 = arith.constant 0 : i32
          %dma_start3A_67 = tpu.memref_slice %arg5[%arg1, %mul3A_29, %dma_start3A_66] : memref<16x160x64xi32, #tpu.memory_space<hbm>> -> memref<1x32x64xi32, #tpu.memory_space<hbm>>
          %dma_start3A_68 = tpu.memref_squeeze %dma_start3A_67 : memref<1x32x64xi32, #tpu.memory_space<hbm>> -> memref<32x64xi32, #tpu.memory_space<hbm>>
          tpu.enqueue_dma source(%dma_start3A_68 : memref<32x64xi32, #tpu.memory_space<hbm>>) target(%arg15 : memref<32x64xi32, #tpu.memory_space<vmem>>) target_semaphore(%run_scoped3A : memref<!tpu.dma_semaphore, #tpu.memory_space<semaphore_mem>>)
          %dma_wait3A_69 = arith.constant 0 : i32
          %dma_wait3A_70 = tpu.memref_slice %arg5[%arg1, %mul3A_29, %dma_wait3A_69] : memref<16x160x64xi32, #tpu.memory_space<hbm>> -> memref<1x32x64xi32, #tpu.memory_space<hbm>>
          %dma_wait3A_71 = tpu.memref_squeeze %dma_wait3A_70 : memref<1x32x64xi32, #tpu.memory_space<hbm>> -> memref<32x64xi32, #tpu.memory_space<hbm>>
          %dma_wait3A_72 = arith.constant 0 : i32
          %dma_wait3A_73 = tpu.memref_slice %arg5[%arg1, %mul3A_29, %dma_wait3A_72] : memref<16x160x64xi32, #tpu.memory_space<hbm>> -> memref<1x32x64xi32, #tpu.memory_space<hbm>>
          %dma_wait3A_74 = tpu.memref_squeeze %dma_wait3A_73 : memref<1x32x64xi32, #tpu.memory_space<hbm>> -> memref<32x64xi32, #tpu.memory_space<hbm>>
          tpu.wait_dma2 semaphore(%run_scoped3A : memref<!tpu.dma_semaphore, #tpu.memory_space<semaphore_mem>>) src(%dma_wait3A_74 : memref<32x64xi32, #tpu.memory_space<hbm>>) dst(%arg15 : memref<32x64xi32, #tpu.memory_space<vmem>>)
          tpu.yield
        }) : () -> ()
        %mul3A_30 = arith.constant 32 : i32
        %mul3A_31 = arith.muli %add3A_27, %mul3A_30 : i32
        "tpu.region"() ({
          %run_scoped3A = tpu.sem_alloc : memref<!tpu.dma_semaphore, #tpu.memory_space<semaphore_mem>>
          %dma_start3A_63 = arith.constant 0 : i32
          %dma_start3A_64 = tpu.memref_slice %arg4[%arg1, %mul3A_31, %dma_start3A_63] : memref<16x160x64xi32, #tpu.memory_space<hbm>> -> memref<1x32x64xi32, #tpu.memory_space<hbm>>
          %dma_start3A_65 = tpu.memref_squeeze %dma_start3A_64 : memref<1x32x64xi32, #tpu.memory_space<hbm>> -> memref<32x64xi32, #tpu.memory_space<hbm>>
          %dma_start3A_66 = arith.constant 0 : i32
          %dma_start3A_67 = tpu.memref_slice %arg4[%arg1, %mul3A_31, %dma_start3A_66] : memref<16x160x64xi32, #tpu.memory_space<hbm>> -> memref<1x32x64xi32, #tpu.memory_space<hbm>>
          %dma_start3A_68 = tpu.memref_squeeze %dma_start3A_67 : memref<1x32x64xi32, #tpu.memory_space<hbm>> -> memref<32x64xi32, #tpu.memory_space<hbm>>
          tpu.enqueue_dma source(%dma_start3A_68 : memref<32x64xi32, #tpu.memory_space<hbm>>) target(%arg16 : memref<32x64xi32, #tpu.memory_space<vmem>>) target_semaphore(%run_scoped3A : memref<!tpu.dma_semaphore, #tpu.memory_space<semaphore_mem>>)
          %dma_wait3A_69 = arith.constant 0 : i32
          %dma_wait3A_70 = tpu.memref_slice %arg4[%arg1, %mul3A_31, %dma_wait3A_69] : memref<16x160x64xi32, #tpu.memory_space<hbm>> -> memref<1x32x64xi32, #tpu.memory_space<hbm>>
          %dma_wait3A_71 = tpu.memref_squeeze %dma_wait3A_70 : memref<1x32x64xi32, #tpu.memory_space<hbm>> -> memref<32x64xi32, #tpu.memory_space<hbm>>
          %dma_wait3A_72 = arith.constant 0 : i32
          %dma_wait3A_73 = tpu.memref_slice %arg4[%arg1, %mul3A_31, %dma_wait3A_72] : memref<16x160x64xi32, #tpu.memory_space<hbm>> -> memref<1x32x64xi32, #tpu.memory_space<hbm>>
          %dma_wait3A_74 = tpu.memref_squeeze %dma_wait3A_73 : memref<1x32x64xi32, #tpu.memory_space<hbm>> -> memref<32x64xi32, #tpu.memory_space<hbm>>
          tpu.wait_dma2 semaphore(%run_scoped3A : memref<!tpu.dma_semaphore, #tpu.memory_space<semaphore_mem>>) src(%dma_wait3A_74 : memref<32x64xi32, #tpu.memory_space<hbm>>) dst(%arg16 : memref<32x64xi32, #tpu.memory_space<vmem>>)
          tpu.yield
        }) : () -> ()
        %dma_start3A = arith.constant 0 : i32
        %dma_start3A_32 = arith.constant 0 : i32
        %dma_start3A_33 = tpu.memref_slice %arg15[%dma_start3A, %dma_start3A_32] : memref<32x64xi32, #tpu.memory_space<vmem>> -> memref<1x64xi32, #tpu.memory_space<vmem>>
        %dma_start3A_34 = tpu.memref_squeeze %dma_start3A_33 : memref<1x64xi32, #tpu.memory_space<vmem>> -> memref<64xi32, #tpu.memory_space<vmem>>
        %dma_start3A_35 = arith.constant 0 : i32
        %dma_start3A_36 = arith.constant 0 : i32
        %dma_start3A_37 = tpu.memref_slice %arg13[%dma_start3A_35, %dma_start3A_36] : memref<5120x128xf32, #tpu.memory_space<vmem_shared>> -> memref<5120x128xf32, #tpu.memory_space<vmem_shared>>
        tpu.enqueue_indirect_dma source(%dma_start3A_37 : memref<5120x128xf32, #tpu.memory_space<vmem_shared>>) target(%arg19 : memref<64x128xf32, #tpu.memory_space<vmem>>) offsets(%dma_start3A_34 : memref<64xi32, #tpu.memory_space<vmem>>) semaphore(%arg21 : memref<!tpu.dma_semaphore, #tpu.memory_space<semaphore_mem>>)
        %dma_start3A_38 = arith.constant 1 : i32
        %dma_start3A_39 = arith.constant 0 : i32
        %dma_start3A_40 = tpu.memref_slice %arg15[%dma_start3A_38, %dma_start3A_39] : memref<32x64xi32, #tpu.memory_space<vmem>> -> memref<1x64xi32, #tpu.memory_space<vmem>>
        %dma_start3A_41 = tpu.memref_squeeze %dma_start3A_40 : memref<1x64xi32, #tpu.memory_space<vmem>> -> memref<64xi32, #tpu.memory_space<vmem>>
        %dma_start3A_42 = arith.constant 0 : i32
        %dma_start3A_43 = arith.constant 0 : i32
        %dma_start3A_44 = tpu.memref_slice %arg13[%dma_start3A_42, %dma_start3A_43] : memref<5120x128xf32, #tpu.memory_space<vmem_shared>> -> memref<5120x128xf32, #tpu.memory_space<vmem_shared>>
        tpu.enqueue_indirect_dma source(%dma_start3A_44 : memref<5120x128xf32, #tpu.memory_space<vmem_shared>>) target(%arg20 : memref<64x128xf32, #tpu.memory_space<vmem>>) offsets(%dma_start3A_41 : memref<64xi32, #tpu.memory_space<vmem>>) semaphore(%arg22 : memref<!tpu.dma_semaphore, #tpu.memory_space<semaphore_mem>>)
        %scan3A_45 = arith.constant 0 : i32
        %scan3A_46 = arith.constant 16 : i32
        %scan3A_47 = arith.addi %scan3A_45, %scan3A_46 : i32
        %scan3A_48 = arith.constant 1 : i32
        scf.for %scan3A_63 = %scan3A_45 to %scan3A_47 step %scan3A_48  : i32 {
          %mul3A_64 = arith.constant 1 : i32
          %mul3A_65 = arith.muli %scan3A_63, %mul3A_64 : i32
          %add3A_66 = arith.constant 0 : i32
          %add3A_67 = arith.addi %add3A_66, %mul3A_65 : i32
          %mul3A_68 = arith.constant 2 : i32
          %mul3A_69 = arith.muli %add3A_67, %mul3A_68 : i32
          %add3A_70 = arith.constant 0 : i32
          %add3A_71 = arith.addi %mul3A_69, %add3A_70 : i32
          %dma_wait3A_72 = arith.constant 0 : i32
          %dma_wait3A_73 = tpu.memref_slice %arg15[%add3A_71, %dma_wait3A_72] : memref<32x64xi32, #tpu.memory_space<vmem>> -> memref<1x64xi32, #tpu.memory_space<vmem>>
          %dma_wait3A_74 = tpu.memref_squeeze %dma_wait3A_73 : memref<1x64xi32, #tpu.memory_space<vmem>> -> memref<64xi32, #tpu.memory_space<vmem>>
          %dma_wait3A_75 = arith.constant 0 : i32
          %dma_wait3A_76 = arith.constant 0 : i32
          %dma_wait3A_77 = tpu.memref_slice %arg13[%dma_wait3A_75, %dma_wait3A_76] : memref<5120x128xf32, #tpu.memory_space<vmem_shared>> -> memref<5120x128xf32, #tpu.memory_space<vmem_shared>>
          tpu.wait_indirect_dma semaphore(%arg21 : memref<!tpu.dma_semaphore, #tpu.memory_space<semaphore_mem>>) src(%dma_wait3A_77 : memref<5120x128xf32, #tpu.memory_space<vmem_shared>>) dst(%arg19 : memref<64x128xf32, #tpu.memory_space<vmem>>)
          %dma_start3A_78 = arith.constant 0 : i32
          %dma_start3A_79 = tpu.memref_slice %arg16[%add3A_71, %dma_start3A_78] : memref<32x64xi32, #tpu.memory_space<vmem>> -> memref<1x64xi32, #tpu.memory_space<vmem>>
          %dma_start3A_80 = tpu.memref_squeeze %dma_start3A_79 : memref<1x64xi32, #tpu.memory_space<vmem>> -> memref<64xi32, #tpu.memory_space<vmem>>
          %dma_start3A_81 = arith.constant 0 : i32
          %dma_start3A_82 = arith.constant 0 : i32
          %dma_start3A_83 = tpu.memref_slice %arg12[%dma_start3A_81, %dma_start3A_82] : memref<5120x128xf32, #tpu.memory_space<vmem_shared>> -> memref<5120x128xf32, #tpu.memory_space<vmem_shared>>
          tpu.enqueue_indirect_dma source(%arg19 : memref<64x128xf32, #tpu.memory_space<vmem>>) target(%dma_start3A_83 : memref<5120x128xf32, #tpu.memory_space<vmem_shared>>) offsets(%dma_start3A_80 : memref<64xi32, #tpu.memory_space<vmem>>) semaphore(%arg23 : memref<!tpu.dma_semaphore, #tpu.memory_space<semaphore_mem>>) {add = true}
          %scan3A_84 = arith.constant 0 : i32
          %scan3A_85 = arith.constant 4 : i32
          %scan3A_86 = arith.addi %scan3A_84, %scan3A_85 : i32
          %scan3A_87 = arith.constant 1 : i32
          scf.for %scan3A_114 = %scan3A_84 to %scan3A_86 step %scan3A_87  : i32 {
            %mul3A_115 = arith.constant 1 : i32
            %mul3A_116 = arith.muli %scan3A_114, %mul3A_115 : i32
            %add3A_117 = arith.constant 0 : i32
            %add3A_118 = arith.addi %add3A_117, %mul3A_116 : i32
            %mul3A_119 = arith.constant 16 : i32
            %mul3A_120 = arith.muli %add3A_118, %mul3A_119 : i32
            %get3A = arith.index_cast %add3A_71 : i32 to index
            %get3A_121 = arith.index_cast %mul3A_120 : i32 to index
            %get3A_122 = tpu.vector_load %arg16[%get3A, %get3A_121] {strides = array<i32>} : memref<32x64xi32, #tpu.memory_space<vmem>>, vector<16xi32>,
            %shift_right_arithmetic3A = arith.constant 7 : i32
            %shift_right_arithmetic3A_123 = vector.broadcast %shift_right_arithmetic3A : i32 to vector<16xi32>
            %shift_right_arithmetic3A_124 = arith.shrsi %get3A_122, %shift_right_arithmetic3A_123 : vector<16xi32>
            %and3A = arith.constant 127 : i32
            %and3A_125 = vector.broadcast %and3A : i32 to vector<16xi32>
            %and3A_126 = arith.andi %get3A_122, %and3A_125 : vector<16xi32>
            tpu.vector_store_idx %arg17[%shift_right_arithmetic3A_124, %and3A_126], %broadcast_in_dim3A_3 {add = true} : memref<40x128xf32, #tpu.memory_space<vmem>>[vector<16xi32>, vector<16xi32>], vector<16xf32>,
          }
          %scan3A_88 = arith.constant 4 : i32
          %mul3A_89 = arith.constant 2 : i32
          %mul3A_90 = arith.muli %add3A_67, %mul3A_89 : i32
          %add3A_91 = arith.constant 1 : i32
          %add3A_92 = arith.addi %mul3A_90, %add3A_91 : i32
          %dma_wait3A_93 = arith.constant 0 : i32
          %dma_wait3A_94 = tpu.memref_slice %arg15[%add3A_92, %dma_wait3A_93] : memref<32x64xi32, #tpu.memory_space<vmem>> -> memref<1x64xi32, #tpu.memory_space<vmem>>
          %dma_wait3A_95 = tpu.memref_squeeze %dma_wait3A_94 : memref<1x64xi32, #tpu.memory_space<vmem>> -> memref<64xi32, #tpu.memory_space<vmem>>
          %dma_wait3A_96 = arith.constant 0 : i32
          %dma_wait3A_97 = arith.constant 0 : i32
          %dma_wait3A_98 = tpu.memref_slice %arg13[%dma_wait3A_96, %dma_wait3A_97] : memref<5120x128xf32, #tpu.memory_space<vmem_shared>> -> memref<5120x128xf32, #tpu.memory_space<vmem_shared>>
          tpu.wait_indirect_dma semaphore(%arg22 : memref<!tpu.dma_semaphore, #tpu.memory_space<semaphore_mem>>) src(%dma_wait3A_98 : memref<5120x128xf32, #tpu.memory_space<vmem_shared>>) dst(%arg20 : memref<64x128xf32, #tpu.memory_space<vmem>>)
          %dma_start3A_99 = arith.constant 0 : i32
          %dma_start3A_100 = tpu.memref_slice %arg16[%add3A_92, %dma_start3A_99] : memref<32x64xi32, #tpu.memory_space<vmem>> -> memref<1x64xi32, #tpu.memory_space<vmem>>
          %dma_start3A_101 = tpu.memref_squeeze %dma_start3A_100 : memref<1x64xi32, #tpu.memory_space<vmem>> -> memref<64xi32, #tpu.memory_space<vmem>>
          %dma_start3A_102 = arith.constant 0 : i32
          %dma_start3A_103 = arith.constant 0 : i32
          %dma_start3A_104 = tpu.memref_slice %arg12[%dma_start3A_102, %dma_start3A_103] : memref<5120x128xf32, #tpu.memory_space<vmem_shared>> -> memref<5120x128xf32, #tpu.memory_space<vmem_shared>>
          tpu.enqueue_indirect_dma source(%arg20 : memref<64x128xf32, #tpu.memory_space<vmem>>) target(%dma_start3A_104 : memref<5120x128xf32, #tpu.memory_space<vmem_shared>>) offsets(%dma_start3A_101 : memref<64xi32, #tpu.memory_space<vmem>>) semaphore(%arg24 : memref<!tpu.dma_semaphore, #tpu.memory_space<semaphore_mem>>) {add = true}
          %scan3A_105 = arith.constant 0 : i32
          %scan3A_106 = arith.constant 4 : i32
          %scan3A_107 = arith.addi %scan3A_105, %scan3A_106 : i32
          %scan3A_108 = arith.constant 1 : i32
          scf.for %scan3A_114 = %scan3A_105 to %scan3A_107 step %scan3A_108  : i32 {
            %mul3A_115 = arith.constant 1 : i32
            %mul3A_116 = arith.muli %scan3A_114, %mul3A_115 : i32
            %add3A_117 = arith.constant 0 : i32
            %add3A_118 = arith.addi %add3A_117, %mul3A_116 : i32
            %mul3A_119 = arith.constant 16 : i32
            %mul3A_120 = arith.muli %add3A_118, %mul3A_119 : i32
            %get3A = arith.index_cast %add3A_92 : i32 to index
            %get3A_121 = arith.index_cast %mul3A_120 : i32 to index
            %get3A_122 = tpu.vector_load %arg16[%get3A, %get3A_121] {strides = array<i32>} : memref<32x64xi32, #tpu.memory_space<vmem>>, vector<16xi32>,
            %shift_right_arithmetic3A = arith.constant 7 : i32
            %shift_right_arithmetic3A_123 = vector.broadcast %shift_right_arithmetic3A : i32 to vector<16xi32>
            %shift_right_arithmetic3A_124 = arith.shrsi %get3A_122, %shift_right_arithmetic3A_123 : vector<16xi32>
            %and3A = arith.constant 127 : i32
            %and3A_125 = vector.broadcast %and3A : i32 to vector<16xi32>
            %and3A_126 = arith.andi %get3A_122, %and3A_125 : vector<16xi32>
            tpu.vector_store_idx %arg17[%shift_right_arithmetic3A_124, %and3A_126], %broadcast_in_dim3A_3 {add = true} : memref<40x128xf32, #tpu.memory_space<vmem>>[vector<16xi32>, vector<16xi32>], vector<16xf32>,
          }
          %scan3A_109 = arith.constant 4 : i32
          %lt3A = arith.constant 15 : i32
          %lt3A_110 = arith.cmpi slt, %add3A_67, %lt3A : i32
          %convert_element_type3A_111 = arith.extui %lt3A_110 : i1 to i32
          %cond3A_112 = arith.constant 0 : i32
          %cond3A_113 = arith.cmpi ne, %convert_element_type3A_111, %cond3A_112 : i32
          scf.if %cond3A_113 {
            %mul3A_114 = arith.constant 2 : i32
            %mul3A_115 = arith.muli %add3A_67, %mul3A_114 : i32
            %add3A_116 = arith.constant 0 : i32
            %add3A_117 = arith.addi %mul3A_115, %add3A_116 : i32
            %dma_wait3A_118 = arith.constant 0 : i32
            %dma_wait3A_119 = tpu.memref_slice %arg16[%add3A_117, %dma_wait3A_118] : memref<32x64xi32, #tpu.memory_space<vmem>> -> memref<1x64xi32, #tpu.memory_space<vmem>>
            %dma_wait3A_120 = tpu.memref_squeeze %dma_wait3A_119 : memref<1x64xi32, #tpu.memory_space<vmem>> -> memref<64xi32, #tpu.memory_space<vmem>>
            %dma_wait3A_121 = arith.constant 0 : i32
            %dma_wait3A_122 = arith.constant 0 : i32
            %dma_wait3A_123 = tpu.memref_slice %arg12[%dma_wait3A_121, %dma_wait3A_122] : memref<5120x128xf32, #tpu.memory_space<vmem_shared>> -> memref<5120x128xf32, #tpu.memory_space<vmem_shared>>
            tpu.wait_indirect_dma semaphore(%arg23 : memref<!tpu.dma_semaphore, #tpu.memory_space<semaphore_mem>>) src(%arg19 : memref<64x128xf32, #tpu.memory_space<vmem>>) dst(%dma_wait3A_123 : memref<5120x128xf32, #tpu.memory_space<vmem_shared>>)
            %add3A_124 = arith.constant 1 : i32
            %add3A_125 = arith.addi %add3A_67, %add3A_124 : i32
            %mul3A_126 = arith.constant 2 : i32
            %mul3A_127 = arith.muli %add3A_125, %mul3A_126 : i32
            %add3A_128 = arith.constant 0 : i32
            %add3A_129 = arith.addi %mul3A_127, %add3A_128 : i32
            %dma_start3A_130 = arith.constant 0 : i32
            %dma_start3A_131 = tpu.memref_slice %arg15[%add3A_129, %dma_start3A_130] : memref<32x64xi32, #tpu.memory_space<vmem>> -> memref<1x64xi32, #tpu.memory_space<vmem>>
            %dma_start3A_132 = tpu.memref_squeeze %dma_start3A_131 : memref<1x64xi32, #tpu.memory_space<vmem>> -> memref<64xi32, #tpu.memory_space<vmem>>
            %dma_start3A_133 = arith.constant 0 : i32
            %dma_start3A_134 = arith.constant 0 : i32
            %dma_start3A_135 = tpu.memref_slice %arg13[%dma_start3A_133, %dma_start3A_134] : memref<5120x128xf32, #tpu.memory_space<vmem_shared>> -> memref<5120x128xf32, #tpu.memory_space<vmem_shared>>
            tpu.enqueue_indirect_dma source(%dma_start3A_135 : memref<5120x128xf32, #tpu.memory_space<vmem_shared>>) target(%arg19 : memref<64x128xf32, #tpu.memory_space<vmem>>) offsets(%dma_start3A_132 : memref<64xi32, #tpu.memory_space<vmem>>) semaphore(%arg21 : memref<!tpu.dma_semaphore, #tpu.memory_space<semaphore_mem>>)
            %mul3A_136 = arith.constant 2 : i32
            %mul3A_137 = arith.muli %add3A_67, %mul3A_136 : i32
            %add3A_138 = arith.constant 1 : i32
            %add3A_139 = arith.addi %mul3A_137, %add3A_138 : i32
            %dma_wait3A_140 = arith.constant 0 : i32
            %dma_wait3A_141 = tpu.memref_slice %arg16[%add3A_139, %dma_wait3A_140] : memref<32x64xi32, #tpu.memory_space<vmem>> -> memref<1x64xi32, #tpu.memory_space<vmem>>
            %dma_wait3A_142 = tpu.memref_squeeze %dma_wait3A_141 : memref<1x64xi32, #tpu.memory_space<vmem>> -> memref<64xi32, #tpu.memory_space<vmem>>
            %dma_wait3A_143 = arith.constant 0 : i32
            %dma_wait3A_144 = arith.constant 0 : i32
            %dma_wait3A_145 = tpu.memref_slice %arg12[%dma_wait3A_143, %dma_wait3A_144] : memref<5120x128xf32, #tpu.memory_space<vmem_shared>> -> memref<5120x128xf32, #tpu.memory_space<vmem_shared>>
            tpu.wait_indirect_dma semaphore(%arg24 : memref<!tpu.dma_semaphore, #tpu.memory_space<semaphore_mem>>) src(%arg20 : memref<64x128xf32, #tpu.memory_space<vmem>>) dst(%dma_wait3A_145 : memref<5120x128xf32, #tpu.memory_space<vmem_shared>>)
            %add3A_146 = arith.constant 1 : i32
            %add3A_147 = arith.addi %add3A_67, %add3A_146 : i32
            %mul3A_148 = arith.constant 2 : i32
            %mul3A_149 = arith.muli %add3A_147, %mul3A_148 : i32
            %add3A_150 = arith.constant 1 : i32
            %add3A_151 = arith.addi %mul3A_149, %add3A_150 : i32
            %dma_start3A_152 = arith.constant 0 : i32
            %dma_start3A_153 = tpu.memref_slice %arg15[%add3A_151, %dma_start3A_152] : memref<32x64xi32, #tpu.memory_space<vmem>> -> memref<1x64xi32, #tpu.memory_space<vmem>>
            %dma_start3A_154 = tpu.memref_squeeze %dma_start3A_153 : memref<1x64xi32, #tpu.memory_space<vmem>> -> memref<64xi32, #tpu.memory_space<vmem>>
            %dma_start3A_155 = arith.constant 0 : i32
            %dma_start3A_156 = arith.constant 0 : i32
            %dma_start3A_157 = tpu.memref_slice %arg13[%dma_start3A_155, %dma_start3A_156] : memref<5120x128xf32, #tpu.memory_space<vmem_shared>> -> memref<5120x128xf32, #tpu.memory_space<vmem_shared>>
            tpu.enqueue_indirect_dma source(%dma_start3A_157 : memref<5120x128xf32, #tpu.memory_space<vmem_shared>>) target(%arg20 : memref<64x128xf32, #tpu.memory_space<vmem>>) offsets(%dma_start3A_154 : memref<64xi32, #tpu.memory_space<vmem>>) semaphore(%arg22 : memref<!tpu.dma_semaphore, #tpu.memory_space<semaphore_mem>>)
          } else {
          }
        }
        %scan3A_49 = arith.constant 16 : i32
        %dma_wait3A = arith.constant 30 : i32
        %dma_wait3A_50 = arith.constant 0 : i32
        %dma_wait3A_51 = tpu.memref_slice %arg16[%dma_wait3A, %dma_wait3A_50] : memref<32x64xi32, #tpu.memory_space<vmem>> -> memref<1x64xi32, #tpu.memory_space<vmem>>
        %dma_wait3A_52 = tpu.memref_squeeze %dma_wait3A_51 : memref<1x64xi32, #tpu.memory_space<vmem>> -> memref<64xi32, #tpu.memory_space<vmem>>
        %dma_wait3A_53 = arith.constant 0 : i32
        %dma_wait3A_54 = arith.constant 0 : i32
        %dma_wait3A_55 = tpu.memref_slice %arg12[%dma_wait3A_53, %dma_wait3A_54] : memref<5120x128xf32, #tpu.memory_space<vmem_shared>> -> memref<5120x128xf32, #tpu.memory_space<vmem_shared>>
        tpu.wait_indirect_dma semaphore(%arg23 : memref<!tpu.dma_semaphore, #tpu.memory_space<semaphore_mem>>) src(%arg19 : memref<64x128xf32, #tpu.memory_space<vmem>>) dst(%dma_wait3A_55 : memref<5120x128xf32, #tpu.memory_space<vmem_shared>>)
        %dma_wait3A_56 = arith.constant 31 : i32
        %dma_wait3A_57 = arith.constant 0 : i32
        %dma_wait3A_58 = tpu.memref_slice %arg16[%dma_wait3A_56, %dma_wait3A_57] : memref<32x64xi32, #tpu.memory_space<vmem>> -> memref<1x64xi32, #tpu.memory_space<vmem>>
        %dma_wait3A_59 = tpu.memref_squeeze %dma_wait3A_58 : memref<1x64xi32, #tpu.memory_space<vmem>> -> memref<64xi32, #tpu.memory_space<vmem>>
        %dma_wait3A_60 = arith.constant 0 : i32
        %dma_wait3A_61 = arith.constant 0 : i32
        %dma_wait3A_62 = tpu.memref_slice %arg12[%dma_wait3A_60, %dma_wait3A_61] : memref<5120x128xf32, #tpu.memory_space<vmem_shared>> -> memref<5120x128xf32, #tpu.memory_space<vmem_shared>>
        tpu.wait_indirect_dma semaphore(%arg24 : memref<!tpu.dma_semaphore, #tpu.memory_space<semaphore_mem>>) src(%arg20 : memref<64x128xf32, #tpu.memory_space<vmem>>) dst(%dma_wait3A_62 : memref<5120x128xf32, #tpu.memory_space<vmem_shared>>)
      }
      %scan3A_17 = arith.constant 5 : i32
      "tpu.region"() ({
        %run_scoped3A = tpu.sem_alloc : memref<!tpu.dma_semaphore, #tpu.memory_space<semaphore_mem>>
        %dma_start3A = arith.constant 0 : i32
        %dma_start3A_24 = arith.constant 0 : i32
        %dma_start3A_25 = tpu.memref_slice %arg14[%dma_start3A, %dma_start3A_24] : memref<40x128xf32, #tpu.memory_space<vmem_shared>> -> memref<40x128xf32, #tpu.memory_space<vmem_shared>>
        tpu.enqueue_indirect_dma source(%arg17 : memref<40x128xf32, #tpu.memory_space<vmem>>) target(%dma_start3A_25 : memref<40x128xf32, #tpu.memory_space<vmem_shared>>) offsets(%arg18 : memref<40xi32, #tpu.memory_space<vmem>>) semaphore(%run_scoped3A : memref<!tpu.dma_semaphore, #tpu.memory_space<semaphore_mem>>) {add = true}
        %dma_wait3A = arith.constant 0 : i32
        %dma_wait3A_26 = arith.constant 0 : i32
        %dma_wait3A_27 = tpu.memref_slice %arg14[%dma_wait3A, %dma_wait3A_26] : memref<40x128xf32, #tpu.memory_space<vmem_shared>> -> memref<40x128xf32, #tpu.memory_space<vmem_shared>>
        tpu.wait_indirect_dma semaphore(%run_scoped3A : memref<!tpu.dma_semaphore, #tpu.memory_space<semaphore_mem>>) src(%arg17 : memref<40x128xf32, #tpu.memory_space<vmem>>) dst(%dma_wait3A_27 : memref<40x128xf32, #tpu.memory_space<vmem_shared>>)
        tpu.yield
      }) : () -> ()
      %barrier3A_18 = arith.constant 0 : index
      tpu.barrier barrier_id(%barrier3A_18)
      "tpu.region"() ({
        %run_scoped3A = tpu.sem_alloc : memref<!tpu.dma_semaphore, #tpu.memory_space<semaphore_mem>>
        %dma_start3A = arith.constant 0 : i32
        %dma_start3A_24 = tpu.memref_slice %arg9[%mul3A_0, %dma_start3A] : memref<5120x128xf32, #tpu.memory_space<hbm>> -> memref<320x128xf32, #tpu.memory_space<hbm>>
        %dma_start3A_25 = arith.constant 0 : i32
        %dma_start3A_26 = tpu.memref_slice %arg12[%mul3A_0, %dma_start3A_25] : memref<5120x128xf32, #tpu.memory_space<vmem_shared>> -> memref<320x128xf32, #tpu.memory_space<vmem_shared>>
        tpu.enqueue_dma source(%dma_start3A_26 : memref<320x128xf32, #tpu.memory_space<vmem_shared>>) target(%dma_start3A_24 : memref<320x128xf32, #tpu.memory_space<hbm>>) target_semaphore(%run_scoped3A : memref<!tpu.dma_semaphore, #tpu.memory_space<semaphore_mem>>)
        %dma_wait3A = arith.constant 0 : i32
        %dma_wait3A_27 = tpu.memref_slice %arg9[%mul3A_0, %dma_wait3A] : memref<5120x128xf32, #tpu.memory_space<hbm>> -> memref<320x128xf32, #tpu.memory_space<hbm>>
        %dma_wait3A_28 = arith.constant 0 : i32
        %dma_wait3A_29 = tpu.memref_slice %arg12[%mul3A_0, %dma_wait3A_28] : memref<5120x128xf32, #tpu.memory_space<vmem_shared>> -> memref<320x128xf32, #tpu.memory_space<vmem_shared>>
        tpu.wait_dma2 semaphore(%run_scoped3A : memref<!tpu.dma_semaphore, #tpu.memory_space<semaphore_mem>>) src(%dma_wait3A_29 : memref<320x128xf32, #tpu.memory_space<vmem_shared>>) dst(%dma_wait3A_27 : memref<320x128xf32, #tpu.memory_space<hbm>>)
        tpu.yield
      }) : () -> ()
      %eq3A_19 = arith.constant 0 : i32
      %eq3A_20 = arith.cmpi eq, %arg1, %eq3A_19 : i32
      %convert_element_type3A_21 = arith.extui %eq3A_20 : i1 to i32
      %cond3A_22 = arith.constant 0 : i32
      %cond3A_23 = arith.cmpi ne, %convert_element_type3A_21, %cond3A_22 : i32
      scf.if %cond3A_23 {
        "tpu.region"() ({
          %run_scoped3A = tpu.sem_alloc : memref<!tpu.dma_semaphore, #tpu.memory_space<semaphore_mem>>
          tpu.enqueue_dma source(%arg14 : memref<40x128xf32, #tpu.memory_space<vmem_shared>>) target(%arg11 : memref<40x128xf32, #tpu.memory_space<hbm>>) target_semaphore(%run_scoped3A : memref<!tpu.dma_semaphore, #tpu.memory_space<semaphore_mem>>)
          tpu.wait_dma2 semaphore(%run_scoped3A : memref<!tpu.dma_semaphore, #tpu.memory_space<semaphore_mem>>) src(%arg14 : memref<40x128xf32, #tpu.memory_space<vmem_shared>>) dst(%arg11 : memref<40x128xf32, #tpu.memory_space<hbm>>)
          tpu.yield
        }) : () -> ()
      } else {
      }
    } else {
    }
    return
  }
}

#map = affine_map<(d0, d1) -> (0, 0)>
#map1 = affine_map<(d0, d1) -> (0, 0, 0)>
#map2 = affine_map<(d0, d1) -> (0)>
module attributes {stable_mosaic.version = 14 : i64} {
  func.func @_sc_aggregate(%arg0: i32, %arg1: i32, %arg2: memref<5120x128xf32, #tpu.memory_space<hbm>>, %arg3: memref<5120x128xf32, #tpu.memory_space<hbm>>, %arg4: memref<16x160x64xi32, #tpu.memory_space<hbm>>, %arg5: memref<16x160x64xi32, #tpu.memory_space<hbm>>, %arg6: memref<5120x128xf32, #tpu.memory_space<hbm>>, %arg7: memref<40xi32, #tpu.memory_space<hbm>>, %arg8: memref<5120x128xf32, #tpu.memory_space<hbm>>, %arg9: memref<5120x128xf32, #tpu.memory_space<hbm>>, %arg10: memref<40x128xf32, #tpu.memory_space<hbm>>, %arg11: memref<40x128xf32, #tpu.memory_space<hbm>>, %arg12: memref<5120x128xf32, #tpu.memory_space<vmem_shared>>, %arg13: memref<5120x128xf32, #tpu.memory_space<vmem_shared>>, %arg14: memref<40x128xf32, #tpu.memory_space<vmem_shared>>, %arg15: memref<32x64xi32, #tpu.memory_space<vmem>>, %arg16: memref<32x64xi32, #tpu.memory_space<vmem>>, %arg17: memref<40x128xf32, #tpu.memory_space<vmem>>, %arg18: memref<40xi32, #tpu.memory_space<vmem>>, %arg19: memref<64x128xf32, #tpu.memory_space<vmem>>, %arg20: memref<64x128xf32, #tpu.memory_space<vmem>>, %arg21: memref<!tpu.dma_semaphore, #tpu.memory_space<semaphore_mem>>, %arg22: memref<!tpu.dma_semaphore, #tpu.memory_space<semaphore_mem>>, %arg23: memref<!tpu.dma_semaphore, #tpu.memory_space<semaphore_mem>>, %arg24: memref<!tpu.dma_semaphore, #tpu.memory_space<semaphore_mem>>) attributes {dimension_semantics = [#tpu.dimension_semantics<core_parallel>, #tpu.dimension_semantics<subcore_parallel>], iteration_bounds = array<i64: 2, 16>, scalar_prefetch = 0 : i64, scratch_operands = 13 : i64, tpu.core_type = #tpu.core_type<sc_vector_subcore>, window_params = [{transform_indices = #map}, {transform_indices = #map}, {transform_indices = #map1}, {transform_indices = #map1}, {transform_indices = #map}, {transform_indices = #map2}, {transform_indices = #map}, {transform_indices = #map}, {transform_indices = #map}, {transform_indices = #map}]} {
    %mul3A = arith.constant 320 : i32
    %mul3A_0 = arith.muli %arg1, %mul3A : i32
    "tpu.region"() ({
      %run_scoped3A = tpu.sem_alloc : memref<!tpu.dma_semaphore, #tpu.memory_space<semaphore_mem>>
      %dma_start3A = arith.constant 0 : i32
      %dma_start3A_14 = tpu.memref_slice %arg12[%mul3A_0, %dma_start3A] : memref<5120x128xf32, #tpu.memory_space<vmem_shared>> -> memref<320x128xf32, #tpu.memory_space<vmem_shared>>
      %dma_start3A_15 = arith.constant 0 : i32
      %dma_start3A_16 = tpu.memref_slice %arg6[%mul3A_0, %dma_start3A_15] : memref<5120x128xf32, #tpu.memory_space<hbm>> -> memref<320x128xf32, #tpu.memory_space<hbm>>
      tpu.enqueue_dma source(%dma_start3A_16 : memref<320x128xf32, #tpu.memory_space<hbm>>) target(%dma_start3A_14 : memref<320x128xf32, #tpu.memory_space<vmem_shared>>) target_semaphore(%run_scoped3A : memref<!tpu.dma_semaphore, #tpu.memory_space<semaphore_mem>>)
      %dma_wait3A = arith.constant 0 : i32
      %dma_wait3A_17 = tpu.memref_slice %arg12[%mul3A_0, %dma_wait3A] : memref<5120x128xf32, #tpu.memory_space<vmem_shared>> -> memref<320x128xf32, #tpu.memory_space<vmem_shared>>
      %dma_wait3A_18 = arith.constant 0 : i32
      %dma_wait3A_19 = tpu.memref_slice %arg6[%mul3A_0, %dma_wait3A_18] : memref<5120x128xf32, #tpu.memory_space<hbm>> -> memref<320x128xf32, #tpu.memory_space<hbm>>
      tpu.wait_dma2 semaphore(%run_scoped3A : memref<!tpu.dma_semaphore, #tpu.memory_space<semaphore_mem>>) src(%dma_wait3A_19 : memref<320x128xf32, #tpu.memory_space<hbm>>) dst(%dma_wait3A_17 : memref<320x128xf32, #tpu.memory_space<vmem_shared>>)
      tpu.yield
    }) : () -> ()
    "tpu.region"() ({
      %run_scoped3A = tpu.sem_alloc : memref<!tpu.dma_semaphore, #tpu.memory_space<semaphore_mem>>
      %dma_start3A = arith.constant 0 : i32
      %dma_start3A_14 = arith.constant 0 : i32
      %dma_start3A_15 = tpu.memref_slice %arg6[%dma_start3A, %dma_start3A_14] : memref<5120x128xf32, #tpu.memory_space<hbm>> -> memref<40x128xf32, #tpu.memory_space<hbm>>
      %dma_start3A_16 = arith.constant 0 : i32
      %dma_start3A_17 = arith.constant 0 : i32
      %dma_start3A_18 = tpu.memref_slice %arg6[%dma_start3A_16, %dma_start3A_17] : memref<5120x128xf32, #tpu.memory_space<hbm>> -> memref<40x128xf32, #tpu.memory_space<hbm>>
      tpu.enqueue_dma source(%dma_start3A_18 : memref<40x128xf32, #tpu.memory_space<hbm>>) target(%arg17 : memref<40x128xf32, #tpu.memory_space<vmem>>) target_semaphore(%run_scoped3A : memref<!tpu.dma_semaphore, #tpu.memory_space<semaphore_mem>>)
      %dma_wait3A = arith.constant 0 : i32
      %dma_wait3A_19 = arith.constant 0 : i32
      %dma_wait3A_20 = tpu.memref_slice %arg6[%dma_wait3A, %dma_wait3A_19] : memref<5120x128xf32, #tpu.memory_space<hbm>> -> memref<40x128xf32, #tpu.memory_space<hbm>>
      %dma_wait3A_21 = arith.constant 0 : i32
      %dma_wait3A_22 = arith.constant 0 : i32
      %dma_wait3A_23 = tpu.memref_slice %arg6[%dma_wait3A_21, %dma_wait3A_22] : memref<5120x128xf32, #tpu.memory_space<hbm>> -> memref<40x128xf32, #tpu.memory_space<hbm>>
      tpu.wait_dma2 semaphore(%run_scoped3A : memref<!tpu.dma_semaphore, #tpu.memory_space<semaphore_mem>>) src(%dma_wait3A_23 : memref<40x128xf32, #tpu.memory_space<hbm>>) dst(%arg17 : memref<40x128xf32, #tpu.memory_space<vmem>>)
      tpu.yield
    }) : () -> ()
    "tpu.region"() ({
      %run_scoped3A = tpu.sem_alloc : memref<!tpu.dma_semaphore, #tpu.memory_space<semaphore_mem>>
      tpu.enqueue_dma source(%arg7 : memref<40xi32, #tpu.memory_space<hbm>>) target(%arg18 : memref<40xi32, #tpu.memory_space<vmem>>) target_semaphore(%run_scoped3A : memref<!tpu.dma_semaphore, #tpu.memory_space<semaphore_mem>>)
      tpu.wait_dma2 semaphore(%run_scoped3A : memref<!tpu.dma_semaphore, #tpu.memory_space<semaphore_mem>>) src(%arg7 : memref<40xi32, #tpu.memory_space<hbm>>) dst(%arg18 : memref<40xi32, #tpu.memory_space<vmem>>)
      tpu.yield
    }) : () -> ()
    %eq3A = arith.constant 0 : i32
    %eq3A_1 = arith.cmpi eq, %arg1, %eq3A : i32
    %convert_element_type3A = arith.extui %eq3A_1 : i1 to i32
    %cond3A = arith.constant 0 : i32
    %cond3A_2 = arith.cmpi ne, %convert_element_type3A, %cond3A : i32
    scf.if %cond3A_2 {
      "tpu.region"() ({
        %run_scoped3A = tpu.sem_alloc : memref<!tpu.dma_semaphore, #tpu.memory_space<semaphore_mem>>
        %dma_start3A = arith.constant 0 : i32
        %dma_start3A_14 = arith.constant 0 : i32
        %dma_start3A_15 = tpu.memref_slice %arg6[%dma_start3A, %dma_start3A_14] : memref<5120x128xf32, #tpu.memory_space<hbm>> -> memref<40x128xf32, #tpu.memory_space<hbm>>
        tpu.enqueue_dma source(%dma_start3A_15 : memref<40x128xf32, #tpu.memory_space<hbm>>) target(%arg14 : memref<40x128xf32, #tpu.memory_space<vmem_shared>>) target_semaphore(%run_scoped3A : memref<!tpu.dma_semaphore, #tpu.memory_space<semaphore_mem>>)
        %dma_wait3A = arith.constant 0 : i32
        %dma_wait3A_16 = arith.constant 0 : i32
        %dma_wait3A_17 = tpu.memref_slice %arg6[%dma_wait3A, %dma_wait3A_16] : memref<5120x128xf32, #tpu.memory_space<hbm>> -> memref<40x128xf32, #tpu.memory_space<hbm>>
        tpu.wait_dma2 semaphore(%run_scoped3A : memref<!tpu.dma_semaphore, #tpu.memory_space<semaphore_mem>>) src(%dma_wait3A_17 : memref<40x128xf32, #tpu.memory_space<hbm>>) dst(%arg14 : memref<40x128xf32, #tpu.memory_space<vmem_shared>>)
        tpu.yield
      }) : () -> ()
    } else {
    }
    %broadcast_in_dim3A = arith.constant 1.000000e+00 : f32
    %broadcast_in_dim3A_3 = vector.broadcast %broadcast_in_dim3A : f32 to vector<16xf32>
    %eq3A_4 = arith.constant 0 : i32
    %eq3A_5 = arith.cmpi eq, %arg0, %eq3A_4 : i32
    %convert_element_type3A_6 = arith.extui %eq3A_5 : i1 to i32
    %cond3A_7 = arith.constant 0 : i32
    %cond3A_8 = arith.cmpi ne, %convert_element_type3A_6, %cond3A_7 : i32
    scf.if %cond3A_8 {
      "tpu.region"() ({
        %run_scoped3A = tpu.sem_alloc : memref<!tpu.dma_semaphore, #tpu.memory_space<semaphore_mem>>
        %dma_start3A = arith.constant 0 : i32
        %dma_start3A_24 = tpu.memref_slice %arg13[%mul3A_0, %dma_start3A] : memref<5120x128xf32, #tpu.memory_space<vmem_shared>> -> memref<320x128xf32, #tpu.memory_space<vmem_shared>>
        %dma_start3A_25 = arith.constant 0 : i32
        %dma_start3A_26 = tpu.memref_slice %arg2[%mul3A_0, %dma_start3A_25] : memref<5120x128xf32, #tpu.memory_space<hbm>> -> memref<320x128xf32, #tpu.memory_space<hbm>>
        tpu.enqueue_dma source(%dma_start3A_26 : memref<320x128xf32, #tpu.memory_space<hbm>>) target(%dma_start3A_24 : memref<320x128xf32, #tpu.memory_space<vmem_shared>>) target_semaphore(%run_scoped3A : memref<!tpu.dma_semaphore, #tpu.memory_space<semaphore_mem>>)
        %dma_wait3A = arith.constant 0 : i32
        %dma_wait3A_27 = tpu.memref_slice %arg13[%mul3A_0, %dma_wait3A] : memref<5120x128xf32, #tpu.memory_space<vmem_shared>> -> memref<320x128xf32, #tpu.memory_space<vmem_shared>>
        %dma_wait3A_28 = arith.constant 0 : i32
        %dma_wait3A_29 = tpu.memref_slice %arg2[%mul3A_0, %dma_wait3A_28] : memref<5120x128xf32, #tpu.memory_space<hbm>> -> memref<320x128xf32, #tpu.memory_space<hbm>>
        tpu.wait_dma2 semaphore(%run_scoped3A : memref<!tpu.dma_semaphore, #tpu.memory_space<semaphore_mem>>) src(%dma_wait3A_29 : memref<320x128xf32, #tpu.memory_space<hbm>>) dst(%dma_wait3A_27 : memref<320x128xf32, #tpu.memory_space<vmem_shared>>)
        tpu.yield
      }) : () -> ()
      %barrier3A = arith.constant 0 : index
      tpu.barrier barrier_id(%barrier3A)
      %scan3A = arith.constant 0 : i32
      %scan3A_14 = arith.constant 5 : i32
      %scan3A_15 = arith.addi %scan3A, %scan3A_14 : i32
      %scan3A_16 = arith.constant 1 : i32
      scf.for %scan3A_24 = %scan3A to %scan3A_15 step %scan3A_16  : i32 {
        %mul3A_25 = arith.constant 1 : i32
        %mul3A_26 = arith.muli %scan3A_24, %mul3A_25 : i32
        %add3A = arith.constant 0 : i32
        %add3A_27 = arith.addi %add3A, %mul3A_26 : i32
        %mul3A_28 = arith.constant 32 : i32
        %mul3A_29 = arith.muli %add3A_27, %mul3A_28 : i32
        "tpu.region"() ({
          %run_scoped3A = tpu.sem_alloc : memref<!tpu.dma_semaphore, #tpu.memory_space<semaphore_mem>>
          %dma_start3A_63 = arith.constant 0 : i32
          %dma_start3A_64 = tpu.memref_slice %arg4[%arg1, %mul3A_29, %dma_start3A_63] : memref<16x160x64xi32, #tpu.memory_space<hbm>> -> memref<1x32x64xi32, #tpu.memory_space<hbm>>
          %dma_start3A_65 = tpu.memref_squeeze %dma_start3A_64 : memref<1x32x64xi32, #tpu.memory_space<hbm>> -> memref<32x64xi32, #tpu.memory_space<hbm>>
          %dma_start3A_66 = arith.constant 0 : i32
          %dma_start3A_67 = tpu.memref_slice %arg4[%arg1, %mul3A_29, %dma_start3A_66] : memref<16x160x64xi32, #tpu.memory_space<hbm>> -> memref<1x32x64xi32, #tpu.memory_space<hbm>>
          %dma_start3A_68 = tpu.memref_squeeze %dma_start3A_67 : memref<1x32x64xi32, #tpu.memory_space<hbm>> -> memref<32x64xi32, #tpu.memory_space<hbm>>
          tpu.enqueue_dma source(%dma_start3A_68 : memref<32x64xi32, #tpu.memory_space<hbm>>) target(%arg15 : memref<32x64xi32, #tpu.memory_space<vmem>>) target_semaphore(%run_scoped3A : memref<!tpu.dma_semaphore, #tpu.memory_space<semaphore_mem>>)
          %dma_wait3A_69 = arith.constant 0 : i32
          %dma_wait3A_70 = tpu.memref_slice %arg4[%arg1, %mul3A_29, %dma_wait3A_69] : memref<16x160x64xi32, #tpu.memory_space<hbm>> -> memref<1x32x64xi32, #tpu.memory_space<hbm>>
          %dma_wait3A_71 = tpu.memref_squeeze %dma_wait3A_70 : memref<1x32x64xi32, #tpu.memory_space<hbm>> -> memref<32x64xi32, #tpu.memory_space<hbm>>
          %dma_wait3A_72 = arith.constant 0 : i32
          %dma_wait3A_73 = tpu.memref_slice %arg4[%arg1, %mul3A_29, %dma_wait3A_72] : memref<16x160x64xi32, #tpu.memory_space<hbm>> -> memref<1x32x64xi32, #tpu.memory_space<hbm>>
          %dma_wait3A_74 = tpu.memref_squeeze %dma_wait3A_73 : memref<1x32x64xi32, #tpu.memory_space<hbm>> -> memref<32x64xi32, #tpu.memory_space<hbm>>
          tpu.wait_dma2 semaphore(%run_scoped3A : memref<!tpu.dma_semaphore, #tpu.memory_space<semaphore_mem>>) src(%dma_wait3A_74 : memref<32x64xi32, #tpu.memory_space<hbm>>) dst(%arg15 : memref<32x64xi32, #tpu.memory_space<vmem>>)
          tpu.yield
        }) : () -> ()
        %mul3A_30 = arith.constant 32 : i32
        %mul3A_31 = arith.muli %add3A_27, %mul3A_30 : i32
        "tpu.region"() ({
          %run_scoped3A = tpu.sem_alloc : memref<!tpu.dma_semaphore, #tpu.memory_space<semaphore_mem>>
          %dma_start3A_63 = arith.constant 0 : i32
          %dma_start3A_64 = tpu.memref_slice %arg5[%arg1, %mul3A_31, %dma_start3A_63] : memref<16x160x64xi32, #tpu.memory_space<hbm>> -> memref<1x32x64xi32, #tpu.memory_space<hbm>>
          %dma_start3A_65 = tpu.memref_squeeze %dma_start3A_64 : memref<1x32x64xi32, #tpu.memory_space<hbm>> -> memref<32x64xi32, #tpu.memory_space<hbm>>
          %dma_start3A_66 = arith.constant 0 : i32
          %dma_start3A_67 = tpu.memref_slice %arg5[%arg1, %mul3A_31, %dma_start3A_66] : memref<16x160x64xi32, #tpu.memory_space<hbm>> -> memref<1x32x64xi32, #tpu.memory_space<hbm>>
          %dma_start3A_68 = tpu.memref_squeeze %dma_start3A_67 : memref<1x32x64xi32, #tpu.memory_space<hbm>> -> memref<32x64xi32, #tpu.memory_space<hbm>>
          tpu.enqueue_dma source(%dma_start3A_68 : memref<32x64xi32, #tpu.memory_space<hbm>>) target(%arg16 : memref<32x64xi32, #tpu.memory_space<vmem>>) target_semaphore(%run_scoped3A : memref<!tpu.dma_semaphore, #tpu.memory_space<semaphore_mem>>)
          %dma_wait3A_69 = arith.constant 0 : i32
          %dma_wait3A_70 = tpu.memref_slice %arg5[%arg1, %mul3A_31, %dma_wait3A_69] : memref<16x160x64xi32, #tpu.memory_space<hbm>> -> memref<1x32x64xi32, #tpu.memory_space<hbm>>
          %dma_wait3A_71 = tpu.memref_squeeze %dma_wait3A_70 : memref<1x32x64xi32, #tpu.memory_space<hbm>> -> memref<32x64xi32, #tpu.memory_space<hbm>>
          %dma_wait3A_72 = arith.constant 0 : i32
          %dma_wait3A_73 = tpu.memref_slice %arg5[%arg1, %mul3A_31, %dma_wait3A_72] : memref<16x160x64xi32, #tpu.memory_space<hbm>> -> memref<1x32x64xi32, #tpu.memory_space<hbm>>
          %dma_wait3A_74 = tpu.memref_squeeze %dma_wait3A_73 : memref<1x32x64xi32, #tpu.memory_space<hbm>> -> memref<32x64xi32, #tpu.memory_space<hbm>>
          tpu.wait_dma2 semaphore(%run_scoped3A : memref<!tpu.dma_semaphore, #tpu.memory_space<semaphore_mem>>) src(%dma_wait3A_74 : memref<32x64xi32, #tpu.memory_space<hbm>>) dst(%arg16 : memref<32x64xi32, #tpu.memory_space<vmem>>)
          tpu.yield
        }) : () -> ()
        %dma_start3A = arith.constant 0 : i32
        %dma_start3A_32 = arith.constant 0 : i32
        %dma_start3A_33 = tpu.memref_slice %arg15[%dma_start3A, %dma_start3A_32] : memref<32x64xi32, #tpu.memory_space<vmem>> -> memref<1x64xi32, #tpu.memory_space<vmem>>
        %dma_start3A_34 = tpu.memref_squeeze %dma_start3A_33 : memref<1x64xi32, #tpu.memory_space<vmem>> -> memref<64xi32, #tpu.memory_space<vmem>>
        %dma_start3A_35 = arith.constant 0 : i32
        %dma_start3A_36 = arith.constant 0 : i32
        %dma_start3A_37 = tpu.memref_slice %arg13[%dma_start3A_35, %dma_start3A_36] : memref<5120x128xf32, #tpu.memory_space<vmem_shared>> -> memref<5120x128xf32, #tpu.memory_space<vmem_shared>>
        tpu.enqueue_indirect_dma source(%dma_start3A_37 : memref<5120x128xf32, #tpu.memory_space<vmem_shared>>) target(%arg19 : memref<64x128xf32, #tpu.memory_space<vmem>>) offsets(%dma_start3A_34 : memref<64xi32, #tpu.memory_space<vmem>>) semaphore(%arg21 : memref<!tpu.dma_semaphore, #tpu.memory_space<semaphore_mem>>)
        %dma_start3A_38 = arith.constant 1 : i32
        %dma_start3A_39 = arith.constant 0 : i32
        %dma_start3A_40 = tpu.memref_slice %arg15[%dma_start3A_38, %dma_start3A_39] : memref<32x64xi32, #tpu.memory_space<vmem>> -> memref<1x64xi32, #tpu.memory_space<vmem>>
        %dma_start3A_41 = tpu.memref_squeeze %dma_start3A_40 : memref<1x64xi32, #tpu.memory_space<vmem>> -> memref<64xi32, #tpu.memory_space<vmem>>
        %dma_start3A_42 = arith.constant 0 : i32
        %dma_start3A_43 = arith.constant 0 : i32
        %dma_start3A_44 = tpu.memref_slice %arg13[%dma_start3A_42, %dma_start3A_43] : memref<5120x128xf32, #tpu.memory_space<vmem_shared>> -> memref<5120x128xf32, #tpu.memory_space<vmem_shared>>
        tpu.enqueue_indirect_dma source(%dma_start3A_44 : memref<5120x128xf32, #tpu.memory_space<vmem_shared>>) target(%arg20 : memref<64x128xf32, #tpu.memory_space<vmem>>) offsets(%dma_start3A_41 : memref<64xi32, #tpu.memory_space<vmem>>) semaphore(%arg22 : memref<!tpu.dma_semaphore, #tpu.memory_space<semaphore_mem>>)
        %scan3A_45 = arith.constant 0 : i32
        %scan3A_46 = arith.constant 16 : i32
        %scan3A_47 = arith.addi %scan3A_45, %scan3A_46 : i32
        %scan3A_48 = arith.constant 1 : i32
        scf.for %scan3A_63 = %scan3A_45 to %scan3A_47 step %scan3A_48  : i32 {
          %mul3A_64 = arith.constant 1 : i32
          %mul3A_65 = arith.muli %scan3A_63, %mul3A_64 : i32
          %add3A_66 = arith.constant 0 : i32
          %add3A_67 = arith.addi %add3A_66, %mul3A_65 : i32
          %mul3A_68 = arith.constant 2 : i32
          %mul3A_69 = arith.muli %add3A_67, %mul3A_68 : i32
          %add3A_70 = arith.constant 0 : i32
          %add3A_71 = arith.addi %mul3A_69, %add3A_70 : i32
          %dma_wait3A_72 = arith.constant 0 : i32
          %dma_wait3A_73 = tpu.memref_slice %arg15[%add3A_71, %dma_wait3A_72] : memref<32x64xi32, #tpu.memory_space<vmem>> -> memref<1x64xi32, #tpu.memory_space<vmem>>
          %dma_wait3A_74 = tpu.memref_squeeze %dma_wait3A_73 : memref<1x64xi32, #tpu.memory_space<vmem>> -> memref<64xi32, #tpu.memory_space<vmem>>
          %dma_wait3A_75 = arith.constant 0 : i32
          %dma_wait3A_76 = arith.constant 0 : i32
          %dma_wait3A_77 = tpu.memref_slice %arg13[%dma_wait3A_75, %dma_wait3A_76] : memref<5120x128xf32, #tpu.memory_space<vmem_shared>> -> memref<5120x128xf32, #tpu.memory_space<vmem_shared>>
          tpu.wait_indirect_dma semaphore(%arg21 : memref<!tpu.dma_semaphore, #tpu.memory_space<semaphore_mem>>) src(%dma_wait3A_77 : memref<5120x128xf32, #tpu.memory_space<vmem_shared>>) dst(%arg19 : memref<64x128xf32, #tpu.memory_space<vmem>>)
          %dma_start3A_78 = arith.constant 0 : i32
          %dma_start3A_79 = tpu.memref_slice %arg16[%add3A_71, %dma_start3A_78] : memref<32x64xi32, #tpu.memory_space<vmem>> -> memref<1x64xi32, #tpu.memory_space<vmem>>
          %dma_start3A_80 = tpu.memref_squeeze %dma_start3A_79 : memref<1x64xi32, #tpu.memory_space<vmem>> -> memref<64xi32, #tpu.memory_space<vmem>>
          %dma_start3A_81 = arith.constant 0 : i32
          %dma_start3A_82 = arith.constant 0 : i32
          %dma_start3A_83 = tpu.memref_slice %arg12[%dma_start3A_81, %dma_start3A_82] : memref<5120x128xf32, #tpu.memory_space<vmem_shared>> -> memref<5120x128xf32, #tpu.memory_space<vmem_shared>>
          tpu.enqueue_indirect_dma source(%arg19 : memref<64x128xf32, #tpu.memory_space<vmem>>) target(%dma_start3A_83 : memref<5120x128xf32, #tpu.memory_space<vmem_shared>>) offsets(%dma_start3A_80 : memref<64xi32, #tpu.memory_space<vmem>>) semaphore(%arg23 : memref<!tpu.dma_semaphore, #tpu.memory_space<semaphore_mem>>) {add = true}
          %scan3A_84 = arith.constant 0 : i32
          %scan3A_85 = arith.constant 4 : i32
          %scan3A_86 = arith.addi %scan3A_84, %scan3A_85 : i32
          %scan3A_87 = arith.constant 1 : i32
          scf.for %scan3A_114 = %scan3A_84 to %scan3A_86 step %scan3A_87  : i32 {
            %mul3A_115 = arith.constant 1 : i32
            %mul3A_116 = arith.muli %scan3A_114, %mul3A_115 : i32
            %add3A_117 = arith.constant 0 : i32
            %add3A_118 = arith.addi %add3A_117, %mul3A_116 : i32
            %mul3A_119 = arith.constant 16 : i32
            %mul3A_120 = arith.muli %add3A_118, %mul3A_119 : i32
            %get3A = arith.index_cast %add3A_71 : i32 to index
            %get3A_121 = arith.index_cast %mul3A_120 : i32 to index
            %get3A_122 = tpu.vector_load %arg16[%get3A, %get3A_121] {strides = array<i32>} : memref<32x64xi32, #tpu.memory_space<vmem>>, vector<16xi32>,
            %shift_right_arithmetic3A = arith.constant 7 : i32
            %shift_right_arithmetic3A_123 = vector.broadcast %shift_right_arithmetic3A : i32 to vector<16xi32>
            %shift_right_arithmetic3A_124 = arith.shrsi %get3A_122, %shift_right_arithmetic3A_123 : vector<16xi32>
            %and3A = arith.constant 127 : i32
            %and3A_125 = vector.broadcast %and3A : i32 to vector<16xi32>
            %and3A_126 = arith.andi %get3A_122, %and3A_125 : vector<16xi32>
            tpu.vector_store_idx %arg17[%shift_right_arithmetic3A_124, %and3A_126], %broadcast_in_dim3A_3 {add = true} : memref<40x128xf32, #tpu.memory_space<vmem>>[vector<16xi32>, vector<16xi32>], vector<16xf32>,
          }
          %scan3A_88 = arith.constant 4 : i32
          %mul3A_89 = arith.constant 2 : i32
          %mul3A_90 = arith.muli %add3A_67, %mul3A_89 : i32
          %add3A_91 = arith.constant 1 : i32
          %add3A_92 = arith.addi %mul3A_90, %add3A_91 : i32
          %dma_wait3A_93 = arith.constant 0 : i32
          %dma_wait3A_94 = tpu.memref_slice %arg15[%add3A_92, %dma_wait3A_93] : memref<32x64xi32, #tpu.memory_space<vmem>> -> memref<1x64xi32, #tpu.memory_space<vmem>>
          %dma_wait3A_95 = tpu.memref_squeeze %dma_wait3A_94 : memref<1x64xi32, #tpu.memory_space<vmem>> -> memref<64xi32, #tpu.memory_space<vmem>>
          %dma_wait3A_96 = arith.constant 0 : i32
          %dma_wait3A_97 = arith.constant 0 : i32
          %dma_wait3A_98 = tpu.memref_slice %arg13[%dma_wait3A_96, %dma_wait3A_97] : memref<5120x128xf32, #tpu.memory_space<vmem_shared>> -> memref<5120x128xf32, #tpu.memory_space<vmem_shared>>
          tpu.wait_indirect_dma semaphore(%arg22 : memref<!tpu.dma_semaphore, #tpu.memory_space<semaphore_mem>>) src(%dma_wait3A_98 : memref<5120x128xf32, #tpu.memory_space<vmem_shared>>) dst(%arg20 : memref<64x128xf32, #tpu.memory_space<vmem>>)
          %dma_start3A_99 = arith.constant 0 : i32
          %dma_start3A_100 = tpu.memref_slice %arg16[%add3A_92, %dma_start3A_99] : memref<32x64xi32, #tpu.memory_space<vmem>> -> memref<1x64xi32, #tpu.memory_space<vmem>>
          %dma_start3A_101 = tpu.memref_squeeze %dma_start3A_100 : memref<1x64xi32, #tpu.memory_space<vmem>> -> memref<64xi32, #tpu.memory_space<vmem>>
          %dma_start3A_102 = arith.constant 0 : i32
          %dma_start3A_103 = arith.constant 0 : i32
          %dma_start3A_104 = tpu.memref_slice %arg12[%dma_start3A_102, %dma_start3A_103] : memref<5120x128xf32, #tpu.memory_space<vmem_shared>> -> memref<5120x128xf32, #tpu.memory_space<vmem_shared>>
          tpu.enqueue_indirect_dma source(%arg20 : memref<64x128xf32, #tpu.memory_space<vmem>>) target(%dma_start3A_104 : memref<5120x128xf32, #tpu.memory_space<vmem_shared>>) offsets(%dma_start3A_101 : memref<64xi32, #tpu.memory_space<vmem>>) semaphore(%arg24 : memref<!tpu.dma_semaphore, #tpu.memory_space<semaphore_mem>>) {add = true}
          %scan3A_105 = arith.constant 0 : i32
          %scan3A_106 = arith.constant 4 : i32
          %scan3A_107 = arith.addi %scan3A_105, %scan3A_106 : i32
          %scan3A_108 = arith.constant 1 : i32
          scf.for %scan3A_114 = %scan3A_105 to %scan3A_107 step %scan3A_108  : i32 {
            %mul3A_115 = arith.constant 1 : i32
            %mul3A_116 = arith.muli %scan3A_114, %mul3A_115 : i32
            %add3A_117 = arith.constant 0 : i32
            %add3A_118 = arith.addi %add3A_117, %mul3A_116 : i32
            %mul3A_119 = arith.constant 16 : i32
            %mul3A_120 = arith.muli %add3A_118, %mul3A_119 : i32
            %get3A = arith.index_cast %add3A_92 : i32 to index
            %get3A_121 = arith.index_cast %mul3A_120 : i32 to index
            %get3A_122 = tpu.vector_load %arg16[%get3A, %get3A_121] {strides = array<i32>} : memref<32x64xi32, #tpu.memory_space<vmem>>, vector<16xi32>,
            %shift_right_arithmetic3A = arith.constant 7 : i32
            %shift_right_arithmetic3A_123 = vector.broadcast %shift_right_arithmetic3A : i32 to vector<16xi32>
            %shift_right_arithmetic3A_124 = arith.shrsi %get3A_122, %shift_right_arithmetic3A_123 : vector<16xi32>
            %and3A = arith.constant 127 : i32
            %and3A_125 = vector.broadcast %and3A : i32 to vector<16xi32>
            %and3A_126 = arith.andi %get3A_122, %and3A_125 : vector<16xi32>
            tpu.vector_store_idx %arg17[%shift_right_arithmetic3A_124, %and3A_126], %broadcast_in_dim3A_3 {add = true} : memref<40x128xf32, #tpu.memory_space<vmem>>[vector<16xi32>, vector<16xi32>], vector<16xf32>,
          }
          %scan3A_109 = arith.constant 4 : i32
          %lt3A = arith.constant 15 : i32
          %lt3A_110 = arith.cmpi slt, %add3A_67, %lt3A : i32
          %convert_element_type3A_111 = arith.extui %lt3A_110 : i1 to i32
          %cond3A_112 = arith.constant 0 : i32
          %cond3A_113 = arith.cmpi ne, %convert_element_type3A_111, %cond3A_112 : i32
          scf.if %cond3A_113 {
            %mul3A_114 = arith.constant 2 : i32
            %mul3A_115 = arith.muli %add3A_67, %mul3A_114 : i32
            %add3A_116 = arith.constant 0 : i32
            %add3A_117 = arith.addi %mul3A_115, %add3A_116 : i32
            %dma_wait3A_118 = arith.constant 0 : i32
            %dma_wait3A_119 = tpu.memref_slice %arg16[%add3A_117, %dma_wait3A_118] : memref<32x64xi32, #tpu.memory_space<vmem>> -> memref<1x64xi32, #tpu.memory_space<vmem>>
            %dma_wait3A_120 = tpu.memref_squeeze %dma_wait3A_119 : memref<1x64xi32, #tpu.memory_space<vmem>> -> memref<64xi32, #tpu.memory_space<vmem>>
            %dma_wait3A_121 = arith.constant 0 : i32
            %dma_wait3A_122 = arith.constant 0 : i32
            %dma_wait3A_123 = tpu.memref_slice %arg12[%dma_wait3A_121, %dma_wait3A_122] : memref<5120x128xf32, #tpu.memory_space<vmem_shared>> -> memref<5120x128xf32, #tpu.memory_space<vmem_shared>>
            tpu.wait_indirect_dma semaphore(%arg23 : memref<!tpu.dma_semaphore, #tpu.memory_space<semaphore_mem>>) src(%arg19 : memref<64x128xf32, #tpu.memory_space<vmem>>) dst(%dma_wait3A_123 : memref<5120x128xf32, #tpu.memory_space<vmem_shared>>)
            %add3A_124 = arith.constant 1 : i32
            %add3A_125 = arith.addi %add3A_67, %add3A_124 : i32
            %mul3A_126 = arith.constant 2 : i32
            %mul3A_127 = arith.muli %add3A_125, %mul3A_126 : i32
            %add3A_128 = arith.constant 0 : i32
            %add3A_129 = arith.addi %mul3A_127, %add3A_128 : i32
            %dma_start3A_130 = arith.constant 0 : i32
            %dma_start3A_131 = tpu.memref_slice %arg15[%add3A_129, %dma_start3A_130] : memref<32x64xi32, #tpu.memory_space<vmem>> -> memref<1x64xi32, #tpu.memory_space<vmem>>
            %dma_start3A_132 = tpu.memref_squeeze %dma_start3A_131 : memref<1x64xi32, #tpu.memory_space<vmem>> -> memref<64xi32, #tpu.memory_space<vmem>>
            %dma_start3A_133 = arith.constant 0 : i32
            %dma_start3A_134 = arith.constant 0 : i32
            %dma_start3A_135 = tpu.memref_slice %arg13[%dma_start3A_133, %dma_start3A_134] : memref<5120x128xf32, #tpu.memory_space<vmem_shared>> -> memref<5120x128xf32, #tpu.memory_space<vmem_shared>>
            tpu.enqueue_indirect_dma source(%dma_start3A_135 : memref<5120x128xf32, #tpu.memory_space<vmem_shared>>) target(%arg19 : memref<64x128xf32, #tpu.memory_space<vmem>>) offsets(%dma_start3A_132 : memref<64xi32, #tpu.memory_space<vmem>>) semaphore(%arg21 : memref<!tpu.dma_semaphore, #tpu.memory_space<semaphore_mem>>)
            %mul3A_136 = arith.constant 2 : i32
            %mul3A_137 = arith.muli %add3A_67, %mul3A_136 : i32
            %add3A_138 = arith.constant 1 : i32
            %add3A_139 = arith.addi %mul3A_137, %add3A_138 : i32
            %dma_wait3A_140 = arith.constant 0 : i32
            %dma_wait3A_141 = tpu.memref_slice %arg16[%add3A_139, %dma_wait3A_140] : memref<32x64xi32, #tpu.memory_space<vmem>> -> memref<1x64xi32, #tpu.memory_space<vmem>>
            %dma_wait3A_142 = tpu.memref_squeeze %dma_wait3A_141 : memref<1x64xi32, #tpu.memory_space<vmem>> -> memref<64xi32, #tpu.memory_space<vmem>>
            %dma_wait3A_143 = arith.constant 0 : i32
            %dma_wait3A_144 = arith.constant 0 : i32
            %dma_wait3A_145 = tpu.memref_slice %arg12[%dma_wait3A_143, %dma_wait3A_144] : memref<5120x128xf32, #tpu.memory_space<vmem_shared>> -> memref<5120x128xf32, #tpu.memory_space<vmem_shared>>
            tpu.wait_indirect_dma semaphore(%arg24 : memref<!tpu.dma_semaphore, #tpu.memory_space<semaphore_mem>>) src(%arg20 : memref<64x128xf32, #tpu.memory_space<vmem>>) dst(%dma_wait3A_145 : memref<5120x128xf32, #tpu.memory_space<vmem_shared>>)
            %add3A_146 = arith.constant 1 : i32
            %add3A_147 = arith.addi %add3A_67, %add3A_146 : i32
            %mul3A_148 = arith.constant 2 : i32
            %mul3A_149 = arith.muli %add3A_147, %mul3A_148 : i32
            %add3A_150 = arith.constant 1 : i32
            %add3A_151 = arith.addi %mul3A_149, %add3A_150 : i32
            %dma_start3A_152 = arith.constant 0 : i32
            %dma_start3A_153 = tpu.memref_slice %arg15[%add3A_151, %dma_start3A_152] : memref<32x64xi32, #tpu.memory_space<vmem>> -> memref<1x64xi32, #tpu.memory_space<vmem>>
            %dma_start3A_154 = tpu.memref_squeeze %dma_start3A_153 : memref<1x64xi32, #tpu.memory_space<vmem>> -> memref<64xi32, #tpu.memory_space<vmem>>
            %dma_start3A_155 = arith.constant 0 : i32
            %dma_start3A_156 = arith.constant 0 : i32
            %dma_start3A_157 = tpu.memref_slice %arg13[%dma_start3A_155, %dma_start3A_156] : memref<5120x128xf32, #tpu.memory_space<vmem_shared>> -> memref<5120x128xf32, #tpu.memory_space<vmem_shared>>
            tpu.enqueue_indirect_dma source(%dma_start3A_157 : memref<5120x128xf32, #tpu.memory_space<vmem_shared>>) target(%arg20 : memref<64x128xf32, #tpu.memory_space<vmem>>) offsets(%dma_start3A_154 : memref<64xi32, #tpu.memory_space<vmem>>) semaphore(%arg22 : memref<!tpu.dma_semaphore, #tpu.memory_space<semaphore_mem>>)
          } else {
          }
        }
        %scan3A_49 = arith.constant 16 : i32
        %dma_wait3A = arith.constant 30 : i32
        %dma_wait3A_50 = arith.constant 0 : i32
        %dma_wait3A_51 = tpu.memref_slice %arg16[%dma_wait3A, %dma_wait3A_50] : memref<32x64xi32, #tpu.memory_space<vmem>> -> memref<1x64xi32, #tpu.memory_space<vmem>>
        %dma_wait3A_52 = tpu.memref_squeeze %dma_wait3A_51 : memref<1x64xi32, #tpu.memory_space<vmem>> -> memref<64xi32, #tpu.memory_space<vmem>>
        %dma_wait3A_53 = arith.constant 0 : i32
        %dma_wait3A_54 = arith.constant 0 : i32
        %dma_wait3A_55 = tpu.memref_slice %arg12[%dma_wait3A_53, %dma_wait3A_54] : memref<5120x128xf32, #tpu.memory_space<vmem_shared>> -> memref<5120x128xf32, #tpu.memory_space<vmem_shared>>
        tpu.wait_indirect_dma semaphore(%arg23 : memref<!tpu.dma_semaphore, #tpu.memory_space<semaphore_mem>>) src(%arg19 : memref<64x128xf32, #tpu.memory_space<vmem>>) dst(%dma_wait3A_55 : memref<5120x128xf32, #tpu.memory_space<vmem_shared>>)
        %dma_wait3A_56 = arith.constant 31 : i32
        %dma_wait3A_57 = arith.constant 0 : i32
        %dma_wait3A_58 = tpu.memref_slice %arg16[%dma_wait3A_56, %dma_wait3A_57] : memref<32x64xi32, #tpu.memory_space<vmem>> -> memref<1x64xi32, #tpu.memory_space<vmem>>
        %dma_wait3A_59 = tpu.memref_squeeze %dma_wait3A_58 : memref<1x64xi32, #tpu.memory_space<vmem>> -> memref<64xi32, #tpu.memory_space<vmem>>
        %dma_wait3A_60 = arith.constant 0 : i32
        %dma_wait3A_61 = arith.constant 0 : i32
        %dma_wait3A_62 = tpu.memref_slice %arg12[%dma_wait3A_60, %dma_wait3A_61] : memref<5120x128xf32, #tpu.memory_space<vmem_shared>> -> memref<5120x128xf32, #tpu.memory_space<vmem_shared>>
        tpu.wait_indirect_dma semaphore(%arg24 : memref<!tpu.dma_semaphore, #tpu.memory_space<semaphore_mem>>) src(%arg20 : memref<64x128xf32, #tpu.memory_space<vmem>>) dst(%dma_wait3A_62 : memref<5120x128xf32, #tpu.memory_space<vmem_shared>>)
      }
      %scan3A_17 = arith.constant 5 : i32
      "tpu.region"() ({
        %run_scoped3A = tpu.sem_alloc : memref<!tpu.dma_semaphore, #tpu.memory_space<semaphore_mem>>
        %dma_start3A = arith.constant 0 : i32
        %dma_start3A_24 = arith.constant 0 : i32
        %dma_start3A_25 = tpu.memref_slice %arg14[%dma_start3A, %dma_start3A_24] : memref<40x128xf32, #tpu.memory_space<vmem_shared>> -> memref<40x128xf32, #tpu.memory_space<vmem_shared>>
        tpu.enqueue_indirect_dma source(%arg17 : memref<40x128xf32, #tpu.memory_space<vmem>>) target(%dma_start3A_25 : memref<40x128xf32, #tpu.memory_space<vmem_shared>>) offsets(%arg18 : memref<40xi32, #tpu.memory_space<vmem>>) semaphore(%run_scoped3A : memref<!tpu.dma_semaphore, #tpu.memory_space<semaphore_mem>>) {add = true}
        %dma_wait3A = arith.constant 0 : i32
        %dma_wait3A_26 = arith.constant 0 : i32
        %dma_wait3A_27 = tpu.memref_slice %arg14[%dma_wait3A, %dma_wait3A_26] : memref<40x128xf32, #tpu.memory_space<vmem_shared>> -> memref<40x128xf32, #tpu.memory_space<vmem_shared>>
        tpu.wait_indirect_dma semaphore(%run_scoped3A : memref<!tpu.dma_semaphore, #tpu.memory_space<semaphore_mem>>) src(%arg17 : memref<40x128xf32, #tpu.memory_space<vmem>>) dst(%dma_wait3A_27 : memref<40x128xf32, #tpu.memory_space<vmem_shared>>)
        tpu.yield
      }) : () -> ()
      %barrier3A_18 = arith.constant 0 : index
      tpu.barrier barrier_id(%barrier3A_18)
      "tpu.region"() ({
        %run_scoped3A = tpu.sem_alloc : memref<!tpu.dma_semaphore, #tpu.memory_space<semaphore_mem>>
        %dma_start3A = arith.constant 0 : i32
        %dma_start3A_24 = tpu.memref_slice %arg8[%mul3A_0, %dma_start3A] : memref<5120x128xf32, #tpu.memory_space<hbm>> -> memref<320x128xf32, #tpu.memory_space<hbm>>
        %dma_start3A_25 = arith.constant 0 : i32
        %dma_start3A_26 = tpu.memref_slice %arg12[%mul3A_0, %dma_start3A_25] : memref<5120x128xf32, #tpu.memory_space<vmem_shared>> -> memref<320x128xf32, #tpu.memory_space<vmem_shared>>
        tpu.enqueue_dma source(%dma_start3A_26 : memref<320x128xf32, #tpu.memory_space<vmem_shared>>) target(%dma_start3A_24 : memref<320x128xf32, #tpu.memory_space<hbm>>) target_semaphore(%run_scoped3A : memref<!tpu.dma_semaphore, #tpu.memory_space<semaphore_mem>>)
        %dma_wait3A = arith.constant 0 : i32
        %dma_wait3A_27 = tpu.memref_slice %arg8[%mul3A_0, %dma_wait3A] : memref<5120x128xf32, #tpu.memory_space<hbm>> -> memref<320x128xf32, #tpu.memory_space<hbm>>
        %dma_wait3A_28 = arith.constant 0 : i32
        %dma_wait3A_29 = tpu.memref_slice %arg12[%mul3A_0, %dma_wait3A_28] : memref<5120x128xf32, #tpu.memory_space<vmem_shared>> -> memref<320x128xf32, #tpu.memory_space<vmem_shared>>
        tpu.wait_dma2 semaphore(%run_scoped3A : memref<!tpu.dma_semaphore, #tpu.memory_space<semaphore_mem>>) src(%dma_wait3A_29 : memref<320x128xf32, #tpu.memory_space<vmem_shared>>) dst(%dma_wait3A_27 : memref<320x128xf32, #tpu.memory_space<hbm>>)
        tpu.yield
      }) : () -> ()
      %eq3A_19 = arith.constant 0 : i32
      %eq3A_20 = arith.cmpi eq, %arg1, %eq3A_19 : i32
      %convert_element_type3A_21 = arith.extui %eq3A_20 : i1 to i32
      %cond3A_22 = arith.constant 0 : i32
      %cond3A_23 = arith.cmpi ne, %convert_element_type3A_21, %cond3A_22 : i32
      scf.if %cond3A_23 {
        "tpu.region"() ({
          %run_scoped3A = tpu.sem_alloc : memref<!tpu.dma_semaphore, #tpu.memory_space<semaphore_mem>>
          tpu.enqueue_dma source(%arg14 : memref<40x128xf32, #tpu.memory_space<vmem_shared>>) target(%arg10 : memref<40x128xf32, #tpu.memory_space<hbm>>) target_semaphore(%run_scoped3A : memref<!tpu.dma_semaphore, #tpu.memory_space<semaphore_mem>>)
          tpu.wait_dma2 semaphore(%run_scoped3A : memref<!tpu.dma_semaphore, #tpu.memory_space<semaphore_mem>>) src(%arg14 : memref<40x128xf32, #tpu.memory_space<vmem_shared>>) dst(%arg10 : memref<40x128xf32, #tpu.memory_space<hbm>>)
          tpu.yield
        }) : () -> ()
      } else {
      }
    } else {
    }
    %eq3A_9 = arith.constant 1 : i32
    %eq3A_10 = arith.cmpi eq, %arg0, %eq3A_9 : i32
    %convert_element_type3A_11 = arith.extui %eq3A_10 : i1 to i32
    %cond3A_12 = arith.constant 0 : i32
    %cond3A_13 = arith.cmpi ne, %convert_element_type3A_11, %cond3A_12 : i32
    scf.if %cond3A_13 {
      "tpu.region"() ({
        %run_scoped3A = tpu.sem_alloc : memref<!tpu.dma_semaphore, #tpu.memory_space<semaphore_mem>>
        %dma_start3A = arith.constant 0 : i32
        %dma_start3A_24 = tpu.memref_slice %arg13[%mul3A_0, %dma_start3A] : memref<5120x128xf32, #tpu.memory_space<vmem_shared>> -> memref<320x128xf32, #tpu.memory_space<vmem_shared>>
        %dma_start3A_25 = arith.constant 0 : i32
        %dma_start3A_26 = tpu.memref_slice %arg3[%mul3A_0, %dma_start3A_25] : memref<5120x128xf32, #tpu.memory_space<hbm>> -> memref<320x128xf32, #tpu.memory_space<hbm>>
        tpu.enqueue_dma source(%dma_start3A_26 : memref<320x128xf32, #tpu.memory_space<hbm>>) target(%dma_start3A_24 : memref<320x128xf32, #tpu.memory_space<vmem_shared>>) target_semaphore(%run_scoped3A : memref<!tpu.dma_semaphore, #tpu.memory_space<semaphore_mem>>)
        %dma_wait3A = arith.constant 0 : i32
        %dma_wait3A_27 = tpu.memref_slice %arg13[%mul3A_0, %dma_wait3A] : memref<5120x128xf32, #tpu.memory_space<vmem_shared>> -> memref<320x128xf32, #tpu.memory_space<vmem_shared>>
        %dma_wait3A_28 = arith.constant 0 : i32
        %dma_wait3A_29 = tpu.memref_slice %arg3[%mul3A_0, %dma_wait3A_28] : memref<5120x128xf32, #tpu.memory_space<hbm>> -> memref<320x128xf32, #tpu.memory_space<hbm>>
        tpu.wait_dma2 semaphore(%run_scoped3A : memref<!tpu.dma_semaphore, #tpu.memory_space<semaphore_mem>>) src(%dma_wait3A_29 : memref<320x128xf32, #tpu.memory_space<hbm>>) dst(%dma_wait3A_27 : memref<320x128xf32, #tpu.memory_space<vmem_shared>>)
        tpu.yield
      }) : () -> ()
      %barrier3A = arith.constant 0 : index
      tpu.barrier barrier_id(%barrier3A)
      %scan3A = arith.constant 0 : i32
      %scan3A_14 = arith.constant 5 : i32
      %scan3A_15 = arith.addi %scan3A, %scan3A_14 : i32
      %scan3A_16 = arith.constant 1 : i32
      scf.for %scan3A_24 = %scan3A to %scan3A_15 step %scan3A_16  : i32 {
        %mul3A_25 = arith.constant 1 : i32
        %mul3A_26 = arith.muli %scan3A_24, %mul3A_25 : i32
        %add3A = arith.constant 0 : i32
        %add3A_27 = arith.addi %add3A, %mul3A_26 : i32
        %mul3A_28 = arith.constant 32 : i32
        %mul3A_29 = arith.muli %add3A_27, %mul3A_28 : i32
        "tpu.region"() ({
          %run_scoped3A = tpu.sem_alloc : memref<!tpu.dma_semaphore, #tpu.memory_space<semaphore_mem>>
          %dma_start3A_63 = arith.constant 0 : i32
          %dma_start3A_64 = tpu.memref_slice %arg5[%arg1, %mul3A_29, %dma_start3A_63] : memref<16x160x64xi32, #tpu.memory_space<hbm>> -> memref<1x32x64xi32, #tpu.memory_space<hbm>>
          %dma_start3A_65 = tpu.memref_squeeze %dma_start3A_64 : memref<1x32x64xi32, #tpu.memory_space<hbm>> -> memref<32x64xi32, #tpu.memory_space<hbm>>
          %dma_start3A_66 = arith.constant 0 : i32
          %dma_start3A_67 = tpu.memref_slice %arg5[%arg1, %mul3A_29, %dma_start3A_66] : memref<16x160x64xi32, #tpu.memory_space<hbm>> -> memref<1x32x64xi32, #tpu.memory_space<hbm>>
          %dma_start3A_68 = tpu.memref_squeeze %dma_start3A_67 : memref<1x32x64xi32, #tpu.memory_space<hbm>> -> memref<32x64xi32, #tpu.memory_space<hbm>>
          tpu.enqueue_dma source(%dma_start3A_68 : memref<32x64xi32, #tpu.memory_space<hbm>>) target(%arg15 : memref<32x64xi32, #tpu.memory_space<vmem>>) target_semaphore(%run_scoped3A : memref<!tpu.dma_semaphore, #tpu.memory_space<semaphore_mem>>)
          %dma_wait3A_69 = arith.constant 0 : i32
          %dma_wait3A_70 = tpu.memref_slice %arg5[%arg1, %mul3A_29, %dma_wait3A_69] : memref<16x160x64xi32, #tpu.memory_space<hbm>> -> memref<1x32x64xi32, #tpu.memory_space<hbm>>
          %dma_wait3A_71 = tpu.memref_squeeze %dma_wait3A_70 : memref<1x32x64xi32, #tpu.memory_space<hbm>> -> memref<32x64xi32, #tpu.memory_space<hbm>>
          %dma_wait3A_72 = arith.constant 0 : i32
          %dma_wait3A_73 = tpu.memref_slice %arg5[%arg1, %mul3A_29, %dma_wait3A_72] : memref<16x160x64xi32, #tpu.memory_space<hbm>> -> memref<1x32x64xi32, #tpu.memory_space<hbm>>
          %dma_wait3A_74 = tpu.memref_squeeze %dma_wait3A_73 : memref<1x32x64xi32, #tpu.memory_space<hbm>> -> memref<32x64xi32, #tpu.memory_space<hbm>>
          tpu.wait_dma2 semaphore(%run_scoped3A : memref<!tpu.dma_semaphore, #tpu.memory_space<semaphore_mem>>) src(%dma_wait3A_74 : memref<32x64xi32, #tpu.memory_space<hbm>>) dst(%arg15 : memref<32x64xi32, #tpu.memory_space<vmem>>)
          tpu.yield
        }) : () -> ()
        %mul3A_30 = arith.constant 32 : i32
        %mul3A_31 = arith.muli %add3A_27, %mul3A_30 : i32
        "tpu.region"() ({
          %run_scoped3A = tpu.sem_alloc : memref<!tpu.dma_semaphore, #tpu.memory_space<semaphore_mem>>
          %dma_start3A_63 = arith.constant 0 : i32
          %dma_start3A_64 = tpu.memref_slice %arg4[%arg1, %mul3A_31, %dma_start3A_63] : memref<16x160x64xi32, #tpu.memory_space<hbm>> -> memref<1x32x64xi32, #tpu.memory_space<hbm>>
          %dma_start3A_65 = tpu.memref_squeeze %dma_start3A_64 : memref<1x32x64xi32, #tpu.memory_space<hbm>> -> memref<32x64xi32, #tpu.memory_space<hbm>>
          %dma_start3A_66 = arith.constant 0 : i32
          %dma_start3A_67 = tpu.memref_slice %arg4[%arg1, %mul3A_31, %dma_start3A_66] : memref<16x160x64xi32, #tpu.memory_space<hbm>> -> memref<1x32x64xi32, #tpu.memory_space<hbm>>
          %dma_start3A_68 = tpu.memref_squeeze %dma_start3A_67 : memref<1x32x64xi32, #tpu.memory_space<hbm>> -> memref<32x64xi32, #tpu.memory_space<hbm>>
          tpu.enqueue_dma source(%dma_start3A_68 : memref<32x64xi32, #tpu.memory_space<hbm>>) target(%arg16 : memref<32x64xi32, #tpu.memory_space<vmem>>) target_semaphore(%run_scoped3A : memref<!tpu.dma_semaphore, #tpu.memory_space<semaphore_mem>>)
          %dma_wait3A_69 = arith.constant 0 : i32
          %dma_wait3A_70 = tpu.memref_slice %arg4[%arg1, %mul3A_31, %dma_wait3A_69] : memref<16x160x64xi32, #tpu.memory_space<hbm>> -> memref<1x32x64xi32, #tpu.memory_space<hbm>>
          %dma_wait3A_71 = tpu.memref_squeeze %dma_wait3A_70 : memref<1x32x64xi32, #tpu.memory_space<hbm>> -> memref<32x64xi32, #tpu.memory_space<hbm>>
          %dma_wait3A_72 = arith.constant 0 : i32
          %dma_wait3A_73 = tpu.memref_slice %arg4[%arg1, %mul3A_31, %dma_wait3A_72] : memref<16x160x64xi32, #tpu.memory_space<hbm>> -> memref<1x32x64xi32, #tpu.memory_space<hbm>>
          %dma_wait3A_74 = tpu.memref_squeeze %dma_wait3A_73 : memref<1x32x64xi32, #tpu.memory_space<hbm>> -> memref<32x64xi32, #tpu.memory_space<hbm>>
          tpu.wait_dma2 semaphore(%run_scoped3A : memref<!tpu.dma_semaphore, #tpu.memory_space<semaphore_mem>>) src(%dma_wait3A_74 : memref<32x64xi32, #tpu.memory_space<hbm>>) dst(%arg16 : memref<32x64xi32, #tpu.memory_space<vmem>>)
          tpu.yield
        }) : () -> ()
        %dma_start3A = arith.constant 0 : i32
        %dma_start3A_32 = arith.constant 0 : i32
        %dma_start3A_33 = tpu.memref_slice %arg15[%dma_start3A, %dma_start3A_32] : memref<32x64xi32, #tpu.memory_space<vmem>> -> memref<1x64xi32, #tpu.memory_space<vmem>>
        %dma_start3A_34 = tpu.memref_squeeze %dma_start3A_33 : memref<1x64xi32, #tpu.memory_space<vmem>> -> memref<64xi32, #tpu.memory_space<vmem>>
        %dma_start3A_35 = arith.constant 0 : i32
        %dma_start3A_36 = arith.constant 0 : i32
        %dma_start3A_37 = tpu.memref_slice %arg13[%dma_start3A_35, %dma_start3A_36] : memref<5120x128xf32, #tpu.memory_space<vmem_shared>> -> memref<5120x128xf32, #tpu.memory_space<vmem_shared>>
        tpu.enqueue_indirect_dma source(%dma_start3A_37 : memref<5120x128xf32, #tpu.memory_space<vmem_shared>>) target(%arg19 : memref<64x128xf32, #tpu.memory_space<vmem>>) offsets(%dma_start3A_34 : memref<64xi32, #tpu.memory_space<vmem>>) semaphore(%arg21 : memref<!tpu.dma_semaphore, #tpu.memory_space<semaphore_mem>>)
        %dma_start3A_38 = arith.constant 1 : i32
        %dma_start3A_39 = arith.constant 0 : i32
        %dma_start3A_40 = tpu.memref_slice %arg15[%dma_start3A_38, %dma_start3A_39] : memref<32x64xi32, #tpu.memory_space<vmem>> -> memref<1x64xi32, #tpu.memory_space<vmem>>
        %dma_start3A_41 = tpu.memref_squeeze %dma_start3A_40 : memref<1x64xi32, #tpu.memory_space<vmem>> -> memref<64xi32, #tpu.memory_space<vmem>>
        %dma_start3A_42 = arith.constant 0 : i32
        %dma_start3A_43 = arith.constant 0 : i32
        %dma_start3A_44 = tpu.memref_slice %arg13[%dma_start3A_42, %dma_start3A_43] : memref<5120x128xf32, #tpu.memory_space<vmem_shared>> -> memref<5120x128xf32, #tpu.memory_space<vmem_shared>>
        tpu.enqueue_indirect_dma source(%dma_start3A_44 : memref<5120x128xf32, #tpu.memory_space<vmem_shared>>) target(%arg20 : memref<64x128xf32, #tpu.memory_space<vmem>>) offsets(%dma_start3A_41 : memref<64xi32, #tpu.memory_space<vmem>>) semaphore(%arg22 : memref<!tpu.dma_semaphore, #tpu.memory_space<semaphore_mem>>)
        %scan3A_45 = arith.constant 0 : i32
        %scan3A_46 = arith.constant 16 : i32
        %scan3A_47 = arith.addi %scan3A_45, %scan3A_46 : i32
        %scan3A_48 = arith.constant 1 : i32
        scf.for %scan3A_63 = %scan3A_45 to %scan3A_47 step %scan3A_48  : i32 {
          %mul3A_64 = arith.constant 1 : i32
          %mul3A_65 = arith.muli %scan3A_63, %mul3A_64 : i32
          %add3A_66 = arith.constant 0 : i32
          %add3A_67 = arith.addi %add3A_66, %mul3A_65 : i32
          %mul3A_68 = arith.constant 2 : i32
          %mul3A_69 = arith.muli %add3A_67, %mul3A_68 : i32
          %add3A_70 = arith.constant 0 : i32
          %add3A_71 = arith.addi %mul3A_69, %add3A_70 : i32
          %dma_wait3A_72 = arith.constant 0 : i32
          %dma_wait3A_73 = tpu.memref_slice %arg15[%add3A_71, %dma_wait3A_72] : memref<32x64xi32, #tpu.memory_space<vmem>> -> memref<1x64xi32, #tpu.memory_space<vmem>>
          %dma_wait3A_74 = tpu.memref_squeeze %dma_wait3A_73 : memref<1x64xi32, #tpu.memory_space<vmem>> -> memref<64xi32, #tpu.memory_space<vmem>>
          %dma_wait3A_75 = arith.constant 0 : i32
          %dma_wait3A_76 = arith.constant 0 : i32
          %dma_wait3A_77 = tpu.memref_slice %arg13[%dma_wait3A_75, %dma_wait3A_76] : memref<5120x128xf32, #tpu.memory_space<vmem_shared>> -> memref<5120x128xf32, #tpu.memory_space<vmem_shared>>
          tpu.wait_indirect_dma semaphore(%arg21 : memref<!tpu.dma_semaphore, #tpu.memory_space<semaphore_mem>>) src(%dma_wait3A_77 : memref<5120x128xf32, #tpu.memory_space<vmem_shared>>) dst(%arg19 : memref<64x128xf32, #tpu.memory_space<vmem>>)
          %dma_start3A_78 = arith.constant 0 : i32
          %dma_start3A_79 = tpu.memref_slice %arg16[%add3A_71, %dma_start3A_78] : memref<32x64xi32, #tpu.memory_space<vmem>> -> memref<1x64xi32, #tpu.memory_space<vmem>>
          %dma_start3A_80 = tpu.memref_squeeze %dma_start3A_79 : memref<1x64xi32, #tpu.memory_space<vmem>> -> memref<64xi32, #tpu.memory_space<vmem>>
          %dma_start3A_81 = arith.constant 0 : i32
          %dma_start3A_82 = arith.constant 0 : i32
          %dma_start3A_83 = tpu.memref_slice %arg12[%dma_start3A_81, %dma_start3A_82] : memref<5120x128xf32, #tpu.memory_space<vmem_shared>> -> memref<5120x128xf32, #tpu.memory_space<vmem_shared>>
          tpu.enqueue_indirect_dma source(%arg19 : memref<64x128xf32, #tpu.memory_space<vmem>>) target(%dma_start3A_83 : memref<5120x128xf32, #tpu.memory_space<vmem_shared>>) offsets(%dma_start3A_80 : memref<64xi32, #tpu.memory_space<vmem>>) semaphore(%arg23 : memref<!tpu.dma_semaphore, #tpu.memory_space<semaphore_mem>>) {add = true}
          %scan3A_84 = arith.constant 0 : i32
          %scan3A_85 = arith.constant 4 : i32
          %scan3A_86 = arith.addi %scan3A_84, %scan3A_85 : i32
          %scan3A_87 = arith.constant 1 : i32
          scf.for %scan3A_114 = %scan3A_84 to %scan3A_86 step %scan3A_87  : i32 {
            %mul3A_115 = arith.constant 1 : i32
            %mul3A_116 = arith.muli %scan3A_114, %mul3A_115 : i32
            %add3A_117 = arith.constant 0 : i32
            %add3A_118 = arith.addi %add3A_117, %mul3A_116 : i32
            %mul3A_119 = arith.constant 16 : i32
            %mul3A_120 = arith.muli %add3A_118, %mul3A_119 : i32
            %get3A = arith.index_cast %add3A_71 : i32 to index
            %get3A_121 = arith.index_cast %mul3A_120 : i32 to index
            %get3A_122 = tpu.vector_load %arg16[%get3A, %get3A_121] {strides = array<i32>} : memref<32x64xi32, #tpu.memory_space<vmem>>, vector<16xi32>,
            %shift_right_arithmetic3A = arith.constant 7 : i32
            %shift_right_arithmetic3A_123 = vector.broadcast %shift_right_arithmetic3A : i32 to vector<16xi32>
            %shift_right_arithmetic3A_124 = arith.shrsi %get3A_122, %shift_right_arithmetic3A_123 : vector<16xi32>
            %and3A = arith.constant 127 : i32
            %and3A_125 = vector.broadcast %and3A : i32 to vector<16xi32>
            %and3A_126 = arith.andi %get3A_122, %and3A_125 : vector<16xi32>
            tpu.vector_store_idx %arg17[%shift_right_arithmetic3A_124, %and3A_126], %broadcast_in_dim3A_3 {add = true} : memref<40x128xf32, #tpu.memory_space<vmem>>[vector<16xi32>, vector<16xi32>], vector<16xf32>,
          }
          %scan3A_88 = arith.constant 4 : i32
          %mul3A_89 = arith.constant 2 : i32
          %mul3A_90 = arith.muli %add3A_67, %mul3A_89 : i32
          %add3A_91 = arith.constant 1 : i32
          %add3A_92 = arith.addi %mul3A_90, %add3A_91 : i32
          %dma_wait3A_93 = arith.constant 0 : i32
          %dma_wait3A_94 = tpu.memref_slice %arg15[%add3A_92, %dma_wait3A_93] : memref<32x64xi32, #tpu.memory_space<vmem>> -> memref<1x64xi32, #tpu.memory_space<vmem>>
          %dma_wait3A_95 = tpu.memref_squeeze %dma_wait3A_94 : memref<1x64xi32, #tpu.memory_space<vmem>> -> memref<64xi32, #tpu.memory_space<vmem>>
          %dma_wait3A_96 = arith.constant 0 : i32
          %dma_wait3A_97 = arith.constant 0 : i32
          %dma_wait3A_98 = tpu.memref_slice %arg13[%dma_wait3A_96, %dma_wait3A_97] : memref<5120x128xf32, #tpu.memory_space<vmem_shared>> -> memref<5120x128xf32, #tpu.memory_space<vmem_shared>>
          tpu.wait_indirect_dma semaphore(%arg22 : memref<!tpu.dma_semaphore, #tpu.memory_space<semaphore_mem>>) src(%dma_wait3A_98 : memref<5120x128xf32, #tpu.memory_space<vmem_shared>>) dst(%arg20 : memref<64x128xf32, #tpu.memory_space<vmem>>)
          %dma_start3A_99 = arith.constant 0 : i32
          %dma_start3A_100 = tpu.memref_slice %arg16[%add3A_92, %dma_start3A_99] : memref<32x64xi32, #tpu.memory_space<vmem>> -> memref<1x64xi32, #tpu.memory_space<vmem>>
          %dma_start3A_101 = tpu.memref_squeeze %dma_start3A_100 : memref<1x64xi32, #tpu.memory_space<vmem>> -> memref<64xi32, #tpu.memory_space<vmem>>
          %dma_start3A_102 = arith.constant 0 : i32
          %dma_start3A_103 = arith.constant 0 : i32
          %dma_start3A_104 = tpu.memref_slice %arg12[%dma_start3A_102, %dma_start3A_103] : memref<5120x128xf32, #tpu.memory_space<vmem_shared>> -> memref<5120x128xf32, #tpu.memory_space<vmem_shared>>
          tpu.enqueue_indirect_dma source(%arg20 : memref<64x128xf32, #tpu.memory_space<vmem>>) target(%dma_start3A_104 : memref<5120x128xf32, #tpu.memory_space<vmem_shared>>) offsets(%dma_start3A_101 : memref<64xi32, #tpu.memory_space<vmem>>) semaphore(%arg24 : memref<!tpu.dma_semaphore, #tpu.memory_space<semaphore_mem>>) {add = true}
          %scan3A_105 = arith.constant 0 : i32
          %scan3A_106 = arith.constant 4 : i32
          %scan3A_107 = arith.addi %scan3A_105, %scan3A_106 : i32
          %scan3A_108 = arith.constant 1 : i32
          scf.for %scan3A_114 = %scan3A_105 to %scan3A_107 step %scan3A_108  : i32 {
            %mul3A_115 = arith.constant 1 : i32
            %mul3A_116 = arith.muli %scan3A_114, %mul3A_115 : i32
            %add3A_117 = arith.constant 0 : i32
            %add3A_118 = arith.addi %add3A_117, %mul3A_116 : i32
            %mul3A_119 = arith.constant 16 : i32
            %mul3A_120 = arith.muli %add3A_118, %mul3A_119 : i32
            %get3A = arith.index_cast %add3A_92 : i32 to index
            %get3A_121 = arith.index_cast %mul3A_120 : i32 to index
            %get3A_122 = tpu.vector_load %arg16[%get3A, %get3A_121] {strides = array<i32>} : memref<32x64xi32, #tpu.memory_space<vmem>>, vector<16xi32>,
            %shift_right_arithmetic3A = arith.constant 7 : i32
            %shift_right_arithmetic3A_123 = vector.broadcast %shift_right_arithmetic3A : i32 to vector<16xi32>
            %shift_right_arithmetic3A_124 = arith.shrsi %get3A_122, %shift_right_arithmetic3A_123 : vector<16xi32>
            %and3A = arith.constant 127 : i32
            %and3A_125 = vector.broadcast %and3A : i32 to vector<16xi32>
            %and3A_126 = arith.andi %get3A_122, %and3A_125 : vector<16xi32>
            tpu.vector_store_idx %arg17[%shift_right_arithmetic3A_124, %and3A_126], %broadcast_in_dim3A_3 {add = true} : memref<40x128xf32, #tpu.memory_space<vmem>>[vector<16xi32>, vector<16xi32>], vector<16xf32>,
          }
          %scan3A_109 = arith.constant 4 : i32
          %lt3A = arith.constant 15 : i32
          %lt3A_110 = arith.cmpi slt, %add3A_67, %lt3A : i32
          %convert_element_type3A_111 = arith.extui %lt3A_110 : i1 to i32
          %cond3A_112 = arith.constant 0 : i32
          %cond3A_113 = arith.cmpi ne, %convert_element_type3A_111, %cond3A_112 : i32
          scf.if %cond3A_113 {
            %mul3A_114 = arith.constant 2 : i32
            %mul3A_115 = arith.muli %add3A_67, %mul3A_114 : i32
            %add3A_116 = arith.constant 0 : i32
            %add3A_117 = arith.addi %mul3A_115, %add3A_116 : i32
            %dma_wait3A_118 = arith.constant 0 : i32
            %dma_wait3A_119 = tpu.memref_slice %arg16[%add3A_117, %dma_wait3A_118] : memref<32x64xi32, #tpu.memory_space<vmem>> -> memref<1x64xi32, #tpu.memory_space<vmem>>
            %dma_wait3A_120 = tpu.memref_squeeze %dma_wait3A_119 : memref<1x64xi32, #tpu.memory_space<vmem>> -> memref<64xi32, #tpu.memory_space<vmem>>
            %dma_wait3A_121 = arith.constant 0 : i32
            %dma_wait3A_122 = arith.constant 0 : i32
            %dma_wait3A_123 = tpu.memref_slice %arg12[%dma_wait3A_121, %dma_wait3A_122] : memref<5120x128xf32, #tpu.memory_space<vmem_shared>> -> memref<5120x128xf32, #tpu.memory_space<vmem_shared>>
            tpu.wait_indirect_dma semaphore(%arg23 : memref<!tpu.dma_semaphore, #tpu.memory_space<semaphore_mem>>) src(%arg19 : memref<64x128xf32, #tpu.memory_space<vmem>>) dst(%dma_wait3A_123 : memref<5120x128xf32, #tpu.memory_space<vmem_shared>>)
            %add3A_124 = arith.constant 1 : i32
            %add3A_125 = arith.addi %add3A_67, %add3A_124 : i32
            %mul3A_126 = arith.constant 2 : i32
            %mul3A_127 = arith.muli %add3A_125, %mul3A_126 : i32
            %add3A_128 = arith.constant 0 : i32
            %add3A_129 = arith.addi %mul3A_127, %add3A_128 : i32
            %dma_start3A_130 = arith.constant 0 : i32
            %dma_start3A_131 = tpu.memref_slice %arg15[%add3A_129, %dma_start3A_130] : memref<32x64xi32, #tpu.memory_space<vmem>> -> memref<1x64xi32, #tpu.memory_space<vmem>>
            %dma_start3A_132 = tpu.memref_squeeze %dma_start3A_131 : memref<1x64xi32, #tpu.memory_space<vmem>> -> memref<64xi32, #tpu.memory_space<vmem>>
            %dma_start3A_133 = arith.constant 0 : i32
            %dma_start3A_134 = arith.constant 0 : i32
            %dma_start3A_135 = tpu.memref_slice %arg13[%dma_start3A_133, %dma_start3A_134] : memref<5120x128xf32, #tpu.memory_space<vmem_shared>> -> memref<5120x128xf32, #tpu.memory_space<vmem_shared>>
            tpu.enqueue_indirect_dma source(%dma_start3A_135 : memref<5120x128xf32, #tpu.memory_space<vmem_shared>>) target(%arg19 : memref<64x128xf32, #tpu.memory_space<vmem>>) offsets(%dma_start3A_132 : memref<64xi32, #tpu.memory_space<vmem>>) semaphore(%arg21 : memref<!tpu.dma_semaphore, #tpu.memory_space<semaphore_mem>>)
            %mul3A_136 = arith.constant 2 : i32
            %mul3A_137 = arith.muli %add3A_67, %mul3A_136 : i32
            %add3A_138 = arith.constant 1 : i32
            %add3A_139 = arith.addi %mul3A_137, %add3A_138 : i32
            %dma_wait3A_140 = arith.constant 0 : i32
            %dma_wait3A_141 = tpu.memref_slice %arg16[%add3A_139, %dma_wait3A_140] : memref<32x64xi32, #tpu.memory_space<vmem>> -> memref<1x64xi32, #tpu.memory_space<vmem>>
            %dma_wait3A_142 = tpu.memref_squeeze %dma_wait3A_141 : memref<1x64xi32, #tpu.memory_space<vmem>> -> memref<64xi32, #tpu.memory_space<vmem>>
            %dma_wait3A_143 = arith.constant 0 : i32
            %dma_wait3A_144 = arith.constant 0 : i32
            %dma_wait3A_145 = tpu.memref_slice %arg12[%dma_wait3A_143, %dma_wait3A_144] : memref<5120x128xf32, #tpu.memory_space<vmem_shared>> -> memref<5120x128xf32, #tpu.memory_space<vmem_shared>>
            tpu.wait_indirect_dma semaphore(%arg24 : memref<!tpu.dma_semaphore, #tpu.memory_space<semaphore_mem>>) src(%arg20 : memref<64x128xf32, #tpu.memory_space<vmem>>) dst(%dma_wait3A_145 : memref<5120x128xf32, #tpu.memory_space<vmem_shared>>)
            %add3A_146 = arith.constant 1 : i32
            %add3A_147 = arith.addi %add3A_67, %add3A_146 : i32
            %mul3A_148 = arith.constant 2 : i32
            %mul3A_149 = arith.muli %add3A_147, %mul3A_148 : i32
            %add3A_150 = arith.constant 1 : i32
            %add3A_151 = arith.addi %mul3A_149, %add3A_150 : i32
            %dma_start3A_152 = arith.constant 0 : i32
            %dma_start3A_153 = tpu.memref_slice %arg15[%add3A_151, %dma_start3A_152] : memref<32x64xi32, #tpu.memory_space<vmem>> -> memref<1x64xi32, #tpu.memory_space<vmem>>
            %dma_start3A_154 = tpu.memref_squeeze %dma_start3A_153 : memref<1x64xi32, #tpu.memory_space<vmem>> -> memref<64xi32, #tpu.memory_space<vmem>>
            %dma_start3A_155 = arith.constant 0 : i32
            %dma_start3A_156 = arith.constant 0 : i32
            %dma_start3A_157 = tpu.memref_slice %arg13[%dma_start3A_155, %dma_start3A_156] : memref<5120x128xf32, #tpu.memory_space<vmem_shared>> -> memref<5120x128xf32, #tpu.memory_space<vmem_shared>>
            tpu.enqueue_indirect_dma source(%dma_start3A_157 : memref<5120x128xf32, #tpu.memory_space<vmem_shared>>) target(%arg20 : memref<64x128xf32, #tpu.memory_space<vmem>>) offsets(%dma_start3A_154 : memref<64xi32, #tpu.memory_space<vmem>>) semaphore(%arg22 : memref<!tpu.dma_semaphore, #tpu.memory_space<semaphore_mem>>)
          } else {
          }
        }
        %scan3A_49 = arith.constant 16 : i32
        %dma_wait3A = arith.constant 30 : i32
        %dma_wait3A_50 = arith.constant 0 : i32
        %dma_wait3A_51 = tpu.memref_slice %arg16[%dma_wait3A, %dma_wait3A_50] : memref<32x64xi32, #tpu.memory_space<vmem>> -> memref<1x64xi32, #tpu.memory_space<vmem>>
        %dma_wait3A_52 = tpu.memref_squeeze %dma_wait3A_51 : memref<1x64xi32, #tpu.memory_space<vmem>> -> memref<64xi32, #tpu.memory_space<vmem>>
        %dma_wait3A_53 = arith.constant 0 : i32
        %dma_wait3A_54 = arith.constant 0 : i32
        %dma_wait3A_55 = tpu.memref_slice %arg12[%dma_wait3A_53, %dma_wait3A_54] : memref<5120x128xf32, #tpu.memory_space<vmem_shared>> -> memref<5120x128xf32, #tpu.memory_space<vmem_shared>>
        tpu.wait_indirect_dma semaphore(%arg23 : memref<!tpu.dma_semaphore, #tpu.memory_space<semaphore_mem>>) src(%arg19 : memref<64x128xf32, #tpu.memory_space<vmem>>) dst(%dma_wait3A_55 : memref<5120x128xf32, #tpu.memory_space<vmem_shared>>)
        %dma_wait3A_56 = arith.constant 31 : i32
        %dma_wait3A_57 = arith.constant 0 : i32
        %dma_wait3A_58 = tpu.memref_slice %arg16[%dma_wait3A_56, %dma_wait3A_57] : memref<32x64xi32, #tpu.memory_space<vmem>> -> memref<1x64xi32, #tpu.memory_space<vmem>>
        %dma_wait3A_59 = tpu.memref_squeeze %dma_wait3A_58 : memref<1x64xi32, #tpu.memory_space<vmem>> -> memref<64xi32, #tpu.memory_space<vmem>>
        %dma_wait3A_60 = arith.constant 0 : i32
        %dma_wait3A_61 = arith.constant 0 : i32
        %dma_wait3A_62 = tpu.memref_slice %arg12[%dma_wait3A_60, %dma_wait3A_61] : memref<5120x128xf32, #tpu.memory_space<vmem_shared>> -> memref<5120x128xf32, #tpu.memory_space<vmem_shared>>
        tpu.wait_indirect_dma semaphore(%arg24 : memref<!tpu.dma_semaphore, #tpu.memory_space<semaphore_mem>>) src(%arg20 : memref<64x128xf32, #tpu.memory_space<vmem>>) dst(%dma_wait3A_62 : memref<5120x128xf32, #tpu.memory_space<vmem_shared>>)
      }
      %scan3A_17 = arith.constant 5 : i32
      "tpu.region"() ({
        %run_scoped3A = tpu.sem_alloc : memref<!tpu.dma_semaphore, #tpu.memory_space<semaphore_mem>>
        %dma_start3A = arith.constant 0 : i32
        %dma_start3A_24 = arith.constant 0 : i32
        %dma_start3A_25 = tpu.memref_slice %arg14[%dma_start3A, %dma_start3A_24] : memref<40x128xf32, #tpu.memory_space<vmem_shared>> -> memref<40x128xf32, #tpu.memory_space<vmem_shared>>
        tpu.enqueue_indirect_dma source(%arg17 : memref<40x128xf32, #tpu.memory_space<vmem>>) target(%dma_start3A_25 : memref<40x128xf32, #tpu.memory_space<vmem_shared>>) offsets(%arg18 : memref<40xi32, #tpu.memory_space<vmem>>) semaphore(%run_scoped3A : memref<!tpu.dma_semaphore, #tpu.memory_space<semaphore_mem>>) {add = true}
        %dma_wait3A = arith.constant 0 : i32
        %dma_wait3A_26 = arith.constant 0 : i32
        %dma_wait3A_27 = tpu.memref_slice %arg14[%dma_wait3A, %dma_wait3A_26] : memref<40x128xf32, #tpu.memory_space<vmem_shared>> -> memref<40x128xf32, #tpu.memory_space<vmem_shared>>
        tpu.wait_indirect_dma semaphore(%run_scoped3A : memref<!tpu.dma_semaphore, #tpu.memory_space<semaphore_mem>>) src(%arg17 : memref<40x128xf32, #tpu.memory_space<vmem>>) dst(%dma_wait3A_27 : memref<40x128xf32, #tpu.memory_space<vmem_shared>>)
        tpu.yield
      }) : () -> ()
      %barrier3A_18 = arith.constant 0 : index
      tpu.barrier barrier_id(%barrier3A_18)
      "tpu.region"() ({
        %run_scoped3A = tpu.sem_alloc : memref<!tpu.dma_semaphore, #tpu.memory_space<semaphore_mem>>
        %dma_start3A = arith.constant 0 : i32
        %dma_start3A_24 = tpu.memref_slice %arg9[%mul3A_0, %dma_start3A] : memref<5120x128xf32, #tpu.memory_space<hbm>> -> memref<320x128xf32, #tpu.memory_space<hbm>>
        %dma_start3A_25 = arith.constant 0 : i32
        %dma_start3A_26 = tpu.memref_slice %arg12[%mul3A_0, %dma_start3A_25] : memref<5120x128xf32, #tpu.memory_space<vmem_shared>> -> memref<320x128xf32, #tpu.memory_space<vmem_shared>>
        tpu.enqueue_dma source(%dma_start3A_26 : memref<320x128xf32, #tpu.memory_space<vmem_shared>>) target(%dma_start3A_24 : memref<320x128xf32, #tpu.memory_space<hbm>>) target_semaphore(%run_scoped3A : memref<!tpu.dma_semaphore, #tpu.memory_space<semaphore_mem>>)
        %dma_wait3A = arith.constant 0 : i32
        %dma_wait3A_27 = tpu.memref_slice %arg9[%mul3A_0, %dma_wait3A] : memref<5120x128xf32, #tpu.memory_space<hbm>> -> memref<320x128xf32, #tpu.memory_space<hbm>>
        %dma_wait3A_28 = arith.constant 0 : i32
        %dma_wait3A_29 = tpu.memref_slice %arg12[%mul3A_0, %dma_wait3A_28] : memref<5120x128xf32, #tpu.memory_space<vmem_shared>> -> memref<320x128xf32, #tpu.memory_space<vmem_shared>>
        tpu.wait_dma2 semaphore(%run_scoped3A : memref<!tpu.dma_semaphore, #tpu.memory_space<semaphore_mem>>) src(%dma_wait3A_29 : memref<320x128xf32, #tpu.memory_space<vmem_shared>>) dst(%dma_wait3A_27 : memref<320x128xf32, #tpu.memory_space<hbm>>)
        tpu.yield
      }) : () -> ()
      %eq3A_19 = arith.constant 0 : i32
      %eq3A_20 = arith.cmpi eq, %arg1, %eq3A_19 : i32
      %convert_element_type3A_21 = arith.extui %eq3A_20 : i1 to i32
      %cond3A_22 = arith.constant 0 : i32
      %cond3A_23 = arith.cmpi ne, %convert_element_type3A_21, %cond3A_22 : i32
      scf.if %cond3A_23 {
        "tpu.region"() ({
          %run_scoped3A = tpu.sem_alloc : memref<!tpu.dma_semaphore, #tpu.memory_space<semaphore_mem>>
          tpu.enqueue_dma source(%arg14 : memref<40x128xf32, #tpu.memory_space<vmem_shared>>) target(%arg11 : memref<40x128xf32, #tpu.memory_space<hbm>>) target_semaphore(%run_scoped3A : memref<!tpu.dma_semaphore, #tpu.memory_space<semaphore_mem>>)
          tpu.wait_dma2 semaphore(%run_scoped3A : memref<!tpu.dma_semaphore, #tpu.memory_space<semaphore_mem>>) src(%arg14 : memref<40x128xf32, #tpu.memory_space<vmem_shared>>) dst(%arg11 : memref<40x128xf32, #tpu.memory_space<hbm>>)
          tpu.yield
        }) : () -> ()
      } else {
      }
    } else {
    }
    return
  }
}

#map = affine_map<(d0, d1) -> (0, 0)>
#map1 = affine_map<(d0, d1) -> (0)>
module attributes {stable_mosaic.version = 14 : i64} {
  func.func @_sc_predict(%arg0: i32, %arg1: i32, %arg2: memref<40x128xf32, #tpu.memory_space<hbm>>, %arg3: memref<40x128xf32, #tpu.memory_space<hbm>>, %arg4: memref<16xf32, #tpu.memory_space<hbm>>, %arg5: memref<163840xi32, #tpu.memory_space<hbm>>, %arg6: memref<163840xi32, #tpu.memory_space<hbm>>, %arg7: memref<163840xi32, #tpu.memory_space<hbm>>, %arg8: memref<163840xi32, #tpu.memory_space<hbm>>, %arg9: memref<163840xf32, #tpu.memory_space<hbm>>, %arg10: memref<163840xf32, #tpu.memory_space<hbm>>, %arg11: memref<40x128xf32, #tpu.memory_space<vmem>>, %arg12: memref<40x128xf32, #tpu.memory_space<vmem>>, %arg13: memref<16xf32, #tpu.memory_space<vmem>>, %arg14: memref<5120xi32, #tpu.memory_space<vmem>>, %arg15: memref<5120xi32, #tpu.memory_space<vmem>>, %arg16: memref<5120xf32, #tpu.memory_space<vmem>>) attributes {dimension_semantics = [#tpu.dimension_semantics<core_parallel>, #tpu.dimension_semantics<subcore_parallel>], iteration_bounds = array<i64: 2, 16>, scalar_prefetch = 0 : i64, scratch_operands = 6 : i64, tpu.core_type = #tpu.core_type<sc_vector_subcore>, window_params = [{transform_indices = #map}, {transform_indices = #map}, {transform_indices = #map1}, {transform_indices = #map1}, {transform_indices = #map1}, {transform_indices = #map1}, {transform_indices = #map1}, {transform_indices = #map1}, {transform_indices = #map1}]} {
    %mul3A = arith.constant 16 : i32
    %mul3A_0 = arith.muli %arg0, %mul3A : i32
    %add3A = arith.addi %mul3A_0, %arg1 : i32
    %mul3A_1 = arith.constant 5120 : i32
    %mul3A_2 = arith.muli %add3A, %mul3A_1 : i32
    "tpu.region"() ({
      %run_scoped3A = tpu.sem_alloc : memref<!tpu.dma_semaphore, #tpu.memory_space<semaphore_mem>>
      tpu.enqueue_dma source(%arg2 : memref<40x128xf32, #tpu.memory_space<hbm>>) target(%arg11 : memref<40x128xf32, #tpu.memory_space<vmem>>) target_semaphore(%run_scoped3A : memref<!tpu.dma_semaphore, #tpu.memory_space<semaphore_mem>>)
      tpu.wait_dma2 semaphore(%run_scoped3A : memref<!tpu.dma_semaphore, #tpu.memory_space<semaphore_mem>>) src(%arg2 : memref<40x128xf32, #tpu.memory_space<hbm>>) dst(%arg11 : memref<40x128xf32, #tpu.memory_space<vmem>>)
      tpu.yield
    }) : () -> ()
    "tpu.region"() ({
      %run_scoped3A = tpu.sem_alloc : memref<!tpu.dma_semaphore, #tpu.memory_space<semaphore_mem>>
      tpu.enqueue_dma source(%arg3 : memref<40x128xf32, #tpu.memory_space<hbm>>) target(%arg12 : memref<40x128xf32, #tpu.memory_space<vmem>>) target_semaphore(%run_scoped3A : memref<!tpu.dma_semaphore, #tpu.memory_space<semaphore_mem>>)
      tpu.wait_dma2 semaphore(%run_scoped3A : memref<!tpu.dma_semaphore, #tpu.memory_space<semaphore_mem>>) src(%arg3 : memref<40x128xf32, #tpu.memory_space<hbm>>) dst(%arg12 : memref<40x128xf32, #tpu.memory_space<vmem>>)
      tpu.yield
    }) : () -> ()
    "tpu.region"() ({
      %run_scoped3A = tpu.sem_alloc : memref<!tpu.dma_semaphore, #tpu.memory_space<semaphore_mem>>
      tpu.enqueue_dma source(%arg4 : memref<16xf32, #tpu.memory_space<hbm>>) target(%arg13 : memref<16xf32, #tpu.memory_space<vmem>>) target_semaphore(%run_scoped3A : memref<!tpu.dma_semaphore, #tpu.memory_space<semaphore_mem>>)
      tpu.wait_dma2 semaphore(%run_scoped3A : memref<!tpu.dma_semaphore, #tpu.memory_space<semaphore_mem>>) src(%arg4 : memref<16xf32, #tpu.memory_space<hbm>>) dst(%arg13 : memref<16xf32, #tpu.memory_space<vmem>>)
      tpu.yield
    }) : () -> ()
    %get3A = arith.constant 0 : index
    %get3A_3 = tpu.vector_load %arg13[%get3A] {strides = array<i32>} : memref<16xf32, #tpu.memory_space<vmem>>, vector<16xf32>,
    "tpu.region"() ({
      %run_scoped3A = tpu.sem_alloc : memref<!tpu.dma_semaphore, #tpu.memory_space<semaphore_mem>>
      %dma_start3A = tpu.memref_slice %arg5[%mul3A_2] : memref<163840xi32, #tpu.memory_space<hbm>> -> memref<5120xi32, #tpu.memory_space<hbm>>
      %dma_start3A_13 = tpu.memref_slice %arg5[%mul3A_2] : memref<163840xi32, #tpu.memory_space<hbm>> -> memref<5120xi32, #tpu.memory_space<hbm>>
      tpu.enqueue_dma source(%dma_start3A_13 : memref<5120xi32, #tpu.memory_space<hbm>>) target(%arg14 : memref<5120xi32, #tpu.memory_space<vmem>>) target_semaphore(%run_scoped3A : memref<!tpu.dma_semaphore, #tpu.memory_space<semaphore_mem>>)
      %dma_wait3A = tpu.memref_slice %arg5[%mul3A_2] : memref<163840xi32, #tpu.memory_space<hbm>> -> memref<5120xi32, #tpu.memory_space<hbm>>
      %dma_wait3A_14 = tpu.memref_slice %arg5[%mul3A_2] : memref<163840xi32, #tpu.memory_space<hbm>> -> memref<5120xi32, #tpu.memory_space<hbm>>
      tpu.wait_dma2 semaphore(%run_scoped3A : memref<!tpu.dma_semaphore, #tpu.memory_space<semaphore_mem>>) src(%dma_wait3A_14 : memref<5120xi32, #tpu.memory_space<hbm>>) dst(%arg14 : memref<5120xi32, #tpu.memory_space<vmem>>)
      tpu.yield
    }) : () -> ()
    "tpu.region"() ({
      %run_scoped3A = tpu.sem_alloc : memref<!tpu.dma_semaphore, #tpu.memory_space<semaphore_mem>>
      %dma_start3A = tpu.memref_slice %arg6[%mul3A_2] : memref<163840xi32, #tpu.memory_space<hbm>> -> memref<5120xi32, #tpu.memory_space<hbm>>
      %dma_start3A_13 = tpu.memref_slice %arg6[%mul3A_2] : memref<163840xi32, #tpu.memory_space<hbm>> -> memref<5120xi32, #tpu.memory_space<hbm>>
      tpu.enqueue_dma source(%dma_start3A_13 : memref<5120xi32, #tpu.memory_space<hbm>>) target(%arg15 : memref<5120xi32, #tpu.memory_space<vmem>>) target_semaphore(%run_scoped3A : memref<!tpu.dma_semaphore, #tpu.memory_space<semaphore_mem>>)
      %dma_wait3A = tpu.memref_slice %arg6[%mul3A_2] : memref<163840xi32, #tpu.memory_space<hbm>> -> memref<5120xi32, #tpu.memory_space<hbm>>
      %dma_wait3A_14 = tpu.memref_slice %arg6[%mul3A_2] : memref<163840xi32, #tpu.memory_space<hbm>> -> memref<5120xi32, #tpu.memory_space<hbm>>
      tpu.wait_dma2 semaphore(%run_scoped3A : memref<!tpu.dma_semaphore, #tpu.memory_space<semaphore_mem>>) src(%dma_wait3A_14 : memref<5120xi32, #tpu.memory_space<hbm>>) dst(%arg15 : memref<5120xi32, #tpu.memory_space<vmem>>)
      tpu.yield
    }) : () -> ()
    %scan3A = arith.constant 0 : i32
    %scan3A_4 = arith.constant 320 : i32
    %scan3A_5 = arith.addi %scan3A, %scan3A_4 : i32
    %scan3A_6 = arith.constant 1 : i32
    scf.for %scan3A_13 = %scan3A to %scan3A_5 step %scan3A_6  : i32 {
      %mul3A_14 = arith.constant 1 : i32
      %mul3A_15 = arith.muli %scan3A_13, %mul3A_14 : i32
      %add3A_16 = arith.constant 0 : i32
      %add3A_17 = arith.addi %add3A_16, %mul3A_15 : i32
      %mul3A_18 = arith.constant 16 : i32
      %mul3A_19 = arith.muli %add3A_17, %mul3A_18 : i32
      %get3A_20 = arith.index_cast %mul3A_19 : i32 to index
      %get3A_21 = tpu.vector_load %arg14[%get3A_20] {strides = array<i32>} : memref<5120xi32, #tpu.memory_space<vmem>>, vector<16xi32>,
      %mul3A_22 = arith.constant 16 : i32
      %mul3A_23 = arith.muli %add3A_17, %mul3A_22 : i32
      %get3A_24 = arith.index_cast %mul3A_23 : i32 to index
      %get3A_25 = tpu.vector_load %arg15[%get3A_24] {strides = array<i32>} : memref<5120xi32, #tpu.memory_space<vmem>>, vector<16xi32>,
      %shift_right_arithmetic3A = arith.constant 7 : i32
      %shift_right_arithmetic3A_26 = vector.broadcast %shift_right_arithmetic3A : i32 to vector<16xi32>
      %shift_right_arithmetic3A_27 = arith.shrsi %get3A_21, %shift_right_arithmetic3A_26 : vector<16xi32>
      %and3A = arith.constant 127 : i32
      %and3A_28 = vector.broadcast %and3A : i32 to vector<16xi32>
      %and3A_29 = arith.andi %get3A_21, %and3A_28 : vector<16xi32>
      %gather3A = tpu.vector_load_idx %arg11[%shift_right_arithmetic3A_27, %and3A_29] : memref<40x128xf32, #tpu.memory_space<vmem>>[vector<16xi32>, vector<16xi32>], vector<16xf32>,
      %shift_right_arithmetic3A_30 = arith.constant 7 : i32
      %shift_right_arithmetic3A_31 = vector.broadcast %shift_right_arithmetic3A_30 : i32 to vector<16xi32>
      %shift_right_arithmetic3A_32 = arith.shrsi %get3A_25, %shift_right_arithmetic3A_31 : vector<16xi32>
      %and3A_33 = arith.constant 127 : i32
      %and3A_34 = vector.broadcast %and3A_33 : i32 to vector<16xi32>
      %and3A_35 = arith.andi %get3A_25, %and3A_34 : vector<16xi32>
      %gather3A_36 = tpu.vector_load_idx %arg12[%shift_right_arithmetic3A_32, %and3A_35] : memref<40x128xf32, #tpu.memory_space<vmem>>[vector<16xi32>, vector<16xi32>], vector<16xf32>,
      %add3A_37 = arith.addf %gather3A, %gather3A_36 : vector<16xf32>
      %add3A_38 = arith.addf %add3A_37, %get3A_3 : vector<16xf32>
      %mul3A_39 = arith.constant 16 : i32
      %mul3A_40 = arith.muli %add3A_17, %mul3A_39 : i32
      %swap3A = arith.index_cast %mul3A_40 : i32 to index
      %swap3A_41 = tpu.vector_load %arg16[%swap3A] {strides = array<i32>} : memref<5120xf32, #tpu.memory_space<vmem>>, vector<16xf32>,
      tpu.vector_store %arg16[%swap3A], %add3A_38 {strides = array<i32>} : memref<5120xf32, #tpu.memory_space<vmem>>, vector<16xf32>,
    }
    %scan3A_7 = arith.constant 320 : i32
    "tpu.region"() ({
      %run_scoped3A = tpu.sem_alloc : memref<!tpu.dma_semaphore, #tpu.memory_space<semaphore_mem>>
      %dma_start3A = tpu.memref_slice %arg9[%mul3A_2] : memref<163840xf32, #tpu.memory_space<hbm>> -> memref<5120xf32, #tpu.memory_space<hbm>>
      %dma_start3A_13 = tpu.memref_slice %arg9[%mul3A_2] : memref<163840xf32, #tpu.memory_space<hbm>> -> memref<5120xf32, #tpu.memory_space<hbm>>
      tpu.enqueue_dma source(%arg16 : memref<5120xf32, #tpu.memory_space<vmem>>) target(%dma_start3A_13 : memref<5120xf32, #tpu.memory_space<hbm>>) target_semaphore(%run_scoped3A : memref<!tpu.dma_semaphore, #tpu.memory_space<semaphore_mem>>)
      %dma_wait3A = tpu.memref_slice %arg9[%mul3A_2] : memref<163840xf32, #tpu.memory_space<hbm>> -> memref<5120xf32, #tpu.memory_space<hbm>>
      %dma_wait3A_14 = tpu.memref_slice %arg9[%mul3A_2] : memref<163840xf32, #tpu.memory_space<hbm>> -> memref<5120xf32, #tpu.memory_space<hbm>>
      tpu.wait_dma2 semaphore(%run_scoped3A : memref<!tpu.dma_semaphore, #tpu.memory_space<semaphore_mem>>) src(%arg16 : memref<5120xf32, #tpu.memory_space<vmem>>) dst(%dma_wait3A_14 : memref<5120xf32, #tpu.memory_space<hbm>>)
      tpu.yield
    }) : () -> ()
    "tpu.region"() ({
      %run_scoped3A = tpu.sem_alloc : memref<!tpu.dma_semaphore, #tpu.memory_space<semaphore_mem>>
      %dma_start3A = tpu.memref_slice %arg7[%mul3A_2] : memref<163840xi32, #tpu.memory_space<hbm>> -> memref<5120xi32, #tpu.memory_space<hbm>>
      %dma_start3A_13 = tpu.memref_slice %arg7[%mul3A_2] : memref<163840xi32, #tpu.memory_space<hbm>> -> memref<5120xi32, #tpu.memory_space<hbm>>
      tpu.enqueue_dma source(%dma_start3A_13 : memref<5120xi32, #tpu.memory_space<hbm>>) target(%arg14 : memref<5120xi32, #tpu.memory_space<vmem>>) target_semaphore(%run_scoped3A : memref<!tpu.dma_semaphore, #tpu.memory_space<semaphore_mem>>)
      %dma_wait3A = tpu.memref_slice %arg7[%mul3A_2] : memref<163840xi32, #tpu.memory_space<hbm>> -> memref<5120xi32, #tpu.memory_space<hbm>>
      %dma_wait3A_14 = tpu.memref_slice %arg7[%mul3A_2] : memref<163840xi32, #tpu.memory_space<hbm>> -> memref<5120xi32, #tpu.memory_space<hbm>>
      tpu.wait_dma2 semaphore(%run_scoped3A : memref<!tpu.dma_semaphore, #tpu.memory_space<semaphore_mem>>) src(%dma_wait3A_14 : memref<5120xi32, #tpu.memory_space<hbm>>) dst(%arg14 : memref<5120xi32, #tpu.memory_space<vmem>>)
      tpu.yield
    }) : () -> ()
    "tpu.region"() ({
      %run_scoped3A = tpu.sem_alloc : memref<!tpu.dma_semaphore, #tpu.memory_space<semaphore_mem>>
      %dma_start3A = tpu.memref_slice %arg8[%mul3A_2] : memref<163840xi32, #tpu.memory_space<hbm>> -> memref<5120xi32, #tpu.memory_space<hbm>>
      %dma_start3A_13 = tpu.memref_slice %arg8[%mul3A_2] : memref<163840xi32, #tpu.memory_space<hbm>> -> memref<5120xi32, #tpu.memory_space<hbm>>
      tpu.enqueue_dma source(%dma_start3A_13 : memref<5120xi32, #tpu.memory_space<hbm>>) target(%arg15 : memref<5120xi32, #tpu.memory_space<vmem>>) target_semaphore(%run_scoped3A : memref<!tpu.dma_semaphore, #tpu.memory_space<semaphore_mem>>)
      %dma_wait3A = tpu.memref_slice %arg8[%mul3A_2] : memref<163840xi32, #tpu.memory_space<hbm>> -> memref<5120xi32, #tpu.memory_space<hbm>>
      %dma_wait3A_14 = tpu.memref_slice %arg8[%mul3A_2] : memref<163840xi32, #tpu.memory_space<hbm>> -> memref<5120xi32, #tpu.memory_space<hbm>>
      tpu.wait_dma2 semaphore(%run_scoped3A : memref<!tpu.dma_semaphore, #tpu.memory_space<semaphore_mem>>) src(%dma_wait3A_14 : memref<5120xi32, #tpu.memory_space<hbm>>) dst(%arg15 : memref<5120xi32, #tpu.memory_space<vmem>>)
      tpu.yield
    }) : () -> ()
    %scan3A_8 = arith.constant 0 : i32
    %scan3A_9 = arith.constant 320 : i32
    %scan3A_10 = arith.addi %scan3A_8, %scan3A_9 : i32
    %scan3A_11 = arith.constant 1 : i32
    scf.for %scan3A_13 = %scan3A_8 to %scan3A_10 step %scan3A_11  : i32 {
      %mul3A_14 = arith.constant 1 : i32
      %mul3A_15 = arith.muli %scan3A_13, %mul3A_14 : i32
      %add3A_16 = arith.constant 0 : i32
      %add3A_17 = arith.addi %add3A_16, %mul3A_15 : i32
      %mul3A_18 = arith.constant 16 : i32
      %mul3A_19 = arith.muli %add3A_17, %mul3A_18 : i32
      %get3A_20 = arith.index_cast %mul3A_19 : i32 to index
      %get3A_21 = tpu.vector_load %arg14[%get3A_20] {strides = array<i32>} : memref<5120xi32, #tpu.memory_space<vmem>>, vector<16xi32>,
      %mul3A_22 = arith.constant 16 : i32
      %mul3A_23 = arith.muli %add3A_17, %mul3A_22 : i32
      %get3A_24 = arith.index_cast %mul3A_23 : i32 to index
      %get3A_25 = tpu.vector_load %arg15[%get3A_24] {strides = array<i32>} : memref<5120xi32, #tpu.memory_space<vmem>>, vector<16xi32>,
      %shift_right_arithmetic3A = arith.constant 7 : i32
      %shift_right_arithmetic3A_26 = vector.broadcast %shift_right_arithmetic3A : i32 to vector<16xi32>
      %shift_right_arithmetic3A_27 = arith.shrsi %get3A_21, %shift_right_arithmetic3A_26 : vector<16xi32>
      %and3A = arith.constant 127 : i32
      %and3A_28 = vector.broadcast %and3A : i32 to vector<16xi32>
      %and3A_29 = arith.andi %get3A_21, %and3A_28 : vector<16xi32>
      %gather3A = tpu.vector_load_idx %arg11[%shift_right_arithmetic3A_27, %and3A_29] : memref<40x128xf32, #tpu.memory_space<vmem>>[vector<16xi32>, vector<16xi32>], vector<16xf32>,
      %shift_right_arithmetic3A_30 = arith.constant 7 : i32
      %shift_right_arithmetic3A_31 = vector.broadcast %shift_right_arithmetic3A_30 : i32 to vector<16xi32>
      %shift_right_arithmetic3A_32 = arith.shrsi %get3A_25, %shift_right_arithmetic3A_31 : vector<16xi32>
      %and3A_33 = arith.constant 127 : i32
      %and3A_34 = vector.broadcast %and3A_33 : i32 to vector<16xi32>
      %and3A_35 = arith.andi %get3A_25, %and3A_34 : vector<16xi32>
      %gather3A_36 = tpu.vector_load_idx %arg12[%shift_right_arithmetic3A_32, %and3A_35] : memref<40x128xf32, #tpu.memory_space<vmem>>[vector<16xi32>, vector<16xi32>], vector<16xf32>,
      %add3A_37 = arith.addf %gather3A, %gather3A_36 : vector<16xf32>
      %add3A_38 = arith.addf %add3A_37, %get3A_3 : vector<16xf32>
      %mul3A_39 = arith.constant 16 : i32
      %mul3A_40 = arith.muli %add3A_17, %mul3A_39 : i32
      %swap3A = arith.index_cast %mul3A_40 : i32 to index
      %swap3A_41 = tpu.vector_load %arg16[%swap3A] {strides = array<i32>} : memref<5120xf32, #tpu.memory_space<vmem>>, vector<16xf32>,
      tpu.vector_store %arg16[%swap3A], %add3A_38 {strides = array<i32>} : memref<5120xf32, #tpu.memory_space<vmem>>, vector<16xf32>,
    }
    %scan3A_12 = arith.constant 320 : i32
    "tpu.region"() ({
      %run_scoped3A = tpu.sem_alloc : memref<!tpu.dma_semaphore, #tpu.memory_space<semaphore_mem>>
      %dma_start3A = tpu.memref_slice %arg10[%mul3A_2] : memref<163840xf32, #tpu.memory_space<hbm>> -> memref<5120xf32, #tpu.memory_space<hbm>>
      %dma_start3A_13 = tpu.memref_slice %arg10[%mul3A_2] : memref<163840xf32, #tpu.memory_space<hbm>> -> memref<5120xf32, #tpu.memory_space<hbm>>
      tpu.enqueue_dma source(%arg16 : memref<5120xf32, #tpu.memory_space<vmem>>) target(%dma_start3A_13 : memref<5120xf32, #tpu.memory_space<hbm>>) target_semaphore(%run_scoped3A : memref<!tpu.dma_semaphore, #tpu.memory_space<semaphore_mem>>)
      %dma_wait3A = tpu.memref_slice %arg10[%mul3A_2] : memref<163840xf32, #tpu.memory_space<hbm>> -> memref<5120xf32, #tpu.memory_space<hbm>>
      %dma_wait3A_14 = tpu.memref_slice %arg10[%mul3A_2] : memref<163840xf32, #tpu.memory_space<hbm>> -> memref<5120xf32, #tpu.memory_space<hbm>>
      tpu.wait_dma2 semaphore(%run_scoped3A : memref<!tpu.dma_semaphore, #tpu.memory_space<semaphore_mem>>) src(%arg16 : memref<5120xf32, #tpu.memory_space<vmem>>) dst(%dma_wait3A_14 : memref<5120xf32, #tpu.memory_space<hbm>>)
      tpu.yield
    }) : () -> ()
    return
  }
}

module attributes {stable_mosaic.version = 14 : i64} {
  func.func @_tc_layer1_body(%arg0: i32, %arg1: memref<512x128xf32, #tpu.memory_space<vmem>>, %arg2: memref<512x128xf32, #tpu.memory_space<vmem>>, %arg3: memref<512x1xf32, #tpu.memory_space<vmem>>, %arg4: memref<128x128xf32, #tpu.memory_space<vmem>>, %arg5: memref<128x128xf32, #tpu.memory_space<vmem>>, %arg6: memref<512x128xf32, #tpu.memory_space<vmem>>, %arg7: memref<512x1xf32, #tpu.memory_space<vmem>>) attributes {dimension_semantics = [#tpu.dimension_semantics<arbitrary>], iteration_bounds = array<i64: 10>, scalar_prefetch = 0 : i64, scratch_operands = 0 : i64, tpu.core_type = #tpu.core_type<tc>, window_params = [{transform_indices = @transform_0, window_bounds = array<i64: 512, 128>}, {transform_indices = @transform_1, window_bounds = array<i64: 512, 128>}, {transform_indices = @transform_2, window_bounds = array<i64: 512, 1>}, {pipeline_mode = #tpu.pipeline_mode<synchronous>, transform_indices = @transform_3, window_bounds = array<i64: 128, 128>}, {pipeline_mode = #tpu.pipeline_mode<synchronous>, transform_indices = @transform_4, window_bounds = array<i64: 128, 128>}, {transform_indices = @transform_5, window_bounds = array<i64: 512, 128>}, {transform_indices = @transform_6, window_bounds = array<i64: 512, 1>}]} {
    %get3A = arith.constant 0 : index
    %get3A_0 = arith.constant 0 : index
    %get3A_1 = vector.load %arg3[%get3A, %get3A_0] : memref<512x1xf32, #tpu.memory_space<vmem>>, vector<512x1xf32>
    %max3A = arith.constant 1.000000e+00 : f32
    %max3A_2 = vector.broadcast %max3A : f32 to vector<512x1xf32>
    %max3A_3 = arith.maximumf %get3A_1, %max3A_2 : vector<512x1xf32>
    %div3A = arith.constant 1.000000e+00 : f32
    %div3A_4 = vector.broadcast %div3A : f32 to vector<512x1xf32>
    %div3A_5 = arith.divf %div3A_4, %max3A_3 : vector<512x1xf32>
    %get3A_6 = arith.constant 0 : index
    %get3A_7 = arith.constant 0 : index
    %get3A_8 = vector.load %arg2[%get3A_6, %get3A_7] : memref<512x128xf32, #tpu.memory_space<vmem>>, vector<512x128xf32>
    %mul3A = vector.broadcast %div3A_5 : vector<512x1xf32> to vector<512x128xf32>
    %mul3A_9 = arith.mulf %get3A_8, %mul3A : vector<512x128xf32>
    %get3A_10 = arith.constant 0 : index
    %get3A_11 = arith.constant 0 : index
    %get3A_12 = vector.load %arg1[%get3A_10, %get3A_11] : memref<512x128xf32, #tpu.memory_space<vmem>>, vector<512x128xf32>
    %get3A_13 = arith.constant 0 : index
    %get3A_14 = arith.constant 0 : index
    %get3A_15 = vector.load %arg4[%get3A_13, %get3A_14] : memref<128x128xf32, #tpu.memory_space<vmem>>, vector<128x128xf32>
    %dot_general3A = arith.constant dense<0.000000e+00> : vector<512x128xf32>
    %dot_general3A_16 = tpu.matmul %get3A_12, %get3A_15, %dot_general3A {dimension_numbers = #tpu.dot_dimension_numbers<[1], [0], [0], [1], [0, 0, 1, 1], [], []>, transpose_lhs_hint = false} : vector<512x128xf32>, vector<128x128xf32>, vector<512x128xf32> -> vector<512x128xf32>
    %get3A_17 = arith.constant 0 : index
    %get3A_18 = arith.constant 0 : index
    %get3A_19 = vector.load %arg5[%get3A_17, %get3A_18] : memref<128x128xf32, #tpu.memory_space<vmem>>, vector<128x128xf32>
    %dot_general3A_20 = arith.constant dense<0.000000e+00> : vector<512x128xf32>
    %dot_general3A_21 = tpu.matmul %mul3A_9, %get3A_19, %dot_general3A_20 {dimension_numbers = #tpu.dot_dimension_numbers<[1], [0], [0], [1], [0, 0, 1, 1], [], []>, transpose_lhs_hint = false} : vector<512x128xf32>, vector<128x128xf32>, vector<512x128xf32> -> vector<512x128xf32>
    %add3A = arith.addf %dot_general3A_16, %dot_general3A_21 : vector<512x128xf32>
    %max3A_22 = arith.constant 0.000000e+00 : f32
    %max3A_23 = vector.broadcast %max3A_22 : f32 to vector<512x128xf32>
    %max3A_24 = arith.maximumf %add3A, %max3A_23 : vector<512x128xf32>
    %swap3A = arith.constant 0 : index
    %swap3A_25 = arith.constant 0 : index
    %swap3A_26 = vector.load %arg6[%swap3A, %swap3A_25] : memref<512x128xf32, #tpu.memory_space<vmem>>, vector<512x128xf32>
    tpu.vector_store %arg6[%swap3A, %swap3A_25], %max3A_24 {strides = array<i32>} : memref<512x128xf32, #tpu.memory_space<vmem>>, vector<512x128xf32>,
    %swap3A_27 = arith.constant 0 : index
    %swap3A_28 = arith.constant 0 : index
    %swap3A_29 = vector.load %arg7[%swap3A_27, %swap3A_28] : memref<512x1xf32, #tpu.memory_space<vmem>>, vector<512x1xf32>
    tpu.vector_store %arg7[%swap3A_27, %swap3A_28], %div3A_5 {strides = array<i32>} : memref<512x1xf32, #tpu.memory_space<vmem>>, vector<512x1xf32>,
    return
  }
  func.func @transform_0(%arg0: i32) -> (i32, i32) {
    %c0_i32 = arith.constant 0 : i32
    %c0_i32_0 = arith.constant 0 : i32
    return %arg0, %c0_i32 : i32, i32
  }
  func.func @transform_1(%arg0: i32) -> (i32, i32) {
    %c0_i32 = arith.constant 0 : i32
    %c0_i32_0 = arith.constant 0 : i32
    return %arg0, %c0_i32 : i32, i32
  }
  func.func @transform_2(%arg0: i32) -> (i32, i32) {
    %c0_i32 = arith.constant 0 : i32
    %c0_i32_0 = arith.constant 0 : i32
    return %arg0, %c0_i32 : i32, i32
  }
  func.func @transform_3(%arg0: i32) -> (i32, i32) {
    %c0_i32 = arith.constant 0 : i32
    %c0_i32_0 = arith.constant 0 : i32
    %c0_i32_1 = arith.constant 0 : i32
    return %c0_i32, %c0_i32_0 : i32, i32
  }
  func.func @transform_4(%arg0: i32) -> (i32, i32) {
    %c0_i32 = arith.constant 0 : i32
    %c0_i32_0 = arith.constant 0 : i32
    %c0_i32_1 = arith.constant 0 : i32
    return %c0_i32, %c0_i32_0 : i32, i32
  }
  func.func @transform_5(%arg0: i32) -> (i32, i32) {
    %c0_i32 = arith.constant 0 : i32
    %c0_i32_0 = arith.constant 0 : i32
    return %arg0, %c0_i32 : i32, i32
  }
  func.func @transform_6(%arg0: i32) -> (i32, i32) {
    %c0_i32 = arith.constant 0 : i32
    %c0_i32_0 = arith.constant 0 : i32
    return %arg0, %c0_i32 : i32, i32
  }
}

module attributes {stable_mosaic.version = 14 : i64} {
  func.func @_tc_layer2_body(%arg0: i32, %arg1: memref<512x128xf32, #tpu.memory_space<vmem>>, %arg2: memref<512x128xf32, #tpu.memory_space<vmem>>, %arg3: memref<512x1xf32, #tpu.memory_space<vmem>>, %arg4: memref<128x128xf32, #tpu.memory_space<vmem>>, %arg5: memref<128x128xf32, #tpu.memory_space<vmem>>, %arg6: memref<1x128xf32, #tpu.memory_space<vmem>>, %arg7: memref<512x128xf32, #tpu.memory_space<vmem>>, %arg8: memref<512x1xf32, #tpu.memory_space<vmem>>) attributes {dimension_semantics = [#tpu.dimension_semantics<arbitrary>], iteration_bounds = array<i64: 10>, scalar_prefetch = 0 : i64, scratch_operands = 0 : i64, tpu.core_type = #tpu.core_type<tc>, window_params = [{transform_indices = @transform_0, window_bounds = array<i64: 512, 128>}, {transform_indices = @transform_1, window_bounds = array<i64: 512, 128>}, {transform_indices = @transform_2, window_bounds = array<i64: 512, 1>}, {pipeline_mode = #tpu.pipeline_mode<synchronous>, transform_indices = @transform_3, window_bounds = array<i64: 128, 128>}, {pipeline_mode = #tpu.pipeline_mode<synchronous>, transform_indices = @transform_4, window_bounds = array<i64: 128, 128>}, {pipeline_mode = #tpu.pipeline_mode<synchronous>, transform_indices = @transform_5, window_bounds = array<i64: 1, 128>}, {transform_indices = @transform_6, window_bounds = array<i64: 512, 128>}, {transform_indices = @transform_7, window_bounds = array<i64: 512, 1>}]} {
    %get3A = arith.constant 0 : index
    %get3A_0 = arith.constant 0 : index
    %get3A_1 = vector.load %arg2[%get3A, %get3A_0] : memref<512x128xf32, #tpu.memory_space<vmem>>, vector<512x128xf32>
    %get3A_2 = arith.constant 0 : index
    %get3A_3 = arith.constant 0 : index
    %get3A_4 = vector.load %arg3[%get3A_2, %get3A_3] : memref<512x1xf32, #tpu.memory_space<vmem>>, vector<512x1xf32>
    %mul3A = vector.broadcast %get3A_4 : vector<512x1xf32> to vector<512x128xf32>
    %mul3A_5 = arith.mulf %get3A_1, %mul3A : vector<512x128xf32>
    %get3A_6 = arith.constant 0 : index
    %get3A_7 = arith.constant 0 : index
    %get3A_8 = vector.load %arg1[%get3A_6, %get3A_7] : memref<512x128xf32, #tpu.memory_space<vmem>>, vector<512x128xf32>
    %get3A_9 = arith.constant 0 : index
    %get3A_10 = arith.constant 0 : index
    %get3A_11 = vector.load %arg4[%get3A_9, %get3A_10] : memref<128x128xf32, #tpu.memory_space<vmem>>, vector<128x128xf32>
    %dot_general3A = arith.constant dense<0.000000e+00> : vector<512x128xf32>
    %dot_general3A_12 = tpu.matmul %get3A_8, %get3A_11, %dot_general3A {dimension_numbers = #tpu.dot_dimension_numbers<[1], [0], [0], [1], [0, 0, 1, 1], [], []>, transpose_lhs_hint = false} : vector<512x128xf32>, vector<128x128xf32>, vector<512x128xf32> -> vector<512x128xf32>
    %get3A_13 = arith.constant 0 : index
    %get3A_14 = arith.constant 0 : index
    %get3A_15 = vector.load %arg5[%get3A_13, %get3A_14] : memref<128x128xf32, #tpu.memory_space<vmem>>, vector<128x128xf32>
    %dot_general3A_16 = arith.constant dense<0.000000e+00> : vector<512x128xf32>
    %dot_general3A_17 = tpu.matmul %mul3A_5, %get3A_15, %dot_general3A_16 {dimension_numbers = #tpu.dot_dimension_numbers<[1], [0], [0], [1], [0, 0, 1, 1], [], []>, transpose_lhs_hint = false} : vector<512x128xf32>, vector<128x128xf32>, vector<512x128xf32> -> vector<512x128xf32>
    %add3A = arith.addf %dot_general3A_12, %dot_general3A_17 : vector<512x128xf32>
    %swap3A = arith.constant 0 : index
    %swap3A_18 = arith.constant 0 : index
    %swap3A_19 = vector.load %arg7[%swap3A, %swap3A_18] : memref<512x128xf32, #tpu.memory_space<vmem>>, vector<512x128xf32>
    tpu.vector_store %arg7[%swap3A, %swap3A_18], %add3A {strides = array<i32>} : memref<512x128xf32, #tpu.memory_space<vmem>>, vector<512x128xf32>,
    %get3A_20 = arith.constant 0 : index
    %get3A_21 = arith.constant 0 : index
    %get3A_22 = vector.load %arg6[%get3A_20, %get3A_21] : memref<1x128xf32, #tpu.memory_space<vmem>>, vector<1x128xf32>
    %mul3A_23 = vector.broadcast %get3A_22 : vector<1x128xf32> to vector<512x128xf32>
    %mul3A_24 = arith.mulf %add3A, %mul3A_23 : vector<512x128xf32>
    %reduce_sum3A = arith.constant dense<0.000000e+00> : vector<512xf32>
    %reduce_sum3A_25 = vector.multi_reduction <add>, %mul3A_24, %reduce_sum3A [1] : vector<512x128xf32> to vector<512xf32>
    %broadcast_in_dim3A = vector.shape_cast %reduce_sum3A_25 : vector<512xf32> to vector<512x1xf32>
    %swap3A_26 = arith.constant 0 : index
    %swap3A_27 = arith.constant 0 : index
    %swap3A_28 = vector.load %arg8[%swap3A_26, %swap3A_27] : memref<512x1xf32, #tpu.memory_space<vmem>>, vector<512x1xf32>
    tpu.vector_store %arg8[%swap3A_26, %swap3A_27], %broadcast_in_dim3A {strides = array<i32>} : memref<512x1xf32, #tpu.memory_space<vmem>>, vector<512x1xf32>,
    return
  }
  func.func @transform_0(%arg0: i32) -> (i32, i32) {
    %c0_i32 = arith.constant 0 : i32
    %c0_i32_0 = arith.constant 0 : i32
    return %arg0, %c0_i32 : i32, i32
  }
  func.func @transform_1(%arg0: i32) -> (i32, i32) {
    %c0_i32 = arith.constant 0 : i32
    %c0_i32_0 = arith.constant 0 : i32
    return %arg0, %c0_i32 : i32, i32
  }
  func.func @transform_2(%arg0: i32) -> (i32, i32) {
    %c0_i32 = arith.constant 0 : i32
    %c0_i32_0 = arith.constant 0 : i32
    return %arg0, %c0_i32 : i32, i32
  }
  func.func @transform_3(%arg0: i32) -> (i32, i32) {
    %c0_i32 = arith.constant 0 : i32
    %c0_i32_0 = arith.constant 0 : i32
    %c0_i32_1 = arith.constant 0 : i32
    return %c0_i32, %c0_i32_0 : i32, i32
  }
  func.func @transform_4(%arg0: i32) -> (i32, i32) {
    %c0_i32 = arith.constant 0 : i32
    %c0_i32_0 = arith.constant 0 : i32
    %c0_i32_1 = arith.constant 0 : i32
    return %c0_i32, %c0_i32_0 : i32, i32
  }
  func.func @transform_5(%arg0: i32) -> (i32, i32) {
    %c0_i32 = arith.constant 0 : i32
    %c0_i32_0 = arith.constant 0 : i32
    %c0_i32_1 = arith.constant 0 : i32
    return %c0_i32, %c0_i32_0 : i32, i32
  }
  func.func @transform_6(%arg0: i32) -> (i32, i32) {
    %c0_i32 = arith.constant 0 : i32
    %c0_i32_0 = arith.constant 0 : i32
    return %arg0, %c0_i32 : i32, i32
  }
  func.func @transform_7(%arg0: i32) -> (i32, i32) {
    %c0_i32 = arith.constant 0 : i32
    %c0_i32_0 = arith.constant 0 : i32
    return %arg0, %c0_i32 : i32, i32
  }
}

</mosaic_0001>

<sc_bundles>
// kernel: kernel.12.cloned.1.call-start
scs
__scs_entry_jumppad:
0x0: {  	(pc) =	sbr.rel $0x88, $3  }
0x1: {  	(tag) =	ssettag $0x0;
	lr =	simm.s32 $0x1  }
0x2: {  	[smem:$0x3F91] =	sst lr;
	_ =	strace $0xD0000000  }
0x3: {  	_ = 	snop  }
0x4: {  	_ = 	snop  }
0x5: {  	_ = 	snop  }
0x6: {  	_ = 	snop  }
0x7: {  	_ = 	snop  }
__scs_overlays_trampoline_lowered:
0x8: {  	[smem:$0x3FA0] =	sst s0  }
0x9: {  	[smem:$0x3FA1] =	sst s1  }
0xa: {  	[smem:$0x3FA2] =	sst s2  }
0xb: {  	[smem:$0x3FA3] =	sst s3  }
0xc: {  	[smem:$0x3FA4] =	sst s4  }
0xd: {  	[smem:$0x3FA5] =	sst s5  }
0xe: {  	[smem:$0x3FA6] =	sst s6  }
0xf: {  	[smem:$0x3FA7] =	sst s7  }
0x10: {  	[smem:$0x3FA8] =	sst s8  }
0x11: {  	[smem:$0x3FA9] =	sst s9;
	s0 =	simm.s32 @!p0 $0x0  }
0x12: {  	s1 =	sld [smem:$0x3F8F];
	s0 =	simm.s32 @p0 $0x1  }
0x13: {  	[smem:$0x3FAA] =	sst s0;
	s0 =	simm.s32 @!p1 $0x0  }
0x14: {  	s2 =	sld [smem:$0x3F8E];
	s0 =	simm.s32 @p1 $0x1  }
0x15: {  	[smem:$0x3FAB] =	sst s0;
	s0 =	simm.s32 @!p2 $0x0  }
0x16: {  	s3 =	sld [smem:$0x3FDB];
	s0 =	simm.s32 @p2 $0x1  }
0x17: {  	s4 =	simm.s32 $0x1BF5;
	[smem:$0x3FAD] =	sst s0  }
0x18: {  	s0 =	sld [smem:$0x3F90];
	_ =	swait.ge [sflag:s4], $0x0  }
0x19: {  	s7 =	sld [smem:$0x3F91]  }
0x1a: {  	s8 =	sadd.s32 $0xFFFFE003, lr  }
0x1b: {  	s9 =	sadd.s32 $0xFFFFFEF7, lr;
	s5 =	simm.s32 $0xFFFFFFFF;
	p2 =	slt.u32 s8, $0xFFFFF086  }
0x1c: {  	p1 =	slt.u32 s9, $0xF7A;
	s5 =	simm.s32 @!p2 $0x0  }
0x1d: {  	s5 =	simm.s32 @p1 $0x1;
	p0 =	seq.s32 s7, s2  }
0x1e: {  	s7 =	smul.u32 @!p0 $0xF7A, s2;
	p2 =	seq.s32 @!p0 s5, $0x0  }
0x1f: {  	s9 =	smul.u32 $0xF7A, s1;
	s8 =	simm.s32 @!p0 $0x1BF5;
	p2 =	por !p2, p0  }
0x20: {  	[sflag:s8] =	ssyncset.s32 @!p0 $0xFFFFF086;
	s6 =	sadd.s32 @!p0 s3, s7;
	s7 =	simm.s32 @!p0 $0x108  }
0x21: {  	s3 =	sadd.s32 s3, s9;
	s6 =	sadd.s32 @!p0 $0x88, s6;
	s7 =	simm.s32 @p2 $0x1082  }
0x22: {  	[simem:s7], [sflag:s8] =	dma.local @!p0 [hbm:s6], $0xF7A  }
0x23: {  	s9 =	sor.u32 $0xD0000000, s2;
	s6 =	simm.s32 $0x108;
	_ =	swait.ge @!p0 [sflag:s8], $0x0  }
0x24: {  	s3 =	sadd.s32 $0x88, s3;
	s6 =	simm.s32 @!p1 $0x1082;
	[sflag:s4] =	ssyncset.s32 $0xFFFFF086  }
0x25: {  	[simem:s6], [sflag:s4] =	dma.local [hbm:s3], $0xF7A  }
0x26: {  	[smem:$0x3F91] =	sst s1;
	(tag) =	ssettag s2;
	_ =	strace s9  }
0x27: {  	s1 =	sld [smem:$0x3FA1]  }
0x28: {  	s2 =	sld [smem:$0x3FA2]  }
0x29: {  	s4 =	sld [smem:$0x3FA4]  }
0x2a: {  	p0 =	seq.s32 s5, $0x0;
	s5 =	sld [smem:$0x3FA5]  }
0x2b: {  	s6 =	sld [smem:$0x3FA6]  }
0x2c: {  	s7 =	sld [smem:$0x3FA7]  }
0x2d: {  	s3 =	simm.s32 $0x108;
	s8 =	sld [smem:$0x3FA8]  }
0x2e: {  	s3 =	simm.s32 @!p0 $0x1082;
	s9 =	sld [smem:$0x3FA9]  }
0x2f: {  	lr =	sadd.s32 s0, s3;
	s0 =	sld [smem:$0x3FA0]  }
0x30: {  	s3 =	sld [smem:$0x3FA3]  }
0x31: {  	[smem:$0x3FAC] =	sst s10  }
0x32: {  	s10 =	sld [smem:$0x3FAA];
	_ =	sdelay $0x3  }
0x33: {  	p0 =	seq.s32 s10, $0x1;
	s10 =	sld [smem:$0x3FAC];
	_ =	sdelay $0x3  }
0x34: {  	[smem:$0x3FAC] =	sst s10  }
0x35: {  	s10 =	sld [smem:$0x3FAB];
	_ =	sdelay $0x3  }
0x36: {  	p1 =	seq.s32 s10, $0x1;
	s10 =	sld [smem:$0x3FAC];
	_ =	sdelay $0x3  }
0x37: {  	[smem:$0x3FAC] =	sst s10  }
0x38: {  	s10 =	sld [smem:$0x3FAD]  }
0x39: {  	_ = 	snop;
	(pc) =	sbr.ind lr, $3  }
0x3a: {  	_ = 	snop  }
0x3b: {  	_ = 	snop  }
0x3c: {  	p2 =	seq.s32 s10, $0x1;
	s10 =	sld [smem:$0x3FAC]  }
0x3d: {  	_ =	shalt  }
0x3e: {  	_ =	shalt  }
0x3f: {  	_ =	shalt  }
0x40: {  	_ =	shalt  }
0x41: {  	_ =	shalt  }
0x42: {  	_ =	shalt  }
0x43: {  	_ =	shalt  }
0x44: {  	_ =	shalt  }
0x45: {  	_ =	shalt  }
0x46: {  	_ =	shalt  }
0x47: {  	_ =	shalt  }
0x48: {  	_ =	shalt  }
0x49: {  	_ =	shalt  }
0x4a: {  	_ =	shalt  }
0x4b: {  	_ =	shalt  }
0x4c: {  	_ =	shalt  }
0x4d: {  	_ =	shalt  }
0x4e: {  	_ =	shalt  }
0x4f: {  	_ =	shalt  }
0x50: {  	_ =	shalt  }
0x51: {  	_ =	shalt  }
0x52: {  	_ =	shalt  }
0x53: {  	_ =	shalt  }
0x54: {  	_ =	shalt  }
0x55: {  	_ =	shalt  }
0x56: {  	_ =	shalt  }
0x57: {  	_ =	shalt  }
0x58: {  	_ =	shalt  }
0x59: {  	_ =	shalt  }
0x5a: {  	_ =	shalt  }
0x5b: {  	_ =	shalt  }
0x5c: {  	_ =	shalt  }
0x5d: {  	_ =	shalt  }
0x5e: {  	_ =	shalt  }
0x5f: {  	_ =	shalt  }
0x60: {  	_ =	shalt  }
0x61: {  	_ =	shalt  }
0x62: {  	_ =	shalt  }
0x63: {  	_ =	shalt  }
0x64: {  	_ =	shalt  }
0x65: {  	_ =	shalt  }
0x66: {  	_ =	shalt  }
0x67: {  	_ =	shalt  }
0x68: {  	_ =	shalt  }
0x69: {  	_ =	shalt  }
0x6a: {  	_ =	shalt  }
0x6b: {  	_ =	shalt  }
0x6c: {  	_ =	shalt  }
0x6d: {  	_ =	shalt  }
0x6e: {  	_ =	shalt  }
0x6f: {  	_ =	shalt  }
0x70: {  	_ =	shalt  }
0x71: {  	_ =	shalt  }
0x72: {  	_ =	shalt  }
0x73: {  	_ =	shalt  }
0x74: {  	_ =	shalt  }
0x75: {  	_ =	shalt  }
0x76: {  	_ =	shalt  }
0x77: {  	_ =	shalt  }
0x78: {  	_ =	shalt  }
0x79: {  	_ =	shalt  }
0x7a: {  	_ =	shalt  }
0x7b: {  	_ =	shalt  }
0x7c: {  	_ =	shalt  }
0x7d: {  	_ =	shalt  }
0x7e: {  	_ =	shalt  }
0x7f: {  	_ =	shalt  }
0x80: {  	_ =	shalt  }
0x81: {  	_ =	shalt  }
0x82: {  	_ =	shalt  }
0x83: {  	_ =	shalt  }
0x84: {  	_ =	shalt  }
0x85: {  	_ =	shalt  }
0x86: {  	_ =	shalt  }
0x87: {  	_ =	shalt  }
.Lfunc_end0:
.L_simem_size_0:
called_computation.1_lowered:
.L_overlay_start_0:
0x88: {  	s2 =	sld [smem:$0x3FD9]  }
0x89: {  	s3 =	sld [smem:$0x3FFE];
	_ =	sdelay $0x1  }
0x8a: {  	s1 =	srdreg.scid  }
0x8b: {  	s0 =	sand.u32 $0x1, s1  }
0x8c: {  	s14 =	sshll.u32 s0, $0xA;
	s2 =	sadd.s32 s3, s2  }
0x8d: {  	s2 =	sadd.s32 s2, s14  }
0x8e: {  	[smem:$0x3FB8] =	sst s2  }
0x8f: {  	_ = 	snop  }
0x90: {  	s2 =	sld [smem:$0x3FD0];
	_ =	sdelay $0x2  }
0x91: {  	s15 =	simm.s32 $0xA;
	s4 =	simm.s32 $0x10  }
0x92: {  	[smem:s4], [sflag:s15] =	dma.local [hbm:s2], $0x1  }
0x93: {  	_ =	swait.eq [sflag:s15], $0x1  }
0x94: {  	s16 =	sld [smem:$0x10]  }
0x95: {  	s17 =	sld [smem:$0x11];
	[sflag:s15] =	ssyncset.done $0x0  }
0x96: {  	s5 =	sld [smem:$0x12];
	[sflag:s15] =	ssyncadd.s32 $0xFFFFFFFF  }
0x97: {  	s18 =	sld [smem:$0x13];
	(tm) =	ssettm $0x1  }
0x98: {  	s6 =	sld [smem:$0x3FFB];
	_ =	sdelay $0x3  }
0x99: {  	_ =	strace s6  }
0x9a: {  	s6 =	sld [smem:$0x3FFC];
	_ =	sdelay $0x3  }
0x9b: {  	_ =	strace s6  }
0x9c: {  	s6 =	sld [smem:$0x3FFD];
	_ =	sdelay $0x3  }
0x9d: {  	_ =	strace s6  }
0x9e: {  	_ =	strace $0x8FFFFFFF  }
0x9f: {  	s19 =	sld [smem:$0x3FDB];
	_ =	sdelay $0x1  }
0xa0: {  	s7 =	simm.s32 $_scs_section_size  }
0xa1: {  	s8 =	simm.s32 $_size__tile_overlayer_lowered;
	s9 =	simm.s32 $_tile_overlayer_lowered  }
0xa2: {  	s22 =	simm.s32 $0x1BFF;
	s21 =	sshll.u32 s9, $0x1;
	s6 =	sadd.s32 s7, s19  }
0xa3: {  	s10 =	simm.s32 $0x0;
	s20 =	sshll.u32 s8, $0x1;
	s8 =	sadd.s32 s21, s6  }
0xa4: {  	[timem:s10], [sflag:s22] =	dma.local [hbm:s8], s20  }
0xa5: {  	_ =	swait.ge [sflag:s22], s20  }
0xa6: {  	s7 =	ssub.s32 $0x0, s20;
	[sflag:s22] =	ssyncset.done $0x0  }
0xa7: {  	[sflag:s22] =	ssyncadd.s32 s7;
	_ =	sdelay $0x1  }
0xa8: {  	s23 =	simm.s32 $0x1B8B  }
0xa9: {  	_ =	swait.ge [sflag:s23], $0x1  }
0xaa: {  	[sflag:s23] =	ssyncset.done $0x0  }
0xab: {  	s25 =	simm.s32 $0x1B8E;
	s24 =	sld [smem:$0x3FFE];
	[sflag:s23] =	ssyncadd.s32 $0xFFFFFFFF  }
0xac: {  	s26 =	simm.s32 $execute0_lowered;
	[smem:$0x3FD2] =	sst s25  }
0xad: {  	s8 =	sshll.u32 s26, $0x1;
	_ =	strace $0x80000049;
	[dreg:$0x1] =	wrdreg $0xFFFFFFFF  }
0xae: {  	s28 =	simm.s32 $_size_execute0_lowered;
	s6 =	sadd.s32 s6, s8;
	[dreg:$0x0] =	wrdreg $0x0  }
0xaf: {  	s8 =	sshll.u32 s28, $0x1;
	[dreg:$0x2] =	wrdreg s6  }
0xb0: {  	[dreg:$0x3] =	wrdreg s8  }
0xb1: {  	[dreg:$0x4] =	wrdreg $0xC0  }
0xb2: {  	_ =	task [dreg:s10], $0x5FFFF  }
0xb3: {  	[dreg:$0x1] =	wrdreg $0xFFFFFFFF  }
0xb4: {  	[dreg:$0x0] =	wrdreg $0x60  }
0xb5: {  	[dreg:$0x2] =	wrdreg s24  }
0xb6: {  	[dreg:$0x3] =	wrdreg s18  }
0xb7: {  	[dreg:$0x4] =	wrdreg s5  }
0xb8: {  	[dreg:$0x5] =	wrdreg s17  }
0xb9: {  	[dreg:$0x6] =	wrdreg s16  }
0xba: {  	[dreg:$0x7] =	wrdreg $0x0  }
0xbb: {  	[dreg:$0x8] =	wrdreg $0xA0000  }
0xbc: {  	[dreg:$0x9] =	wrdreg $0x140000  }
0xbd: {  	[dreg:$0xa] =	wrdreg $0x9  }
0xbe: {  	_ =	task.clear_ibuf [dreg:s10], $0xBFFFF;
	_ =	strace $0x90000049  }
0xbf: {  	s29 =	simm.s32 $0x9;
	_ =	strace $0x8000004B  }
0xc0: {  	_ =	swait.ge [sflag:s29], $0x1  }
0xc1: {  	[sflag:s29] =	ssyncadd.s32 $0xFFFFFFFF  }
0xc2: {  	_ =	strace $0x9000004B  }
0xc3: {  	_ =	sfence  }
0xc4: {  	s30 =	sld [smem:$0x0];
	_ =	sdelay $0x2  }
0xc5: {  	s31 =	sshll.u32 s1, $0xD;
	s1 =	sshrl.u32 s1, $0x2  }
0xc6: {  	s3 =	sand.u32 $0x4000, s31;
	s1 =	sadd.s32 s1, s30  }
0xc7: {  	s0 =	sor.u32 s3, s0;
	s1 =	sshll.u32 s1, $0x11  }
0xc8: {  	s0 =	sor.u32 s1, s0  }
0xc9: {  	s0 =	sadd.s32 $0x8F2B, s0  }
0xca: {  	[sflag:s0] =	ssyncadd.remote.s32 $0x1  }
0xcb: {  	_ =	sfence.sel $0xFFFF  }
0xcc: {  	[dreg:$0x0] =	wrdreg $0xFFFFFFFF;
	(pc) =	sbr.abs _section_cstart, $3  }
0xcd: {  	[dreg:$0x1] =	wrdreg $0xFFFFFFFF  }
0xce: {  	_ =	task.clear_ibuf [dreg:s10], $0x2FFFF;
	_ =	strace $0x9FFFFFFF  }
0xcf: {  	(tm) =	ssettm $0x7FFFFFFF  }
tec
execute0_lowered:
.L_overlay_start_1:
0x0: {  	(tag) =	ssettag $0x1  }
0x1: {  	s2 =	rddreg [dreg:$0x0]  }
0x2: {  	s0 =	rddreg [dreg:$0x1]  }
0x3: {  	s1 =	rddreg [dreg:$0x2]  }
0x4: {  	s5 =	rddreg [dreg:$0x5]  }
0x5: {  	s6 =	rddreg [dreg:$0x6]  }
0x6: {  	s7 =	rddreg [dreg:$0x7];
	s3 =	simm.s32 $0x0;
	s18 =	stileid.u32  }
0x7: {  	s4 =	srdreg.scid;
	s21 =	simm.s32 $0x5;
	s28 =	simm.s32 $0x175C0  }
0x8: {  	s29 =	simm.s32 $0x141C0;
	s30 =	simm.s32 $0x195C0;
	s31 =	simm.s32 $0x1  }
0x9: {  	s16 =	simm.s32 $0x160C0;
	[smem:$0x7FF] =	sst s3;
	s8 =	smul.u32 $0x1400, s18  }
0xa: {  	s4 =	sand.u32 $0x1, s4;
	s9 =	sadd.s32 $0x37200, s2;
	s13 =	smul.u32 $0xA000, s18  }
0xb: {  	s11 =	sadd.s32 $0x37000, s2;
	s12 =	sshll.u32 s18, $0x6;
	s15 =	smul.u32 $0x5000, s18  }
0xc: {  	p1 =	sne.s32 s18, $0x0;
	p2 =	seq.s32 s18, $0x0;
	s3 =	simm.s32 $0x3  }
0xd: {  	s18 =	simm.s32 $0x0;
	_ =	strace $0x8000004A;
	s10 =	ssub.s32 $0x2, s4  }
0xe: {  	[dreg:$0x9] =	wrdreg s11;
	s12 =	sor.u32 $0x1C05, s12;
	p0 =	seq.s32 s4, $0x1  }
0xf: {  	s4 =	simm.s32 $0x4;
	s2 =	sadd.s32 s8, s2;
	s8 =	sadd.s32 s9, s8  }
0x10: {  	s22 =	sshrl.u32 s10, $0x1;
	s23 =	sadd.s32 s13, s6;
	[dreg:$0xa] =	wrdreg s8  }
0x11: {  	s14 =	sadd.s32 s13, s5;
	s10 =	ssub.s32 s10, s22;
	[dreg:$0xb] =	wrdreg s23  }
0x12: {  	s24 =	sadd.s32 $0xF000, s2;
	s25 =	sadd.s32 $0x4B200, s2;
	s26 =	sadd.s32 $0x23000, s2  }
.Ltmp0:
0x13: {  	s2 =	sadd.s32 $0x5F200, s2;
	[dreg:$0xc] =	wrdreg s24;
	(pc) =	sbr.rel .LBB2_1-.Ltmp0, $4  }
0x14: {  	s20 =	sshrl.u32 s14, $0x3;
	s22 =	simm.s32 $0x16140;
	[dreg:$0xd] =	wrdreg s25  }
0x15: {  	s23 =	simm.s32 $0x17540;
	s14 =	simm.s32 $0x16040;
	[dreg:$0xe] =	wrdreg s26  }
0x16: {  	[dreg:$0xf] =	wrdreg s2;
	s19 =	smax.u32 s10, $0x1;
	s24 =	simm.s32 $0x14140  }
0x17: {  	v0 =	vimm.f32 $1.000000000e+00;
	s25 =	simm.s32 $0x15140;
	s26 =	simm.s32 $0x40;
	s2 =	simm.s32 $0x2  }
.LBB2_12:
0x18: {  	s10 =	sshrl.u32 s7, $0x3  }
0x19: {  	[hbm:s8], [sflag:s12] =	dma.local [spmem:s10], $0x280  }
0x1a: {  	_ =	swait.ge [sflag:s21], $0x280  }
0x1b: {  	[sflag:s21] =	ssyncset.done $0x0  }
0x1c: {  	[sflag:s21] =	ssyncadd.s32 $0xFFFFFD80  }
.LBB2_13:
0x1d: {  	s18 =	sadd.s32 $0x1, s18  }
0x1e: {  	p3 =	sne.s32 s18, s19  }
.Ltmp1:
0x1f: {  	_ = 	snop;
	(pc) =	sbr.rel @!p3 .LBB2_14-.Ltmp1, $1  }
0x20: {  	_ =	sdelay $0x3  }
.LBB2_1:
0x21: {  	s8 =	rddreg [dreg:$0xa]  }
0x22: {  	[spmem:s20], [sflag:s12] =	dma.local [hbm:s8], $0x1400  }
0x23: {  	_ =	swait.ge [sflag:s21], $0x1400  }
0x24: {  	[sflag:s21] =	ssyncset.done $0x0  }
0x25: {  	s13 =	simm.s32 $0x0;
	[sflag:s21] =	ssyncadd.s32 $0xFFFFEC00  }
0x26: {  	[tilespmem:s22], [sflag:$0x5] =	stream.linear.gather [hbm4b:s9+s13], $0x1400, $0x38;
	[tilespmem:$0x1B5C0] =	vst v63  }
0x27: {  	_ =	swait.ge [sflag:s21], $0x1400  }
0x28: {  	[sflag:s21] =	ssyncset.done $0x0  }
0x29: {  	s10 =	rddreg [dreg:$0x9];
	[sflag:s21] =	ssyncadd.s32 $0xFFFFEC00  }
0x2a: {  	[tilespmem:s23], [sflag:$0x5] =	stream.linear.gather [hbm4b:s10+s13], $0x80, $0x38;
	[tilespmem:$0x1B5C0] =	vst v63  }
0x2b: {  	_ =	swait.ge [sflag:s21], $0x80  }
0x2c: {  	[sflag:s21] =	ssyncset.done $0x0  }
0x2d: {  	s8 =	sshrl.u32 @!p1 s7, $0x3;
	[sflag:s21] =	ssyncadd.s32 $0xFFFFFF80  }
0x2e: {  	[spmem:s8], [sflag:s12] =	dma.local @!p1 [hbm:s9], $0x280  }
.Ltmp2:
0x2f: {  	_ = 	snop;
	(pc) =	sbr.rel @!p0 .LBB2_2-.Ltmp2, $4  }
0x30: {  	s8 =	simm.s32 @!p1 $0x5  }
0x31: {  	_ =	swait.ge @!p1 [sflag:s8], $0x280  }
0x32: {  	[sflag:s8] =	ssyncset.done @!p1 $0x0;
	s17 =	rddreg [dreg:$0xb]  }
0x33: {  	[sflag:s8] =	ssyncadd.s32 @!p1 $0xFFFFFD80;
	s8 =	sshrl.u32 s17, $0x3  }
0x34: {  	s10 =	rddreg [dreg:$0xe]  }
0x35: {  	[spmem:s8], [sflag:s12] =	dma.local [hbm:s10], $0x1400  }
0x36: {  	_ =	swait.ge [sflag:s21], $0x1400  }
0x37: {  	[sflag:s21] =	ssyncset.done $0x0  }
0x38: {  	[sflag:s21] =	ssyncadd.s32 $0xFFFFEC00  }
0x39: {  	s17 =	simm.s32 $0x0;
	s8 =	simm.s32 $0x0;
	[bflag:$0x0] =	sbarrier.arrive $0xFFFF  }
.LBB2_8:
0x3a: {  	s10 =	sshll.u32 s8, $0xC  }
0x3b: {  	s10 =	sadd.s32 s15, s10  }
0x3c: {  	s10 =	sshrl.u32 s10, $0x3  }
0x3d: {  	s11 =	sadd.s32 s1, s10  }
0x3e: {  	[tilespmem:s24], [sflag:$0x5] =	stream.linear.gather [hbm4b:s11+s17], $0x1000, $0x38;
	[tilespmem:$0x1B5C0] =	vst v63  }
0x3f: {  	_ =	swait.ge [sflag:s21], $0x1000  }
0x40: {  	[sflag:s21] =	ssyncset.done $0x0  }
0x41: {  	s10 =	sadd.s32 s0, s10;
	[sflag:s21] =	ssyncadd.s32 $0xFFFFF000  }
0x42: {  	[tilespmem:s25], [sflag:$0x5] =	stream.linear.gather [hbm4b:s10+s17], $0x1000, $0x38;
	[tilespmem:$0x1B5C0] =	vst v63  }
0x43: {  	_ =	swait.ge [sflag:s21], $0x1000  }
0x44: {  	[sflag:s21] =	ssyncset.done $0x0  }
0x45: {  	[sflag:s21] =	ssyncadd.s32 $0xFFFFF000  }
0x46: {  	[tilespmem:s28], [sflag:$0x1] =	stream.indirect.gather [spmem:s6], $0x80, s24, s26, $0xb8;
	[tilespmem:$0x1B5C0] =	vst v63  }
0x47: {  	s10 =	simm.s32 $0x0  }
0x48: {  	[tilespmem:s30], [sflag:$0x2] =	stream.indirect.gather [spmem:s6], $0x80, s29, s26, $0xb8;
	[tilespmem:$0x1B5C0] =	vst v63  }
.LBB2_9:
0x49: {  	_ =	swait.ge [sflag:s31], $0x2000  }
0x4a: {  	s11 =	sshra.s32 s10, $0x2;
	[sflag:s31] =	ssyncset.done $0x0  }
0x4b: {  	s13 =	sadd.s32 $0x15140, s11;
	[sflag:s31] =	ssyncadd.s32 $0xFFFFE000  }
0x4c: {  	[spmem:s5] =	stream.indirect.scatter.add.f32 [tilespmem:s28], [sflag:$0x3], $0x80, s13, s26, $0xb8;
	[tilespmem:$0x1B5C0] =	vst v63  }
0x4d: {  	v1 =	vld [tilespmem:s11+$0x15140];
	_ =	sdelay $0x7  }
0x4e: {  	[tilespmem:v1+s22+$0x0] =	vst.idx.add.f32.msk $0xffff, v0  }
0x4f: {  	v1 =	vld [tilespmem:s11+$0x15150];
	_ =	sdelay $0x7  }
0x50: {  	[tilespmem:v1+s22+$0x0] =	vst.idx.add.f32.msk $0xffff, v0  }
0x51: {  	v1 =	vld [tilespmem:s11+$0x15160];
	_ =	sdelay $0x7  }
0x52: {  	[tilespmem:v1+s22+$0x0] =	vst.idx.add.f32.msk $0xffff, v0  }
0x53: {  	v1 =	vld [tilespmem:s11+$0x15170];
	_ =	sdelay $0x7  }
0x54: {  	[tilespmem:v1+s22+$0x0] =	vst.idx.add.f32.msk $0xffff, v0  }
0x55: {  	_ =	swait.ge [sflag:s2], $0x2000  }
0x56: {  	[sflag:s2] =	ssyncset.done $0x0  }
0x57: {  	s13 =	sadd.s32 $0x151C0, s11;
	[sflag:s2] =	ssyncadd.s32 $0xFFFFE000  }
0x58: {  	[spmem:s5] =	stream.indirect.scatter.add.f32 [tilespmem:s30], [sflag:$0x4], $0x80, s13, s26, $0xb8;
	[tilespmem:$0x1B5C0] =	vst v63  }
0x59: {  	v1 =	vld [tilespmem:s11+$0x151C0];
	_ =	sdelay $0x7  }
0x5a: {  	[tilespmem:v1+s22+$0x0] =	vst.idx.add.f32.msk $0xffff, v0  }
0x5b: {  	v1 =	vld [tilespmem:s11+$0x151D0];
	_ =	sdelay $0x7  }
0x5c: {  	[tilespmem:v1+s22+$0x0] =	vst.idx.add.f32.msk $0xffff, v0  }
0x5d: {  	v1 =	vld [tilespmem:s11+$0x151E0];
	_ =	sdelay $0x7  }
0x5e: {  	[tilespmem:v1+s22+$0x0] =	vst.idx.add.f32.msk $0xffff, v0  }
0x5f: {  	v1 =	vld [tilespmem:s11+$0x151F0];
	_ =	sdelay $0x7  }
0x60: {  	[tilespmem:v1+s22+$0x0] =	vst.idx.add.f32.msk $0xffff, v0  }
0x61: {  	_ =	swait.ge [sflag:s3], $0x2000  }
0x62: {  	[sflag:s3] =	ssyncset.done $0x0  }
0x63: {  	p3 =	sne.s32 s10, $0x3800;
	s13 =	sadd.s32 $0x14240, s11;
	[sflag:s3] =	ssyncadd.s32 $0xFFFFE000  }
0x64: {  	[tilespmem:s28], [sflag:$0x1] =	stream.indirect.gather [spmem:s6], $0x80, s13, s26, $0xb8;
	[tilespmem:$0x1B5C0] =	vst v63  }
.Ltmp3:
0x65: {  	_ = 	snop;
	(pc) =	sbr.rel @p3 .LBB2_9-.Ltmp3, $4  }
0x66: {  	_ =	swait.ge [sflag:s4], $0x2000  }
0x67: {  	[sflag:s4] =	ssyncset.done $0x0  }
0x68: {  	s10 =	sadd.s32 $0x400, s10;
	s11 =	sadd.s32 $0x142C0, s11;
	[sflag:s4] =	ssyncadd.s32 $0xFFFFE000  }
0x69: {  	[tilespmem:s30], [sflag:$0x2] =	stream.indirect.gather [spmem:s6], $0x80, s11, s26, $0xb8;
	[tilespmem:$0x1B5C0] =	vst v63  }
0x6a: {  	_ =	swait.ge [sflag:s31], $0x2000  }
0x6b: {  	[sflag:s31] =	ssyncset.done $0x0  }
0x6c: {  	[sflag:s31] =	ssyncadd.s32 $0xFFFFE000  }
0x6d: {  	[spmem:s5] =	stream.indirect.scatter.add.f32 [tilespmem:s28], [sflag:$0x3], $0x80, s14, s26, $0xb8;
	[tilespmem:$0x1B5C0] =	vst v63  }
0x6e: {  	v1 =	vld [tilespmem:$0x16040];
	_ =	sdelay $0x7  }
0x6f: {  	[tilespmem:v1+s22+$0x0] =	vst.idx.add.f32.msk $0xffff, v0  }
0x70: {  	v1 =	vld [tilespmem:$0x16050];
	_ =	sdelay $0x7  }
0x71: {  	[tilespmem:v1+s22+$0x0] =	vst.idx.add.f32.msk $0xffff, v0  }
0x72: {  	v1 =	vld [tilespmem:$0x16060];
	_ =	sdelay $0x7  }
0x73: {  	[tilespmem:v1+s22+$0x0] =	vst.idx.add.f32.msk $0xffff, v0  }
0x74: {  	v1 =	vld [tilespmem:$0x16070];
	_ =	sdelay $0x7  }
0x75: {  	[tilespmem:v1+s22+$0x0] =	vst.idx.add.f32.msk $0xffff, v0  }
0x76: {  	_ =	swait.ge [sflag:s2], $0x2000  }
0x77: {  	[sflag:s2] =	ssyncset.done $0x0  }
0x78: {  	[sflag:s2] =	ssyncadd.s32 $0xFFFFE000  }
0x79: {  	[spmem:s5] =	stream.indirect.scatter.add.f32 [tilespmem:s30], [sflag:$0x4], $0x80, s16, s26, $0xb8;
	[tilespmem:$0x1B5C0] =	vst v63  }
0x7a: {  	v1 =	vld [tilespmem:$0x160C0];
	_ =	sdelay $0x7  }
0x7b: {  	[tilespmem:v1+s22+$0x0] =	vst.idx.add.f32.msk $0xffff, v0  }
0x7c: {  	v1 =	vld [tilespmem:$0x160D0];
	_ =	sdelay $0x7  }
0x7d: {  	[tilespmem:v1+s22+$0x0] =	vst.idx.add.f32.msk $0xffff, v0  }
0x7e: {  	v1 =	vld [tilespmem:$0x160E0];
	_ =	sdelay $0x7  }
0x7f: {  	[tilespmem:v1+s22+$0x0] =	vst.idx.add.f32.msk $0xffff, v0  }
0x80: {  	v1 =	vld [tilespmem:$0x160F0];
	_ =	sdelay $0x7  }
0x81: {  	s8 =	sadd.s32 $0x1, s8;
	[tilespmem:v1+s22+$0x0] =	vst.idx.add.f32.msk $0xffff, v0  }
0x82: {  	p3 =	sne.s32 s8, $0x5;
	_ =	swait.ge [sflag:s3], $0x2000  }
.Ltmp4:
0x83: {  	[sflag:s3] =	ssyncset.done $0x0;
	(pc) =	sbr.rel @p3 .LBB2_8-.Ltmp4, $4  }
0x84: {  	[sflag:s3] =	ssyncadd.s32 $0xFFFFE000  }
0x85: {  	_ =	swait.ge [sflag:s4], $0x2000  }
0x86: {  	[sflag:s4] =	ssyncset.done $0x0  }
0x87: {  	[sflag:s4] =	ssyncadd.s32 $0xFFFFE000  }
0x88: {  	s8 =	simm.s32 $0x28  }
0x89: {  	[spmem:s7] =	stream.indirect.scatter.add.f32 [tilespmem:s22], [sflag:$0x5], $0x80, s23, s8, $0xb8;
	[tilespmem:$0x1B5C0] =	vst v63  }
0x8a: {  	_ =	swait.ge [sflag:s21], $0x1400  }
0x8b: {  	[sflag:s21] =	ssyncset.done $0x0  }
0x8c: {  	[sflag:s21] =	ssyncadd.s32 $0xFFFFEC00  }
0x8d: {  	[bflag:$0x0] =	sbarrier.arrive $0xFFFF  }
0x8e: {  	s17 =	rddreg [dreg:$0xf]  }
0x8f: {  	[hbm:s17], [sflag:s12] =	dma.local [spmem:s20], $0x1400  }
.Ltmp5:
0x90: {  	_ = 	snop;
	(pc) =	sbr.rel @p1 .LBB2_13-.Ltmp5, $4  }
.Ltmp6:
0x91: {  	_ =	swait.ge [sflag:s21], $0x1400;
	(pc) =	sbr.rel @!p1 .LBB2_12-.Ltmp6, $4  }
0x92: {  	[sflag:s21] =	ssyncset.done $0x0  }
0x93: {  	[sflag:s21] =	ssyncadd.s32 $0xFFFFEC00  }
0x94: {  	s8 =	rddreg [dreg:$0x4]  }
0x95: {  	_ = 	snop  }
.LBB2_2:
0x96: {  	s10 =	rddreg [dreg:$0xc]  }
0x97: {  	[spmem:s8], [sflag:s12] =	dma.local [hbm:s10], $0x1400  }
0x98: {  	_ =	swait.ge [sflag:s21], $0x1400  }
0x99: {  	[sflag:s21] =	ssyncset.done $0x0  }
0x9a: {  	[sflag:s21] =	ssyncadd.s32 $0xFFFFEC00  }
0x9b: {  	s17 =	simm.s32 $0x0;
	s8 =	simm.s32 $0x0;
	[bflag:$0x0] =	sbarrier.arrive $0xFFFF  }
.LBB2_3:
0x9c: {  	s10 =	sshll.u32 s8, $0xC  }
0x9d: {  	s10 =	sadd.s32 s15, s10  }
0x9e: {  	s10 =	sshrl.u32 s10, $0x3  }
0x9f: {  	s11 =	sadd.s32 s0, s10  }
0xa0: {  	[tilespmem:s24], [sflag:$0x5] =	stream.linear.gather [hbm4b:s11+s17], $0x1000, $0x38;
	[tilespmem:$0x1B5C0] =	vst v63  }
0xa1: {  	_ =	swait.ge [sflag:s21], $0x1000  }
0xa2: {  	[sflag:s21] =	ssyncset.done $0x0  }
0xa3: {  	s10 =	sadd.s32 s1, s10;
	[sflag:s21] =	ssyncadd.s32 $0xFFFFF000  }
0xa4: {  	[tilespmem:s25], [sflag:$0x5] =	stream.linear.gather [hbm4b:s10+s17], $0x1000, $0x38;
	[tilespmem:$0x1B5C0] =	vst v63  }
0xa5: {  	_ =	swait.ge [sflag:s21], $0x1000  }
0xa6: {  	[sflag:s21] =	ssyncset.done $0x0  }
0xa7: {  	[sflag:s21] =	ssyncadd.s32 $0xFFFFF000  }
0xa8: {  	[tilespmem:s28], [sflag:$0x1] =	stream.indirect.gather [spmem:s6], $0x80, s24, s26, $0xb8;
	[tilespmem:$0x1B5C0] =	vst v63  }
0xa9: {  	s10 =	simm.s32 $0x0  }
0xaa: {  	[tilespmem:s30], [sflag:$0x2] =	stream.indirect.gather [spmem:s6], $0x80, s29, s26, $0xb8;
	[tilespmem:$0x1B5C0] =	vst v63  }
.LBB2_4:
0xab: {  	_ =	swait.ge [sflag:s31], $0x2000  }
0xac: {  	s11 =	sshra.s32 s10, $0x2;
	[sflag:s31] =	ssyncset.done $0x0  }
0xad: {  	s13 =	sadd.s32 $0x15140, s11;
	[sflag:s31] =	ssyncadd.s32 $0xFFFFE000  }
0xae: {  	[spmem:s5] =	stream.indirect.scatter.add.f32 [tilespmem:s28], [sflag:$0x3], $0x80, s13, s26, $0xb8;
	[tilespmem:$0x1B5C0] =	vst v63  }
0xaf: {  	v1 =	vld [tilespmem:s11+$0x15140];
	_ =	sdelay $0x7  }
0xb0: {  	[tilespmem:v1+s22+$0x0] =	vst.idx.add.f32.msk $0xffff, v0  }
0xb1: {  	v1 =	vld [tilespmem:s11+$0x15150];
	_ =	sdelay $0x7  }
0xb2: {  	[tilespmem:v1+s22+$0x0] =	vst.idx.add.f32.msk $0xffff, v0  }
0xb3: {  	v1 =	vld [tilespmem:s11+$0x15160];
	_ =	sdelay $0x7  }
0xb4: {  	[tilespmem:v1+s22+$0x0] =	vst.idx.add.f32.msk $0xffff, v0  }
0xb5: {  	v1 =	vld [tilespmem:s11+$0x15170];
	_ =	sdelay $0x7  }
0xb6: {  	[tilespmem:v1+s22+$0x0] =	vst.idx.add.f32.msk $0xffff, v0  }
0xb7: {  	_ =	swait.ge [sflag:s2], $0x2000  }
0xb8: {  	[sflag:s2] =	ssyncset.done $0x0  }
0xb9: {  	s13 =	sadd.s32 $0x151C0, s11;
	[sflag:s2] =	ssyncadd.s32 $0xFFFFE000  }
0xba: {  	[spmem:s5] =	stream.indirect.scatter.add.f32 [tilespmem:s30], [sflag:$0x4], $0x80, s13, s26, $0xb8;
	[tilespmem:$0x1B5C0] =	vst v63  }
0xbb: {  	v1 =	vld [tilespmem:s11+$0x151C0];
	_ =	sdelay $0x7  }
0xbc: {  	[tilespmem:v1+s22+$0x0] =	vst.idx.add.f32.msk $0xffff, v0  }
0xbd: {  	v1 =	vld [tilespmem:s11+$0x151D0];
	_ =	sdelay $0x7  }
0xbe: {  	[tilespmem:v1+s22+$0x0] =	vst.idx.add.f32.msk $0xffff, v0  }
0xbf: {  	v1 =	vld [tilespmem:s11+$0x151E0];
	_ =	sdelay $0x7  }
0xc0: {  	[tilespmem:v1+s22+$0x0] =	vst.idx.add.f32.msk $0xffff, v0  }
0xc1: {  	v1 =	vld [tilespmem:s11+$0x151F0];
	_ =	sdelay $0x7  }
0xc2: {  	[tilespmem:v1+s22+$0x0] =	vst.idx.add.f32.msk $0xffff, v0  }
0xc3: {  	_ =	swait.ge [sflag:s3], $0x2000  }
0xc4: {  	[sflag:s3] =	ssyncset.done $0x0  }
0xc5: {  	p3 =	sne.s32 s10, $0x3800;
	s13 =	sadd.s32 $0x14240, s11;
	[sflag:s3] =	ssyncadd.s32 $0xFFFFE000  }
0xc6: {  	[tilespmem:s28], [sflag:$0x1] =	stream.indirect.gather [spmem:s6], $0x80, s13, s26, $0xb8;
	[tilespmem:$0x1B5C0] =	vst v63  }
.Ltmp7:
0xc7: {  	_ = 	snop;
	(pc) =	sbr.rel @p3 .LBB2_4-.Ltmp7, $4  }
0xc8: {  	_ =	swait.ge [sflag:s4], $0x2000  }
0xc9: {  	[sflag:s4] =	ssyncset.done $0x0  }
0xca: {  	s10 =	sadd.s32 $0x400, s10;
	s11 =	sadd.s32 $0x142C0, s11;
	[sflag:s4] =	ssyncadd.s32 $0xFFFFE000  }
0xcb: {  	[tilespmem:s30], [sflag:$0x2] =	stream.indirect.gather [spmem:s6], $0x80, s11, s26, $0xb8;
	[tilespmem:$0x1B5C0] =	vst v63  }
0xcc: {  	_ =	swait.ge [sflag:s31], $0x2000  }
0xcd: {  	[sflag:s31] =	ssyncset.done $0x0  }
0xce: {  	[sflag:s31] =	ssyncadd.s32 $0xFFFFE000  }
0xcf: {  	[spmem:s5] =	stream.indirect.scatter.add.f32 [tilespmem:s28], [sflag:$0x3], $0x80, s14, s26, $0xb8;
	[tilespmem:$0x1B5C0] =	vst v63  }
0xd0: {  	v1 =	vld [tilespmem:$0x16040];
	_ =	sdelay $0x7  }
0xd1: {  	[tilespmem:v1+s22+$0x0] =	vst.idx.add.f32.msk $0xffff, v0  }
0xd2: {  	v1 =	vld [tilespmem:$0x16050];
	_ =	sdelay $0x7  }
0xd3: {  	[tilespmem:v1+s22+$0x0] =	vst.idx.add.f32.msk $0xffff, v0  }
0xd4: {  	v1 =	vld [tilespmem:$0x16060];
	_ =	sdelay $0x7  }
0xd5: {  	[tilespmem:v1+s22+$0x0] =	vst.idx.add.f32.msk $0xffff, v0  }
0xd6: {  	v1 =	vld [tilespmem:$0x16070];
	_ =	sdelay $0x7  }
0xd7: {  	[tilespmem:v1+s22+$0x0] =	vst.idx.add.f32.msk $0xffff, v0  }
0xd8: {  	_ =	swait.ge [sflag:s2], $0x2000  }
0xd9: {  	[sflag:s2] =	ssyncset.done $0x0  }
0xda: {  	[sflag:s2] =	ssyncadd.s32 $0xFFFFE000  }
0xdb: {  	[spmem:s5] =	stream.indirect.scatter.add.f32 [tilespmem:s30], [sflag:$0x4], $0x80, s16, s26, $0xb8;
	[tilespmem:$0x1B5C0] =	vst v63  }
0xdc: {  	v1 =	vld [tilespmem:$0x160C0];
	_ =	sdelay $0x7  }
0xdd: {  	[tilespmem:v1+s22+$0x0] =	vst.idx.add.f32.msk $0xffff, v0  }
0xde: {  	v1 =	vld [tilespmem:$0x160D0];
	_ =	sdelay $0x7  }
0xdf: {  	[tilespmem:v1+s22+$0x0] =	vst.idx.add.f32.msk $0xffff, v0  }
0xe0: {  	v1 =	vld [tilespmem:$0x160E0];
	_ =	sdelay $0x7  }
0xe1: {  	[tilespmem:v1+s22+$0x0] =	vst.idx.add.f32.msk $0xffff, v0  }
0xe2: {  	v1 =	vld [tilespmem:$0x160F0];
	_ =	sdelay $0x7  }
0xe3: {  	s8 =	sadd.s32 $0x1, s8;
	[tilespmem:v1+s22+$0x0] =	vst.idx.add.f32.msk $0xffff, v0  }
0xe4: {  	p3 =	sne.s32 s8, $0x5;
	_ =	swait.ge [sflag:s3], $0x2000  }
.Ltmp8:
0xe5: {  	[sflag:s3] =	ssyncset.done $0x0;
	(pc) =	sbr.rel @p3 .LBB2_3-.Ltmp8, $4  }
0xe6: {  	[sflag:s3] =	ssyncadd.s32 $0xFFFFE000  }
0xe7: {  	_ =	swait.ge [sflag:s4], $0x2000  }
0xe8: {  	[sflag:s4] =	ssyncset.done $0x0  }
0xe9: {  	[sflag:s4] =	ssyncadd.s32 $0xFFFFE000  }
0xea: {  	s8 =	simm.s32 $0x28  }
0xeb: {  	[spmem:s7] =	stream.indirect.scatter.add.f32 [tilespmem:s22], [sflag:$0x5], $0x80, s23, s8, $0xb8;
	[tilespmem:$0x1B5C0] =	vst v63  }
0xec: {  	_ =	swait.ge [sflag:s21], $0x1400  }
0xed: {  	[sflag:s21] =	ssyncset.done $0x0  }
0xee: {  	[sflag:s21] =	ssyncadd.s32 $0xFFFFEC00  }
0xef: {  	[bflag:$0x0] =	sbarrier.arrive $0xFFFF  }
0xf0: {  	s17 =	rddreg [dreg:$0xd]  }
0xf1: {  	[hbm:s17], [sflag:s12] =	dma.local [spmem:s20], $0x1400  }
.Ltmp9:
0xf2: {  	_ = 	snop;
	(pc) =	sbr.rel @!p2 .LBB2_13-.Ltmp9, $4  }
.Ltmp10:
0xf3: {  	_ =	swait.ge [sflag:s21], $0x1400;
	(pc) =	sbr.rel @p2 .LBB2_12-.Ltmp10, $4  }
0xf4: {  	[sflag:s21] =	ssyncset.done $0x0  }
0xf5: {  	[sflag:s21] =	ssyncadd.s32 $0xFFFFEC00  }
0xf6: {  	s8 =	rddreg [dreg:$0x3]  }
0xf7: {  	_ = 	snop  }
.LBB2_14:
0xf8: {  	_ =	sfence.sel $0x180000  }
0xf9: {  	[bflag:$0x0] =	sbarrier.arrive $0xFFFF  }
0xfa: {  	_ =	strace $0x9000004A  }
0xfb: {  	[bflag:$0x2] =	sbarrier.arrive $0xFFFF  }
0xfc: {  	s0 =	rddreg [dreg:$0x8]  }
0xfd: {  	s0 =	sadd.s32 @!p1 $0x100000, s0  }
0xfe: {  	[sflag:s0] =	ssyncadd.tile.s32 @!p1 $0x1;
	_ =	shalt  }
.Lfunc_end2:
_tile_overlayer_lowered:
.L_overlay_start_2:
0xff: {  	(tag) =	ssettag $0x2  }
0x100: {  	s0 =	rddreg [dreg:$0x0];
	s2 =	stileid.u32  }
0x101: {  	s1 =	rddreg [dreg:$0x1];
	p0 =	sne.s32 s2, $0x0  }
0x102: {  	s3 =	rddreg [dreg:$0x2];
	[bflag:$0x3] =	sbarrier.arrive $0xFFFF;
	s2 =	simm.s32 @!p0 $0x1C05  }
0x103: {  	[timem:s3], [sflag:s2] =	dma.local @!p0 [hbm:s0], s1  }
0x104: {  	s0 =	simm.s32 @!p0 $0x5  }
0x105: {  	_ =	swait.ge @!p0 [sflag:s0], s1  }
0x106: {  	s1 =	ssub.s32 @!p0 $0x0, s1;
	[sflag:s0] =	ssyncset.done @!p0 $0x0  }
0x107: {  	[sflag:s0] =	ssyncadd.s32 @!p0 s1  }
0x108: {  	[bflag:$0x3] =	sbarrier.arrive $0xFFFF  }
0x109: {  	_ =	shalt  }

// kernel: kernel.15.cloned.1.call-start
scs
__scs_entry_jumppad:
0x0: {  	(pc) =	sbr.rel $0x88, $3  }
0x1: {  	(tag) =	ssettag $0x0;
	lr =	simm.s32 $0x1  }
0x2: {  	[smem:$0x3F91] =	sst lr;
	_ =	strace $0xD0000000  }
0x3: {  	_ = 	snop  }
0x4: {  	_ = 	snop  }
0x5: {  	_ = 	snop  }
0x6: {  	_ = 	snop  }
0x7: {  	_ = 	snop  }
__scs_overlays_trampoline_lowered:
0x8: {  	[smem:$0x3FA0] =	sst s0  }
0x9: {  	[smem:$0x3FA1] =	sst s1  }
0xa: {  	[smem:$0x3FA2] =	sst s2  }
0xb: {  	[smem:$0x3FA3] =	sst s3  }
0xc: {  	[smem:$0x3FA4] =	sst s4  }
0xd: {  	[smem:$0x3FA5] =	sst s5  }
0xe: {  	[smem:$0x3FA6] =	sst s6  }
0xf: {  	[smem:$0x3FA7] =	sst s7  }
0x10: {  	[smem:$0x3FA8] =	sst s8  }
0x11: {  	[smem:$0x3FA9] =	sst s9;
	s0 =	simm.s32 @!p0 $0x0  }
0x12: {  	s1 =	sld [smem:$0x3F8F];
	s0 =	simm.s32 @p0 $0x1  }
0x13: {  	[smem:$0x3FAA] =	sst s0;
	s0 =	simm.s32 @!p1 $0x0  }
0x14: {  	s2 =	sld [smem:$0x3F8E];
	s0 =	simm.s32 @p1 $0x1  }
0x15: {  	[smem:$0x3FAB] =	sst s0;
	s0 =	simm.s32 @!p2 $0x0  }
0x16: {  	s3 =	sld [smem:$0x3FDB];
	s0 =	simm.s32 @p2 $0x1  }
0x17: {  	s4 =	simm.s32 $0x1BF5;
	[smem:$0x3FAD] =	sst s0  }
0x18: {  	s0 =	sld [smem:$0x3F90];
	_ =	swait.ge [sflag:s4], $0x0  }
0x19: {  	s7 =	sld [smem:$0x3F91]  }
0x1a: {  	s8 =	sadd.s32 $0xFFFFE003, lr  }
0x1b: {  	s9 =	sadd.s32 $0xFFFFFEF7, lr;
	s5 =	simm.s32 $0xFFFFFFFF;
	p2 =	slt.u32 s8, $0xFFFFF086  }
0x1c: {  	p1 =	slt.u32 s9, $0xF7A;
	s5 =	simm.s32 @!p2 $0x0  }
0x1d: {  	s5 =	simm.s32 @p1 $0x1;
	p0 =	seq.s32 s7, s2  }
0x1e: {  	s7 =	smul.u32 @!p0 $0xF7A, s2;
	p2 =	seq.s32 @!p0 s5, $0x0  }
0x1f: {  	s9 =	smul.u32 $0xF7A, s1;
	s8 =	simm.s32 @!p0 $0x1BF5;
	p2 =	por !p2, p0  }
0x20: {  	[sflag:s8] =	ssyncset.s32 @!p0 $0xFFFFF086;
	s6 =	sadd.s32 @!p0 s3, s7;
	s7 =	simm.s32 @!p0 $0x108  }
0x21: {  	s3 =	sadd.s32 s3, s9;
	s6 =	sadd.s32 @!p0 $0x88, s6;
	s7 =	simm.s32 @p2 $0x1082  }
0x22: {  	[simem:s7], [sflag:s8] =	dma.local @!p0 [hbm:s6], $0xF7A  }
0x23: {  	s9 =	sor.u32 $0xD0000000, s2;
	s6 =	simm.s32 $0x108;
	_ =	swait.ge @!p0 [sflag:s8], $0x0  }
0x24: {  	s3 =	sadd.s32 $0x88, s3;
	s6 =	simm.s32 @!p1 $0x1082;
	[sflag:s4] =	ssyncset.s32 $0xFFFFF086  }
0x25: {  	[simem:s6], [sflag:s4] =	dma.local [hbm:s3], $0xF7A  }
0x26: {  	[smem:$0x3F91] =	sst s1;
	(tag) =	ssettag s2;
	_ =	strace s9  }
0x27: {  	s1 =	sld [smem:$0x3FA1]  }
0x28: {  	s2 =	sld [smem:$0x3FA2]  }
0x29: {  	s4 =	sld [smem:$0x3FA4]  }
0x2a: {  	p0 =	seq.s32 s5, $0x0;
	s5 =	sld [smem:$0x3FA5]  }
0x2b: {  	s6 =	sld [smem:$0x3FA6]  }
0x2c: {  	s7 =	sld [smem:$0x3FA7]  }
0x2d: {  	s3 =	simm.s32 $0x108;
	s8 =	sld [smem:$0x3FA8]  }
0x2e: {  	s3 =	simm.s32 @!p0 $0x1082;
	s9 =	sld [smem:$0x3FA9]  }
0x2f: {  	lr =	sadd.s32 s0, s3;
	s0 =	sld [smem:$0x3FA0]  }
0x30: {  	s3 =	sld [smem:$0x3FA3]  }
0x31: {  	[smem:$0x3FAC] =	sst s10  }
0x32: {  	s10 =	sld [smem:$0x3FAA];
	_ =	sdelay $0x3  }
0x33: {  	p0 =	seq.s32 s10, $0x1;
	s10 =	sld [smem:$0x3FAC];
	_ =	sdelay $0x3  }
0x34: {  	[smem:$0x3FAC] =	sst s10  }
0x35: {  	s10 =	sld [smem:$0x3FAB];
	_ =	sdelay $0x3  }
0x36: {  	p1 =	seq.s32 s10, $0x1;
	s10 =	sld [smem:$0x3FAC];
	_ =	sdelay $0x3  }
0x37: {  	[smem:$0x3FAC] =	sst s10  }
0x38: {  	s10 =	sld [smem:$0x3FAD]  }
0x39: {  	_ = 	snop;
	(pc) =	sbr.ind lr, $3  }
0x3a: {  	_ = 	snop  }
0x3b: {  	_ = 	snop  }
0x3c: {  	p2 =	seq.s32 s10, $0x1;
	s10 =	sld [smem:$0x3FAC]  }
0x3d: {  	_ =	shalt  }
0x3e: {  	_ =	shalt  }
0x3f: {  	_ =	shalt  }
0x40: {  	_ =	shalt  }
0x41: {  	_ =	shalt  }
0x42: {  	_ =	shalt  }
0x43: {  	_ =	shalt  }
0x44: {  	_ =	shalt  }
0x45: {  	_ =	shalt  }
0x46: {  	_ =	shalt  }
0x47: {  	_ =	shalt  }
0x48: {  	_ =	shalt  }
0x49: {  	_ =	shalt  }
0x4a: {  	_ =	shalt  }
0x4b: {  	_ =	shalt  }
0x4c: {  	_ =	shalt  }
0x4d: {  	_ =	shalt  }
0x4e: {  	_ =	shalt  }
0x4f: {  	_ =	shalt  }
0x50: {  	_ =	shalt  }
0x51: {  	_ =	shalt  }
0x52: {  	_ =	shalt  }
0x53: {  	_ =	shalt  }
0x54: {  	_ =	shalt  }
0x55: {  	_ =	shalt  }
0x56: {  	_ =	shalt  }
0x57: {  	_ =	shalt  }
0x58: {  	_ =	shalt  }
0x59: {  	_ =	shalt  }
0x5a: {  	_ =	shalt  }
0x5b: {  	_ =	shalt  }
0x5c: {  	_ =	shalt  }
0x5d: {  	_ =	shalt  }
0x5e: {  	_ =	shalt  }
0x5f: {  	_ =	shalt  }
0x60: {  	_ =	shalt  }
0x61: {  	_ =	shalt  }
0x62: {  	_ =	shalt  }
0x63: {  	_ =	shalt  }
0x64: {  	_ =	shalt  }
0x65: {  	_ =	shalt  }
0x66: {  	_ =	shalt  }
0x67: {  	_ =	shalt  }
0x68: {  	_ =	shalt  }
0x69: {  	_ =	shalt  }
0x6a: {  	_ =	shalt  }
0x6b: {  	_ =	shalt  }
0x6c: {  	_ =	shalt  }
0x6d: {  	_ =	shalt  }
0x6e: {  	_ =	shalt  }
0x6f: {  	_ =	shalt  }
0x70: {  	_ =	shalt  }
0x71: {  	_ =	shalt  }
0x72: {  	_ =	shalt  }
0x73: {  	_ =	shalt  }
0x74: {  	_ =	shalt  }
0x75: {  	_ =	shalt  }
0x76: {  	_ =	shalt  }
0x77: {  	_ =	shalt  }
0x78: {  	_ =	shalt  }
0x79: {  	_ =	shalt  }
0x7a: {  	_ =	shalt  }
0x7b: {  	_ =	shalt  }
0x7c: {  	_ =	shalt  }
0x7d: {  	_ =	shalt  }
0x7e: {  	_ =	shalt  }
0x7f: {  	_ =	shalt  }
0x80: {  	_ =	shalt  }
0x81: {  	_ =	shalt  }
0x82: {  	_ =	shalt  }
0x83: {  	_ =	shalt  }
0x84: {  	_ =	shalt  }
0x85: {  	_ =	shalt  }
0x86: {  	_ =	shalt  }
0x87: {  	_ =	shalt  }
.Lfunc_end0:
.L_simem_size_0:
called_computation.2_lowered:
.L_overlay_start_0:
0x88: {  	s2 =	sld [smem:$0x3FD9]  }
0x89: {  	s3 =	sld [smem:$0x3FFE];
	_ =	sdelay $0x1  }
0x8a: {  	s1 =	srdreg.scid  }
0x8b: {  	s0 =	sand.u32 $0x1, s1  }
0x8c: {  	s14 =	sshll.u32 s0, $0xA;
	s2 =	sadd.s32 s3, s2  }
0x8d: {  	s2 =	sadd.s32 s2, s14  }
0x8e: {  	[smem:$0x3FB8] =	sst s2  }
0x8f: {  	_ = 	snop  }
0x90: {  	s2 =	sld [smem:$0x3FD0];
	_ =	sdelay $0x2  }
0x91: {  	s15 =	simm.s32 $0xA;
	s4 =	simm.s32 $0x10  }
0x92: {  	[smem:s4], [sflag:s15] =	dma.local [hbm:s2], $0x1  }
0x93: {  	_ =	swait.eq [sflag:s15], $0x1  }
0x94: {  	[sflag:s15] =	ssyncset.done $0x0  }
0x95: {  	s16 =	sld [smem:$0x10];
	[sflag:s15] =	ssyncadd.s32 $0xFFFFFFFF  }
0x96: {  	s17 =	sld [smem:$0x11];
	(tm) =	ssettm $0x1  }
0x97: {  	s18 =	sld [smem:$0x3FFB];
	_ =	sdelay $0x3  }
0x98: {  	_ =	strace s18  }
0x99: {  	s4 =	sld [smem:$0x3FFC];
	_ =	sdelay $0x3  }
0x9a: {  	_ =	strace s4  }
0x9b: {  	s4 =	sld [smem:$0x3FFD];
	_ =	sdelay $0x3  }
0x9c: {  	_ =	strace s4  }
0x9d: {  	_ =	strace $0x8FFFFFFF  }
0x9e: {  	s19 =	sld [smem:$0x3FDB];
	_ =	sdelay $0x1  }
0x9f: {  	s5 =	simm.s32 $_scs_section_size  }
0xa0: {  	s6 =	simm.s32 $_size__tile_overlayer_lowered;
	s7 =	simm.s32 $_tile_overlayer_lowered  }
0xa1: {  	s22 =	simm.s32 $0x1BFF;
	s21 =	sshll.u32 s7, $0x1;
	s4 =	sadd.s32 s5, s19  }
0xa2: {  	s8 =	simm.s32 $0x0;
	s20 =	sshll.u32 s6, $0x1;
	s6 =	sadd.s32 s21, s4  }
0xa3: {  	[timem:s8], [sflag:s22] =	dma.local [hbm:s6], s20  }
0xa4: {  	_ =	swait.ge [sflag:s22], s20  }
0xa5: {  	s5 =	ssub.s32 $0x0, s20;
	[sflag:s22] =	ssyncset.done $0x0  }
0xa6: {  	[sflag:s22] =	ssyncadd.s32 s5;
	_ =	sdelay $0x1  }
0xa7: {  	s23 =	simm.s32 $0x1B8B  }
0xa8: {  	_ =	swait.ge [sflag:s23], $0x1  }
0xa9: {  	[sflag:s23] =	ssyncset.done $0x0  }
0xaa: {  	s25 =	simm.s32 $0x1B8E;
	s24 =	sld [smem:$0x3FFE];
	[sflag:s23] =	ssyncadd.s32 $0xFFFFFFFF  }
0xab: {  	s26 =	simm.s32 $execute0_lowered;
	[smem:$0x3FD2] =	sst s25  }
0xac: {  	s6 =	sshll.u32 s26, $0x1;
	_ =	strace $0x8000004C;
	[dreg:$0x1] =	wrdreg $0xFFFFFFFF  }
0xad: {  	s28 =	simm.s32 $_size_execute0_lowered;
	s4 =	sadd.s32 s4, s6;
	[dreg:$0x0] =	wrdreg $0x0  }
0xae: {  	s6 =	sshll.u32 s28, $0x1;
	[dreg:$0x2] =	wrdreg s4  }
0xaf: {  	[dreg:$0x3] =	wrdreg s6  }
0xb0: {  	[dreg:$0x4] =	wrdreg $0xC0  }
0xb1: {  	_ =	task [dreg:s8], $0x5FFFF  }
0xb2: {  	[dreg:$0x1] =	wrdreg $0xFFFFFFFF  }
0xb3: {  	[dreg:$0x0] =	wrdreg $0x60  }
0xb4: {  	[dreg:$0x2] =	wrdreg s17  }
0xb5: {  	[dreg:$0x3] =	wrdreg s16  }
0xb6: {  	[dreg:$0x4] =	wrdreg s24  }
0xb7: {  	[dreg:$0x5] =	wrdreg $0x9  }
0xb8: {  	_ =	task.clear_ibuf [dreg:s8], $0x6FFFF;
	_ =	strace $0x9000004C  }
0xb9: {  	s29 =	simm.s32 $0x9;
	_ =	strace $0x8000004E  }
0xba: {  	_ =	swait.ge [sflag:s29], $0x1  }
0xbb: {  	[sflag:s29] =	ssyncadd.s32 $0xFFFFFFFF  }
0xbc: {  	_ =	strace $0x9000004E  }
0xbd: {  	_ =	sfence  }
0xbe: {  	s30 =	sld [smem:$0x0];
	_ =	sdelay $0x2  }
0xbf: {  	s31 =	sshll.u32 s1, $0xD;
	s1 =	sshrl.u32 s1, $0x2  }
0xc0: {  	s3 =	sand.u32 $0x4000, s31;
	s1 =	sadd.s32 s1, s30  }
0xc1: {  	s0 =	sor.u32 s3, s0;
	s1 =	sshll.u32 s1, $0x11  }
0xc2: {  	s0 =	sor.u32 s1, s0  }
0xc3: {  	s0 =	sadd.s32 $0x8F2B, s0  }
0xc4: {  	[sflag:s0] =	ssyncadd.remote.s32 $0x1  }
0xc5: {  	_ =	sfence.sel $0xFFFF  }
0xc6: {  	[dreg:$0x0] =	wrdreg $0xFFFFFFFF;
	(pc) =	sbr.abs _section_cstart, $3  }
0xc7: {  	[dreg:$0x1] =	wrdreg $0xFFFFFFFF  }
0xc8: {  	_ =	task.clear_ibuf [dreg:s8], $0x2FFFF;
	_ =	strace $0x9FFFFFFF  }
0xc9: {  	(tm) =	ssettm $0x7FFFFFFF  }
tec
execute0_lowered:
.L_overlay_start_1:
0x0: {  	(tag) =	ssettag $0x1  }
0x1: {  	s0 =	rddreg [dreg:$0x0]  }
0x2: {  	s1 =	srdreg.scid;
	s3 =	rddreg [dreg:$0x1]  }
0x3: {  	s6 =	rddreg [dreg:$0x2];
	s2 =	stileid.u32  }
0x4: {  	s4 =	simm.s32 $0x0;
	s13 =	simm.s32 $0x1;
	s14 =	simm.s32 $0x1400  }
0x5: {  	s15 =	simm.s32 $0x2800;
	s16 =	simm.s32 $0x2880;
	s5 =	sand.u32 $0x1, s1  }
0x6: {  	s17 =	simm.s32 $0x3C80;
	s18 =	simm.s32 $0x5080;
	s7 =	sshll.u32 s5, $0x4  }
0x7: {  	s19 =	simm.s32 $0x0;
	s8 =	ssub.s32 $0x2, s5;
	s7 =	sor.u32 s2, s7  }
0x8: {  	[smem:$0x7FF] =	sst s4;
	s31 =	sshrl.u32 s8, $0x1;
	s7 =	smul.u32 $0x280, s7  }
0x9: {  	s1 =	rddreg [dreg:$0x3];
	_ =	strace $0x8000004D;
	s12 =	ssub.s32 s8, s31  }
0xa: {  	s5 =	sadd.s32 $0xF000, s6;
	s12 =	smax.u32 s12, $0x1;
	s11 =	sadd.s32 s7, s6  }
0xb: {  	s6 =	sadd.s32 $0x5000, s11;
	s7 =	sadd.s32 $0xA000, s11;
	s8 =	sadd.s32 $0xF200, s11  }
0xc: {  	s9 =	sadd.s32 $0x73200, s11;
	s10 =	sadd.s32 $0x78200, s11;
	s11 =	sadd.s32 $0x14200, s11  }
.LBB2_1:
0xd: {  	[tilespmem:s4], [sflag:$0x1] =	stream.linear.gather [hbm4b:s0+s4], $0x1400, $0x38;
	[tilespmem:$0x6480] =	vst v63  }
0xe: {  	_ =	swait.ge [sflag:s13], $0x1400  }
0xf: {  	[sflag:s13] =	ssyncset.done $0x0  }
0x10: {  	[sflag:s13] =	ssyncadd.s32 $0xFFFFEC00  }
0x11: {  	[tilespmem:s14], [sflag:$0x1] =	stream.linear.gather [hbm4b:s3+s4], $0x1400, $0x38;
	[tilespmem:$0x6480] =	vst v63  }
0x12: {  	_ =	swait.ge [sflag:s13], $0x1400  }
0x13: {  	[sflag:s13] =	ssyncset.done $0x0  }
0x14: {  	[sflag:s13] =	ssyncadd.s32 $0xFFFFEC00  }
0x15: {  	[tilespmem:s15], [sflag:$0x1] =	stream.linear.gather [hbm4b:s5+s4], $0x80, $0x38;
	[tilespmem:$0x6480] =	vst v63  }
0x16: {  	_ =	swait.ge [sflag:s13], $0x80  }
0x17: {  	[sflag:s13] =	ssyncset.done $0x0  }
0x18: {  	[sflag:s13] =	ssyncadd.s32 $0xFFFFFF80  }
0x19: {  	v0 =	vld [tilespmem:$0x2800];
	[tilespmem:s16], [sflag:$0x1] =	stream.linear.gather [hbm4b:s6+s4], $0x1400, $0x38  }
0x1a: {  	_ =	swait.ge [sflag:s13], $0x1400  }
0x1b: {  	[sflag:s13] =	ssyncset.done $0x0  }
0x1c: {  	[sflag:s13] =	ssyncadd.s32 $0xFFFFEC00  }
0x1d: {  	[tilespmem:s17], [sflag:$0x1] =	stream.linear.gather [hbm4b:s7+s4], $0x1400, $0x38;
	[tilespmem:$0x6480] =	vst v63  }
0x1e: {  	_ =	swait.ge [sflag:s13], $0x1400  }
0x1f: {  	[sflag:s13] =	ssyncset.done $0x0  }
0x20: {  	s20 =	simm.s32 $0x0;
	[sflag:s13] =	ssyncadd.s32 $0xFFFFEC00  }
0x21: {  	v1 =	vld [tilespmem:s20+$0x3C80]  }
0x22: {  	v3 =	vld [tilespmem:s20+$0x2880];
	_ =	sdelay $0x6  }
0x23: {  	v2 =	vld.idx.msk [tilespmem:v1+s14+$0x0], $0xffff  }
0x24: {  	v3 =	vld.idx.msk [tilespmem:v3+s4+$0x0], $0xffff  }
0x25: {  	s21 =	simm.s32 $0x10  }
0x26: {  	s22 =	simm.s32 $0x80;
	v1 =	vld [tilespmem:s21+$0x3C80]  }
.LBB2_2:
0x27: {  	p0 =	sne.s32 s22, $0x4FC0;
	v4 =	vld [tilespmem:s21+$0x2880];
	_ =	sdelay $0x1  }
0x28: {  	v2 =	vadd.f32 v2, v3;
	_ =	sdelay $0x1  }
0x29: {  	v2 =	vadd.f32 v2, v0;
	_ =	sdelay $0x1  }
0x2a: {  	[tilespmem:s20+$0x5080] =	vst v2;
	s20 =	smov.u32 s21  }
.Ltmp0:
0x2b: {  	v2 =	vld.idx.msk [tilespmem:v1+s14+$0x0], $0xffff;
	(pc) =	sbr.rel @p0 .LBB2_2-.Ltmp0, $3  }
0x2c: {  	v3 =	vld.idx.msk [tilespmem:v4+s4+$0x0], $0xffff;
	_ =	sdelay $0x1  }
0x2d: {  	s21 =	sshra.s32 s22, $0x2  }
0x2e: {  	s22 =	sadd.s32 $0x40, s22;
	v1 =	vld [tilespmem:s21+$0x3C80]  }
0x2f: {  	_ = 	snop  }
0x30: {  	v4 =	vld [tilespmem:s21+$0x2880];
	_ =	sdelay $0x1  }
0x31: {  	v2 =	vadd.f32 v2, v3;
	_ =	sdelay $0x1  }
0x32: {  	v2 =	vadd.f32 v2, v0;
	_ =	sdelay $0x1  }
0x33: {  	[tilespmem:s20+$0x5080] =	vst v2  }
0x34: {  	v1 =	vld.idx.msk [tilespmem:v1+s14+$0x0], $0xffff  }
0x35: {  	v2 =	vld.idx.msk [tilespmem:v4+s4+$0x0], $0xffff;
	_ =	sdelay $0x4  }
0x36: {  	v1 =	vadd.f32 v1, v2;
	_ =	sdelay $0x1  }
0x37: {  	v1 =	vadd.f32 v1, v0;
	_ =	sdelay $0x1  }
0x38: {  	s31 =	simm.s32 $0x0;
	[tilespmem:s21+$0x5080] =	vst v1  }
0x39: {  	[hbm4b:s8+s31] =	stream.linear.scatter [tilespmem:s18], [sflag:$0x1], $0x1400, $0x38;
	[tilespmem:$0x6480] =	vst v63  }
0x3a: {  	_ =	swait.ge [sflag:s13], $0x1400  }
0x3b: {  	[sflag:s13] =	ssyncset.done $0x0  }
0x3c: {  	[sflag:s13] =	ssyncadd.s32 $0xFFFFEC00  }
0x3d: {  	[tilespmem:s16], [sflag:$0x1] =	stream.linear.gather [hbm4b:s9+s31], $0x1400, $0x38;
	[tilespmem:$0x6480] =	vst v63  }
0x3e: {  	_ =	swait.ge [sflag:s13], $0x1400  }
0x3f: {  	[sflag:s13] =	ssyncset.done $0x0  }
0x40: {  	[sflag:s13] =	ssyncadd.s32 $0xFFFFEC00  }
0x41: {  	[tilespmem:s17], [sflag:$0x1] =	stream.linear.gather [hbm4b:s10+s31], $0x1400, $0x38;
	[tilespmem:$0x6480] =	vst v63  }
0x42: {  	_ =	swait.ge [sflag:s13], $0x1400  }
0x43: {  	[sflag:s13] =	ssyncset.done $0x0  }
0x44: {  	s20 =	simm.s32 $0x0;
	[sflag:s13] =	ssyncadd.s32 $0xFFFFEC00  }
0x45: {  	v1 =	vld [tilespmem:s20+$0x3C80]  }
0x46: {  	v3 =	vld [tilespmem:s20+$0x2880];
	_ =	sdelay $0x6  }
0x47: {  	v2 =	vld.idx.msk [tilespmem:v1+s14+$0x0], $0xffff  }
0x48: {  	v3 =	vld.idx.msk [tilespmem:v3+s4+$0x0], $0xffff  }
0x49: {  	s21 =	simm.s32 $0x10  }
0x4a: {  	s22 =	simm.s32 $0x80;
	v1 =	vld [tilespmem:s21+$0x3C80]  }
.LBB2_4:
0x4b: {  	p0 =	sne.s32 s22, $0x4FC0;
	v4 =	vld [tilespmem:s21+$0x2880];
	_ =	sdelay $0x1  }
0x4c: {  	v2 =	vadd.f32 v2, v3;
	_ =	sdelay $0x1  }
0x4d: {  	v2 =	vadd.f32 v2, v0;
	_ =	sdelay $0x1  }
0x4e: {  	[tilespmem:s20+$0x5080] =	vst v2;
	s20 =	smov.u32 s21  }
.Ltmp1:
0x4f: {  	v2 =	vld.idx.msk [tilespmem:v1+s14+$0x0], $0xffff;
	(pc) =	sbr.rel @p0 .LBB2_4-.Ltmp1, $3  }
0x50: {  	v3 =	vld.idx.msk [tilespmem:v4+s4+$0x0], $0xffff;
	_ =	sdelay $0x1  }
0x51: {  	s21 =	sshra.s32 s22, $0x2  }
0x52: {  	s22 =	sadd.s32 $0x40, s22;
	v1 =	vld [tilespmem:s21+$0x3C80]  }
0x53: {  	_ = 	snop  }
0x54: {  	v4 =	vld [tilespmem:s21+$0x2880];
	_ =	sdelay $0x1  }
0x55: {  	v2 =	vadd.f32 v2, v3;
	_ =	sdelay $0x1  }
0x56: {  	v2 =	vadd.f32 v2, v0;
	_ =	sdelay $0x1  }
0x57: {  	[tilespmem:s20+$0x5080] =	vst v2  }
0x58: {  	v1 =	vld.idx.msk [tilespmem:v1+s14+$0x0], $0xffff  }
0x59: {  	v2 =	vld.idx.msk [tilespmem:v4+s4+$0x0], $0xffff;
	_ =	sdelay $0x4  }
0x5a: {  	v1 =	vadd.f32 v1, v2;
	_ =	sdelay $0x1  }
0x5b: {  	s19 =	sadd.s32 $0x1, s19;
	v63 =	vadd.f32 v1, v0  }
0x5c: {  	p0 =	sne.s32 s19, s12  }
.Ltmp2:
0x5d: {  	[tilespmem:s21+$0x5080] =	vst v63;
	(pc) =	sbr.rel @p0 .LBB2_1-.Ltmp2, $4  }
0x5e: {  	[hbm4b:s11+s4] =	stream.linear.scatter [tilespmem:s18], [sflag:$0x1], $0x1400, $0x38;
	[tilespmem:$0x6480] =	vst v63  }
0x5f: {  	_ =	swait.ge [sflag:s13], $0x1400  }
0x60: {  	[sflag:s13] =	ssyncset.done $0x0  }
0x61: {  	[sflag:s13] =	ssyncadd.s32 $0xFFFFEC00  }
0x62: {  	_ =	sfence.sel $0x180000  }
0x63: {  	[bflag:$0x0] =	sbarrier.arrive $0xFFFF  }
0x64: {  	p0 =	sne.s32 s2, $0x0;
	_ =	strace $0x9000004D  }
0x65: {  	s0 =	sadd.s32 @!p0 $0x100000, s1;
	[bflag:$0x2] =	sbarrier.arrive $0xFFFF  }
0x66: {  	[sflag:s0] =	ssyncadd.tile.s32 @!p0 $0x1;
	_ =	shalt  }
.Lfunc_end2:
_tile_overlayer_lowered:
.L_overlay_start_2:
0x67: {  	(tag) =	ssettag $0x2  }
0x68: {  	s0 =	rddreg [dreg:$0x0];
	s2 =	stileid.u32  }
0x69: {  	s1 =	rddreg [dreg:$0x1];
	p0 =	sne.s32 s2, $0x0  }
0x6a: {  	s3 =	rddreg [dreg:$0x2];
	[bflag:$0x3] =	sbarrier.arrive $0xFFFF;
	s2 =	simm.s32 @!p0 $0x1C01  }
0x6b: {  	[timem:s3], [sflag:s2] =	dma.local @!p0 [hbm:s0], s1  }
0x6c: {  	s0 =	simm.s32 @!p0 $0x1  }
0x6d: {  	_ =	swait.ge @!p0 [sflag:s0], s1  }
0x6e: {  	s1 =	ssub.s32 @!p0 $0x0, s1;
	[sflag:s0] =	ssyncset.done @!p0 $0x0  }
0x6f: {  	[sflag:s0] =	ssyncadd.s32 @!p0 s1  }
0x70: {  	[bflag:$0x3] =	sbarrier.arrive $0xFFFF  }
0x71: {  	_ =	shalt  }

// kernel: kernel.9.cloned.1.call-start
scs
__scs_entry_jumppad:
0x0: {  	(pc) =	sbr.rel $0x88, $3  }
0x1: {  	(tag) =	ssettag $0x0;
	lr =	simm.s32 $0x1  }
0x2: {  	[smem:$0x3F91] =	sst lr;
	_ =	strace $0xD0000000  }
0x3: {  	_ = 	snop  }
0x4: {  	_ = 	snop  }
0x5: {  	_ = 	snop  }
0x6: {  	_ = 	snop  }
0x7: {  	_ = 	snop  }
__scs_overlays_trampoline_lowered:
0x8: {  	[smem:$0x3FA0] =	sst s0  }
0x9: {  	[smem:$0x3FA1] =	sst s1  }
0xa: {  	[smem:$0x3FA2] =	sst s2  }
0xb: {  	[smem:$0x3FA3] =	sst s3  }
0xc: {  	[smem:$0x3FA4] =	sst s4  }
0xd: {  	[smem:$0x3FA5] =	sst s5  }
0xe: {  	[smem:$0x3FA6] =	sst s6  }
0xf: {  	[smem:$0x3FA7] =	sst s7  }
0x10: {  	[smem:$0x3FA8] =	sst s8  }
0x11: {  	[smem:$0x3FA9] =	sst s9;
	s0 =	simm.s32 @!p0 $0x0  }
0x12: {  	s1 =	sld [smem:$0x3F8F];
	s0 =	simm.s32 @p0 $0x1  }
0x13: {  	[smem:$0x3FAA] =	sst s0;
	s0 =	simm.s32 @!p1 $0x0  }
0x14: {  	s2 =	sld [smem:$0x3F8E];
	s0 =	simm.s32 @p1 $0x1  }
0x15: {  	[smem:$0x3FAB] =	sst s0;
	s0 =	simm.s32 @!p2 $0x0  }
0x16: {  	s3 =	sld [smem:$0x3FDB];
	s0 =	simm.s32 @p2 $0x1  }
0x17: {  	s4 =	simm.s32 $0x1BF5;
	[smem:$0x3FAD] =	sst s0  }
0x18: {  	s0 =	sld [smem:$0x3F90];
	_ =	swait.ge [sflag:s4], $0x0  }
0x19: {  	s7 =	sld [smem:$0x3F91]  }
0x1a: {  	s8 =	sadd.s32 $0xFFFFE003, lr  }
0x1b: {  	s9 =	sadd.s32 $0xFFFFFEF7, lr;
	s5 =	simm.s32 $0xFFFFFFFF;
	p2 =	slt.u32 s8, $0xFFFFF086  }
0x1c: {  	p1 =	slt.u32 s9, $0xF7A;
	s5 =	simm.s32 @!p2 $0x0  }
0x1d: {  	s5 =	simm.s32 @p1 $0x1;
	p0 =	seq.s32 s7, s2  }
0x1e: {  	s7 =	smul.u32 @!p0 $0xF7A, s2;
	p2 =	seq.s32 @!p0 s5, $0x0  }
0x1f: {  	s9 =	smul.u32 $0xF7A, s1;
	s8 =	simm.s32 @!p0 $0x1BF5;
	p2 =	por !p2, p0  }
0x20: {  	[sflag:s8] =	ssyncset.s32 @!p0 $0xFFFFF086;
	s6 =	sadd.s32 @!p0 s3, s7;
	s7 =	simm.s32 @!p0 $0x108  }
0x21: {  	s3 =	sadd.s32 s3, s9;
	s6 =	sadd.s32 @!p0 $0x88, s6;
	s7 =	simm.s32 @p2 $0x1082  }
0x22: {  	[simem:s7], [sflag:s8] =	dma.local @!p0 [hbm:s6], $0xF7A  }
0x23: {  	s9 =	sor.u32 $0xD0000000, s2;
	s6 =	simm.s32 $0x108;
	_ =	swait.ge @!p0 [sflag:s8], $0x0  }
0x24: {  	s3 =	sadd.s32 $0x88, s3;
	s6 =	simm.s32 @!p1 $0x1082;
	[sflag:s4] =	ssyncset.s32 $0xFFFFF086  }
0x25: {  	[simem:s6], [sflag:s4] =	dma.local [hbm:s3], $0xF7A  }
0x26: {  	[smem:$0x3F91] =	sst s1;
	(tag) =	ssettag s2;
	_ =	strace s9  }
0x27: {  	s1 =	sld [smem:$0x3FA1]  }
0x28: {  	s2 =	sld [smem:$0x3FA2]  }
0x29: {  	s4 =	sld [smem:$0x3FA4]  }
0x2a: {  	p0 =	seq.s32 s5, $0x0;
	s5 =	sld [smem:$0x3FA5]  }
0x2b: {  	s6 =	sld [smem:$0x3FA6]  }
0x2c: {  	s7 =	sld [smem:$0x3FA7]  }
0x2d: {  	s3 =	simm.s32 $0x108;
	s8 =	sld [smem:$0x3FA8]  }
0x2e: {  	s3 =	simm.s32 @!p0 $0x1082;
	s9 =	sld [smem:$0x3FA9]  }
0x2f: {  	lr =	sadd.s32 s0, s3;
	s0 =	sld [smem:$0x3FA0]  }
0x30: {  	s3 =	sld [smem:$0x3FA3]  }
0x31: {  	[smem:$0x3FAC] =	sst s10  }
0x32: {  	s10 =	sld [smem:$0x3FAA];
	_ =	sdelay $0x3  }
0x33: {  	p0 =	seq.s32 s10, $0x1;
	s10 =	sld [smem:$0x3FAC];
	_ =	sdelay $0x3  }
0x34: {  	[smem:$0x3FAC] =	sst s10  }
0x35: {  	s10 =	sld [smem:$0x3FAB];
	_ =	sdelay $0x3  }
0x36: {  	p1 =	seq.s32 s10, $0x1;
	s10 =	sld [smem:$0x3FAC];
	_ =	sdelay $0x3  }
0x37: {  	[smem:$0x3FAC] =	sst s10  }
0x38: {  	s10 =	sld [smem:$0x3FAD]  }
0x39: {  	_ = 	snop;
	(pc) =	sbr.ind lr, $3  }
0x3a: {  	_ = 	snop  }
0x3b: {  	_ = 	snop  }
0x3c: {  	p2 =	seq.s32 s10, $0x1;
	s10 =	sld [smem:$0x3FAC]  }
0x3d: {  	_ =	shalt  }
0x3e: {  	_ =	shalt  }
0x3f: {  	_ =	shalt  }
0x40: {  	_ =	shalt  }
0x41: {  	_ =	shalt  }
0x42: {  	_ =	shalt  }
0x43: {  	_ =	shalt  }
0x44: {  	_ =	shalt  }
0x45: {  	_ =	shalt  }
0x46: {  	_ =	shalt  }
0x47: {  	_ =	shalt  }
0x48: {  	_ =	shalt  }
0x49: {  	_ =	shalt  }
0x4a: {  	_ =	shalt  }
0x4b: {  	_ =	shalt  }
0x4c: {  	_ =	shalt  }
0x4d: {  	_ =	shalt  }
0x4e: {  	_ =	shalt  }
0x4f: {  	_ =	shalt  }
0x50: {  	_ =	shalt  }
0x51: {  	_ =	shalt  }
0x52: {  	_ =	shalt  }
0x53: {  	_ =	shalt  }
0x54: {  	_ =	shalt  }
0x55: {  	_ =	shalt  }
0x56: {  	_ =	shalt  }
0x57: {  	_ =	shalt  }
0x58: {  	_ =	shalt  }
0x59: {  	_ =	shalt  }
0x5a: {  	_ =	shalt  }
0x5b: {  	_ =	shalt  }
0x5c: {  	_ =	shalt  }
0x5d: {  	_ =	shalt  }
0x5e: {  	_ =	shalt  }
0x5f: {  	_ =	shalt  }
0x60: {  	_ =	shalt  }
0x61: {  	_ =	shalt  }
0x62: {  	_ =	shalt  }
0x63: {  	_ =	shalt  }
0x64: {  	_ =	shalt  }
0x65: {  	_ =	shalt  }
0x66: {  	_ =	shalt  }
0x67: {  	_ =	shalt  }
0x68: {  	_ =	shalt  }
0x69: {  	_ =	shalt  }
0x6a: {  	_ =	shalt  }
0x6b: {  	_ =	shalt  }
0x6c: {  	_ =	shalt  }
0x6d: {  	_ =	shalt  }
0x6e: {  	_ =	shalt  }
0x6f: {  	_ =	shalt  }
0x70: {  	_ =	shalt  }
0x71: {  	_ =	shalt  }
0x72: {  	_ =	shalt  }
0x73: {  	_ =	shalt  }
0x74: {  	_ =	shalt  }
0x75: {  	_ =	shalt  }
0x76: {  	_ =	shalt  }
0x77: {  	_ =	shalt  }
0x78: {  	_ =	shalt  }
0x79: {  	_ =	shalt  }
0x7a: {  	_ =	shalt  }
0x7b: {  	_ =	shalt  }
0x7c: {  	_ =	shalt  }
0x7d: {  	_ =	shalt  }
0x7e: {  	_ =	shalt  }
0x7f: {  	_ =	shalt  }
0x80: {  	_ =	shalt  }
0x81: {  	_ =	shalt  }
0x82: {  	_ =	shalt  }
0x83: {  	_ =	shalt  }
0x84: {  	_ =	shalt  }
0x85: {  	_ =	shalt  }
0x86: {  	_ =	shalt  }
0x87: {  	_ =	shalt  }
.Lfunc_end0:
.L_simem_size_0:
called_computation_lowered:
.L_overlay_start_0:
0x88: {  	s2 =	sld [smem:$0x3FD9]  }
0x89: {  	s3 =	sld [smem:$0x3FFE];
	_ =	sdelay $0x1  }
0x8a: {  	s1 =	srdreg.scid  }
0x8b: {  	s0 =	sand.u32 $0x1, s1  }
0x8c: {  	s14 =	sshll.u32 s0, $0xA;
	s2 =	sadd.s32 s3, s2  }
0x8d: {  	s2 =	sadd.s32 s2, s14  }
0x8e: {  	[smem:$0x3FB8] =	sst s2  }
0x8f: {  	_ = 	snop  }
0x90: {  	s2 =	sld [smem:$0x3FD0];
	_ =	sdelay $0x2  }
0x91: {  	s15 =	simm.s32 $0xA;
	s4 =	simm.s32 $0x10  }
0x92: {  	[smem:s4], [sflag:s15] =	dma.local [hbm:s2], $0x1  }
0x93: {  	_ =	swait.eq [sflag:s15], $0x1  }
0x94: {  	s16 =	sld [smem:$0x10]  }
0x95: {  	s17 =	sld [smem:$0x11];
	[sflag:s15] =	ssyncset.done $0x0  }
0x96: {  	s5 =	sld [smem:$0x12];
	[sflag:s15] =	ssyncadd.s32 $0xFFFFFFFF  }
0x97: {  	s18 =	sld [smem:$0x13];
	(tm) =	ssettm $0x1  }
0x98: {  	s6 =	sld [smem:$0x3FFB];
	_ =	sdelay $0x3  }
0x99: {  	_ =	strace s6  }
0x9a: {  	s6 =	sld [smem:$0x3FFC];
	_ =	sdelay $0x3  }
0x9b: {  	_ =	strace s6  }
0x9c: {  	s6 =	sld [smem:$0x3FFD];
	_ =	sdelay $0x3  }
0x9d: {  	_ =	strace s6  }
0x9e: {  	_ =	strace $0x8FFFFFFF  }
0x9f: {  	s19 =	sld [smem:$0x3FDB];
	_ =	sdelay $0x1  }
0xa0: {  	s7 =	simm.s32 $_scs_section_size  }
0xa1: {  	s8 =	simm.s32 $_size__tile_overlayer_lowered;
	s9 =	simm.s32 $_tile_overlayer_lowered  }
0xa2: {  	s22 =	simm.s32 $0x1BFF;
	s21 =	sshll.u32 s9, $0x1;
	s6 =	sadd.s32 s7, s19  }
0xa3: {  	s10 =	simm.s32 $0x0;
	s20 =	sshll.u32 s8, $0x1;
	s8 =	sadd.s32 s21, s6  }
0xa4: {  	[timem:s10], [sflag:s22] =	dma.local [hbm:s8], s20  }
0xa5: {  	_ =	swait.ge [sflag:s22], s20  }
0xa6: {  	s7 =	ssub.s32 $0x0, s20;
	[sflag:s22] =	ssyncset.done $0x0  }
0xa7: {  	[sflag:s22] =	ssyncadd.s32 s7;
	_ =	sdelay $0x1  }
0xa8: {  	s23 =	simm.s32 $0x1B8B  }
0xa9: {  	_ =	swait.ge [sflag:s23], $0x1  }
0xaa: {  	[sflag:s23] =	ssyncset.done $0x0  }
0xab: {  	s25 =	simm.s32 $0x1B8E;
	s24 =	sld [smem:$0x3FFE];
	[sflag:s23] =	ssyncadd.s32 $0xFFFFFFFF  }
0xac: {  	s26 =	simm.s32 $execute0_lowered;
	[smem:$0x3FD2] =	sst s25  }
0xad: {  	s8 =	sshll.u32 s26, $0x1;
	_ =	strace $0x80000046;
	[dreg:$0x1] =	wrdreg $0xFFFFFFFF  }
0xae: {  	s28 =	simm.s32 $_size_execute0_lowered;
	s6 =	sadd.s32 s6, s8;
	[dreg:$0x0] =	wrdreg $0x0  }
0xaf: {  	s8 =	sshll.u32 s28, $0x1;
	[dreg:$0x2] =	wrdreg s6  }
0xb0: {  	[dreg:$0x3] =	wrdreg s8  }
0xb1: {  	[dreg:$0x4] =	wrdreg $0xC0  }
0xb2: {  	_ =	task [dreg:s10], $0x5FFFF  }
0xb3: {  	[dreg:$0x1] =	wrdreg $0xFFFFFFFF  }
0xb4: {  	[dreg:$0x0] =	wrdreg $0x60  }
0xb5: {  	[dreg:$0x2] =	wrdreg s24  }
0xb6: {  	[dreg:$0x3] =	wrdreg s18  }
0xb7: {  	[dreg:$0x4] =	wrdreg s5  }
0xb8: {  	[dreg:$0x5] =	wrdreg s17  }
0xb9: {  	[dreg:$0x6] =	wrdreg s16  }
0xba: {  	[dreg:$0x7] =	wrdreg $0x0  }
0xbb: {  	[dreg:$0x8] =	wrdreg $0xA0000  }
0xbc: {  	[dreg:$0x9] =	wrdreg $0x140000  }
0xbd: {  	[dreg:$0xa] =	wrdreg $0x9  }
0xbe: {  	_ =	task.clear_ibuf [dreg:s10], $0xBFFFF;
	_ =	strace $0x90000046  }
0xbf: {  	s29 =	simm.s32 $0x9;
	_ =	strace $0x80000048  }
0xc0: {  	_ =	swait.ge [sflag:s29], $0x1  }
0xc1: {  	[sflag:s29] =	ssyncadd.s32 $0xFFFFFFFF  }
0xc2: {  	_ =	strace $0x90000048  }
0xc3: {  	_ =	sfence  }
0xc4: {  	s30 =	sld [smem:$0x0];
	_ =	sdelay $0x2  }
0xc5: {  	s31 =	sshll.u32 s1, $0xD;
	s1 =	sshrl.u32 s1, $0x2  }
0xc6: {  	s3 =	sand.u32 $0x4000, s31;
	s1 =	sadd.s32 s1, s30  }
0xc7: {  	s0 =	sor.u32 s3, s0;
	s1 =	sshll.u32 s1, $0x11  }
0xc8: {  	s0 =	sor.u32 s1, s0  }
0xc9: {  	s0 =	sadd.s32 $0x8F2B, s0  }
0xca: {  	[sflag:s0] =	ssyncadd.remote.s32 $0x1  }
0xcb: {  	_ =	sfence.sel $0xFFFF  }
0xcc: {  	[dreg:$0x0] =	wrdreg $0xFFFFFFFF;
	(pc) =	sbr.abs _section_cstart, $3  }
0xcd: {  	[dreg:$0x1] =	wrdreg $0xFFFFFFFF  }
0xce: {  	_ =	task.clear_ibuf [dreg:s10], $0x2FFFF;
	_ =	strace $0x9FFFFFFF  }
0xcf: {  	(tm) =	ssettm $0x7FFFFFFF  }
tec
execute0_lowered:
.L_overlay_start_1:
0x0: {  	(tag) =	ssettag $0x1  }
0x1: {  	s2 =	rddreg [dreg:$0x0]  }
0x2: {  	s0 =	rddreg [dreg:$0x1]  }
0x3: {  	s1 =	rddreg [dreg:$0x2]  }
0x4: {  	s5 =	rddreg [dreg:$0x5]  }
0x5: {  	s6 =	rddreg [dreg:$0x6]  }
0x6: {  	s7 =	rddreg [dreg:$0x7];
	s3 =	simm.s32 $0x0;
	s18 =	stileid.u32  }
0x7: {  	s4 =	srdreg.scid;
	s21 =	simm.s32 $0x5;
	s28 =	simm.s32 $0x175C0  }
0x8: {  	s29 =	simm.s32 $0x141C0;
	s30 =	simm.s32 $0x195C0;
	s31 =	simm.s32 $0x1  }
0x9: {  	s16 =	simm.s32 $0x160C0;
	[smem:$0x7FF] =	sst s3;
	s8 =	smul.u32 $0x1400, s18  }
0xa: {  	s4 =	sand.u32 $0x1, s4;
	s9 =	sadd.s32 $0x37200, s2;
	s13 =	smul.u32 $0xA000, s18  }
0xb: {  	s11 =	sadd.s32 $0x37000, s2;
	s12 =	sshll.u32 s18, $0x6;
	s15 =	smul.u32 $0x5000, s18  }
0xc: {  	p1 =	sne.s32 s18, $0x0;
	p2 =	seq.s32 s18, $0x0;
	s3 =	simm.s32 $0x3  }
0xd: {  	s18 =	simm.s32 $0x0;
	_ =	strace $0x80000047;
	s10 =	ssub.s32 $0x2, s4  }
0xe: {  	[dreg:$0x9] =	wrdreg s11;
	s12 =	sor.u32 $0x1C05, s12;
	p0 =	seq.s32 s4, $0x1  }
0xf: {  	s4 =	simm.s32 $0x4;
	s2 =	sadd.s32 s8, s2;
	s8 =	sadd.s32 s9, s8  }
0x10: {  	s22 =	sshrl.u32 s10, $0x1;
	s23 =	sadd.s32 s13, s6;
	[dreg:$0xa] =	wrdreg s8  }
0x11: {  	s14 =	sadd.s32 s13, s5;
	s10 =	ssub.s32 s10, s22;
	[dreg:$0xb] =	wrdreg s23  }
0x12: {  	s24 =	sadd.s32 $0xF000, s2;
	s25 =	sadd.s32 $0x4B200, s2;
	s26 =	sadd.s32 $0x23000, s2  }
.Ltmp0:
0x13: {  	s2 =	sadd.s32 $0x5F200, s2;
	[dreg:$0xc] =	wrdreg s24;
	(pc) =	sbr.rel .LBB2_1-.Ltmp0, $4  }
0x14: {  	s20 =	sshrl.u32 s14, $0x3;
	s22 =	simm.s32 $0x16140;
	[dreg:$0xd] =	wrdreg s25  }
0x15: {  	s23 =	simm.s32 $0x17540;
	s14 =	simm.s32 $0x16040;
	[dreg:$0xe] =	wrdreg s26  }
0x16: {  	[dreg:$0xf] =	wrdreg s2;
	s19 =	smax.u32 s10, $0x1;
	s24 =	simm.s32 $0x14140  }
0x17: {  	v0 =	vimm.f32 $1.000000000e+00;
	s25 =	simm.s32 $0x15140;
	s26 =	simm.s32 $0x40;
	s2 =	simm.s32 $0x2  }
.LBB2_12:
0x18: {  	s10 =	sshrl.u32 s7, $0x3  }
0x19: {  	[hbm:s8], [sflag:s12] =	dma.local [spmem:s10], $0x280  }
0x1a: {  	_ =	swait.ge [sflag:s21], $0x280  }
0x1b: {  	[sflag:s21] =	ssyncset.done $0x0  }
0x1c: {  	[sflag:s21] =	ssyncadd.s32 $0xFFFFFD80  }
.LBB2_13:
0x1d: {  	s18 =	sadd.s32 $0x1, s18  }
0x1e: {  	p3 =	sne.s32 s18, s19  }
.Ltmp1:
0x1f: {  	_ = 	snop;
	(pc) =	sbr.rel @!p3 .LBB2_14-.Ltmp1, $1  }
0x20: {  	_ =	sdelay $0x3  }
.LBB2_1:
0x21: {  	s8 =	rddreg [dreg:$0xa]  }
0x22: {  	[spmem:s20], [sflag:s12] =	dma.local [hbm:s8], $0x1400  }
0x23: {  	_ =	swait.ge [sflag:s21], $0x1400  }
0x24: {  	[sflag:s21] =	ssyncset.done $0x0  }
0x25: {  	s13 =	simm.s32 $0x0;
	[sflag:s21] =	ssyncadd.s32 $0xFFFFEC00  }
0x26: {  	[tilespmem:s22], [sflag:$0x5] =	stream.linear.gather [hbm4b:s9+s13], $0x1400, $0x38;
	[tilespmem:$0x1B5C0] =	vst v63  }
0x27: {  	_ =	swait.ge [sflag:s21], $0x1400  }
0x28: {  	[sflag:s21] =	ssyncset.done $0x0  }
0x29: {  	s10 =	rddreg [dreg:$0x9];
	[sflag:s21] =	ssyncadd.s32 $0xFFFFEC00  }
0x2a: {  	[tilespmem:s23], [sflag:$0x5] =	stream.linear.gather [hbm4b:s10+s13], $0x80, $0x38;
	[tilespmem:$0x1B5C0] =	vst v63  }
0x2b: {  	_ =	swait.ge [sflag:s21], $0x80  }
0x2c: {  	[sflag:s21] =	ssyncset.done $0x0  }
0x2d: {  	s8 =	sshrl.u32 @!p1 s7, $0x3;
	[sflag:s21] =	ssyncadd.s32 $0xFFFFFF80  }
0x2e: {  	[spmem:s8], [sflag:s12] =	dma.local @!p1 [hbm:s9], $0x280  }
.Ltmp2:
0x2f: {  	_ = 	snop;
	(pc) =	sbr.rel @!p0 .LBB2_2-.Ltmp2, $4  }
0x30: {  	s8 =	simm.s32 @!p1 $0x5  }
0x31: {  	_ =	swait.ge @!p1 [sflag:s8], $0x280  }
0x32: {  	[sflag:s8] =	ssyncset.done @!p1 $0x0;
	s17 =	rddreg [dreg:$0xb]  }
0x33: {  	[sflag:s8] =	ssyncadd.s32 @!p1 $0xFFFFFD80;
	s8 =	sshrl.u32 s17, $0x3  }
0x34: {  	s10 =	rddreg [dreg:$0xe]  }
0x35: {  	[spmem:s8], [sflag:s12] =	dma.local [hbm:s10], $0x1400  }
0x36: {  	_ =	swait.ge [sflag:s21], $0x1400  }
0x37: {  	[sflag:s21] =	ssyncset.done $0x0  }
0x38: {  	[sflag:s21] =	ssyncadd.s32 $0xFFFFEC00  }
0x39: {  	s17 =	simm.s32 $0x0;
	s8 =	simm.s32 $0x0;
	[bflag:$0x0] =	sbarrier.arrive $0xFFFF  }
.LBB2_8:
0x3a: {  	s10 =	sshll.u32 s8, $0xC  }
0x3b: {  	s10 =	sadd.s32 s15, s10  }
0x3c: {  	s10 =	sshrl.u32 s10, $0x3  }
0x3d: {  	s11 =	sadd.s32 s1, s10  }
0x3e: {  	[tilespmem:s24], [sflag:$0x5] =	stream.linear.gather [hbm4b:s11+s17], $0x1000, $0x38;
	[tilespmem:$0x1B5C0] =	vst v63  }
0x3f: {  	_ =	swait.ge [sflag:s21], $0x1000  }
0x40: {  	[sflag:s21] =	ssyncset.done $0x0  }
0x41: {  	s10 =	sadd.s32 s0, s10;
	[sflag:s21] =	ssyncadd.s32 $0xFFFFF000  }
0x42: {  	[tilespmem:s25], [sflag:$0x5] =	stream.linear.gather [hbm4b:s10+s17], $0x1000, $0x38;
	[tilespmem:$0x1B5C0] =	vst v63  }
0x43: {  	_ =	swait.ge [sflag:s21], $0x1000  }
0x44: {  	[sflag:s21] =	ssyncset.done $0x0  }
0x45: {  	[sflag:s21] =	ssyncadd.s32 $0xFFFFF000  }
0x46: {  	[tilespmem:s28], [sflag:$0x1] =	stream.indirect.gather [spmem:s6], $0x80, s24, s26, $0xb8;
	[tilespmem:$0x1B5C0] =	vst v63  }
0x47: {  	s10 =	simm.s32 $0x0  }
0x48: {  	[tilespmem:s30], [sflag:$0x2] =	stream.indirect.gather [spmem:s6], $0x80, s29, s26, $0xb8;
	[tilespmem:$0x1B5C0] =	vst v63  }
.LBB2_9:
0x49: {  	_ =	swait.ge [sflag:s31], $0x2000  }
0x4a: {  	s11 =	sshra.s32 s10, $0x2;
	[sflag:s31] =	ssyncset.done $0x0  }
0x4b: {  	s13 =	sadd.s32 $0x15140, s11;
	[sflag:s31] =	ssyncadd.s32 $0xFFFFE000  }
0x4c: {  	[spmem:s5] =	stream.indirect.scatter.add.f32 [tilespmem:s28], [sflag:$0x3], $0x80, s13, s26, $0xb8;
	[tilespmem:$0x1B5C0] =	vst v63  }
0x4d: {  	v1 =	vld [tilespmem:s11+$0x15140];
	_ =	sdelay $0x7  }
0x4e: {  	[tilespmem:v1+s22+$0x0] =	vst.idx.add.f32.msk $0xffff, v0  }
0x4f: {  	v1 =	vld [tilespmem:s11+$0x15150];
	_ =	sdelay $0x7  }
0x50: {  	[tilespmem:v1+s22+$0x0] =	vst.idx.add.f32.msk $0xffff, v0  }
0x51: {  	v1 =	vld [tilespmem:s11+$0x15160];
	_ =	sdelay $0x7  }
0x52: {  	[tilespmem:v1+s22+$0x0] =	vst.idx.add.f32.msk $0xffff, v0  }
0x53: {  	v1 =	vld [tilespmem:s11+$0x15170];
	_ =	sdelay $0x7  }
0x54: {  	[tilespmem:v1+s22+$0x0] =	vst.idx.add.f32.msk $0xffff, v0  }
0x55: {  	_ =	swait.ge [sflag:s2], $0x2000  }
0x56: {  	[sflag:s2] =	ssyncset.done $0x0  }
0x57: {  	s13 =	sadd.s32 $0x151C0, s11;
	[sflag:s2] =	ssyncadd.s32 $0xFFFFE000  }
0x58: {  	[spmem:s5] =	stream.indirect.scatter.add.f32 [tilespmem:s30], [sflag:$0x4], $0x80, s13, s26, $0xb8;
	[tilespmem:$0x1B5C0] =	vst v63  }
0x59: {  	v1 =	vld [tilespmem:s11+$0x151C0];
	_ =	sdelay $0x7  }
0x5a: {  	[tilespmem:v1+s22+$0x0] =	vst.idx.add.f32.msk $0xffff, v0  }
0x5b: {  	v1 =	vld [tilespmem:s11+$0x151D0];
	_ =	sdelay $0x7  }
0x5c: {  	[tilespmem:v1+s22+$0x0] =	vst.idx.add.f32.msk $0xffff, v0  }
0x5d: {  	v1 =	vld [tilespmem:s11+$0x151E0];
	_ =	sdelay $0x7  }
0x5e: {  	[tilespmem:v1+s22+$0x0] =	vst.idx.add.f32.msk $0xffff, v0  }
0x5f: {  	v1 =	vld [tilespmem:s11+$0x151F0];
	_ =	sdelay $0x7  }
0x60: {  	[tilespmem:v1+s22+$0x0] =	vst.idx.add.f32.msk $0xffff, v0  }
0x61: {  	_ =	swait.ge [sflag:s3], $0x2000  }
0x62: {  	[sflag:s3] =	ssyncset.done $0x0  }
0x63: {  	p3 =	sne.s32 s10, $0x3800;
	s13 =	sadd.s32 $0x14240, s11;
	[sflag:s3] =	ssyncadd.s32 $0xFFFFE000  }
0x64: {  	[tilespmem:s28], [sflag:$0x1] =	stream.indirect.gather [spmem:s6], $0x80, s13, s26, $0xb8;
	[tilespmem:$0x1B5C0] =	vst v63  }
.Ltmp3:
0x65: {  	_ = 	snop;
	(pc) =	sbr.rel @p3 .LBB2_9-.Ltmp3, $4  }
0x66: {  	_ =	swait.ge [sflag:s4], $0x2000  }
0x67: {  	[sflag:s4] =	ssyncset.done $0x0  }
0x68: {  	s10 =	sadd.s32 $0x400, s10;
	s11 =	sadd.s32 $0x142C0, s11;
	[sflag:s4] =	ssyncadd.s32 $0xFFFFE000  }
0x69: {  	[tilespmem:s30], [sflag:$0x2] =	stream.indirect.gather [spmem:s6], $0x80, s11, s26, $0xb8;
	[tilespmem:$0x1B5C0] =	vst v63  }
0x6a: {  	_ =	swait.ge [sflag:s31], $0x2000  }
0x6b: {  	[sflag:s31] =	ssyncset.done $0x0  }
0x6c: {  	[sflag:s31] =	ssyncadd.s32 $0xFFFFE000  }
0x6d: {  	[spmem:s5] =	stream.indirect.scatter.add.f32 [tilespmem:s28], [sflag:$0x3], $0x80, s14, s26, $0xb8;
	[tilespmem:$0x1B5C0] =	vst v63  }
0x6e: {  	v1 =	vld [tilespmem:$0x16040];
	_ =	sdelay $0x7  }
0x6f: {  	[tilespmem:v1+s22+$0x0] =	vst.idx.add.f32.msk $0xffff, v0  }
0x70: {  	v1 =	vld [tilespmem:$0x16050];
	_ =	sdelay $0x7  }
0x71: {  	[tilespmem:v1+s22+$0x0] =	vst.idx.add.f32.msk $0xffff, v0  }
0x72: {  	v1 =	vld [tilespmem:$0x16060];
	_ =	sdelay $0x7  }
0x73: {  	[tilespmem:v1+s22+$0x0] =	vst.idx.add.f32.msk $0xffff, v0  }
0x74: {  	v1 =	vld [tilespmem:$0x16070];
	_ =	sdelay $0x7  }
0x75: {  	[tilespmem:v1+s22+$0x0] =	vst.idx.add.f32.msk $0xffff, v0  }
0x76: {  	_ =	swait.ge [sflag:s2], $0x2000  }
0x77: {  	[sflag:s2] =	ssyncset.done $0x0  }
0x78: {  	[sflag:s2] =	ssyncadd.s32 $0xFFFFE000  }
0x79: {  	[spmem:s5] =	stream.indirect.scatter.add.f32 [tilespmem:s30], [sflag:$0x4], $0x80, s16, s26, $0xb8;
	[tilespmem:$0x1B5C0] =	vst v63  }
0x7a: {  	v1 =	vld [tilespmem:$0x160C0];
	_ =	sdelay $0x7  }
0x7b: {  	[tilespmem:v1+s22+$0x0] =	vst.idx.add.f32.msk $0xffff, v0  }
0x7c: {  	v1 =	vld [tilespmem:$0x160D0];
	_ =	sdelay $0x7  }
0x7d: {  	[tilespmem:v1+s22+$0x0] =	vst.idx.add.f32.msk $0xffff, v0  }
0x7e: {  	v1 =	vld [tilespmem:$0x160E0];
	_ =	sdelay $0x7  }
0x7f: {  	[tilespmem:v1+s22+$0x0] =	vst.idx.add.f32.msk $0xffff, v0  }
0x80: {  	v1 =	vld [tilespmem:$0x160F0];
	_ =	sdelay $0x7  }
0x81: {  	s8 =	sadd.s32 $0x1, s8;
	[tilespmem:v1+s22+$0x0] =	vst.idx.add.f32.msk $0xffff, v0  }
0x82: {  	p3 =	sne.s32 s8, $0x5;
	_ =	swait.ge [sflag:s3], $0x2000  }
.Ltmp4:
0x83: {  	[sflag:s3] =	ssyncset.done $0x0;
	(pc) =	sbr.rel @p3 .LBB2_8-.Ltmp4, $4  }
0x84: {  	[sflag:s3] =	ssyncadd.s32 $0xFFFFE000  }
0x85: {  	_ =	swait.ge [sflag:s4], $0x2000  }
0x86: {  	[sflag:s4] =	ssyncset.done $0x0  }
0x87: {  	[sflag:s4] =	ssyncadd.s32 $0xFFFFE000  }
0x88: {  	s8 =	simm.s32 $0x28  }
0x89: {  	[spmem:s7] =	stream.indirect.scatter.add.f32 [tilespmem:s22], [sflag:$0x5], $0x80, s23, s8, $0xb8;
	[tilespmem:$0x1B5C0] =	vst v63  }
0x8a: {  	_ =	swait.ge [sflag:s21], $0x1400  }
0x8b: {  	[sflag:s21] =	ssyncset.done $0x0  }
0x8c: {  	[sflag:s21] =	ssyncadd.s32 $0xFFFFEC00  }
0x8d: {  	[bflag:$0x0] =	sbarrier.arrive $0xFFFF  }
0x8e: {  	s17 =	rddreg [dreg:$0xf]  }
0x8f: {  	[hbm:s17], [sflag:s12] =	dma.local [spmem:s20], $0x1400  }
.Ltmp5:
0x90: {  	_ = 	snop;
	(pc) =	sbr.rel @p1 .LBB2_13-.Ltmp5, $4  }
.Ltmp6:
0x91: {  	_ =	swait.ge [sflag:s21], $0x1400;
	(pc) =	sbr.rel @!p1 .LBB2_12-.Ltmp6, $4  }
0x92: {  	[sflag:s21] =	ssyncset.done $0x0  }
0x93: {  	[sflag:s21] =	ssyncadd.s32 $0xFFFFEC00  }
0x94: {  	s8 =	rddreg [dreg:$0x4]  }
0x95: {  	_ = 	snop  }
.LBB2_2:
0x96: {  	s10 =	rddreg [dreg:$0xc]  }
0x97: {  	[spmem:s8], [sflag:s12] =	dma.local [hbm:s10], $0x1400  }
0x98: {  	_ =	swait.ge [sflag:s21], $0x1400  }
0x99: {  	[sflag:s21] =	ssyncset.done $0x0  }
0x9a: {  	[sflag:s21] =	ssyncadd.s32 $0xFFFFEC00  }
0x9b: {  	s17 =	simm.s32 $0x0;
	s8 =	simm.s32 $0x0;
	[bflag:$0x0] =	sbarrier.arrive $0xFFFF  }
.LBB2_3:
0x9c: {  	s10 =	sshll.u32 s8, $0xC  }
0x9d: {  	s10 =	sadd.s32 s15, s10  }
0x9e: {  	s10 =	sshrl.u32 s10, $0x3  }
0x9f: {  	s11 =	sadd.s32 s0, s10  }
0xa0: {  	[tilespmem:s24], [sflag:$0x5] =	stream.linear.gather [hbm4b:s11+s17], $0x1000, $0x38;
	[tilespmem:$0x1B5C0] =	vst v63  }
0xa1: {  	_ =	swait.ge [sflag:s21], $0x1000  }
0xa2: {  	[sflag:s21] =	ssyncset.done $0x0  }
0xa3: {  	s10 =	sadd.s32 s1, s10;
	[sflag:s21] =	ssyncadd.s32 $0xFFFFF000  }
0xa4: {  	[tilespmem:s25], [sflag:$0x5] =	stream.linear.gather [hbm4b:s10+s17], $0x1000, $0x38;
	[tilespmem:$0x1B5C0] =	vst v63  }
0xa5: {  	_ =	swait.ge [sflag:s21], $0x1000  }
0xa6: {  	[sflag:s21] =	ssyncset.done $0x0  }
0xa7: {  	[sflag:s21] =	ssyncadd.s32 $0xFFFFF000  }
0xa8: {  	[tilespmem:s28], [sflag:$0x1] =	stream.indirect.gather [spmem:s6], $0x80, s24, s26, $0xb8;
	[tilespmem:$0x1B5C0] =	vst v63  }
0xa9: {  	s10 =	simm.s32 $0x0  }
0xaa: {  	[tilespmem:s30], [sflag:$0x2] =	stream.indirect.gather [spmem:s6], $0x80, s29, s26, $0xb8;
	[tilespmem:$0x1B5C0] =	vst v63  }
.LBB2_4:
0xab: {  	_ =	swait.ge [sflag:s31], $0x2000  }
0xac: {  	s11 =	sshra.s32 s10, $0x2;
	[sflag:s31] =	ssyncset.done $0x0  }
0xad: {  	s13 =	sadd.s32 $0x15140, s11;
	[sflag:s31] =	ssyncadd.s32 $0xFFFFE000  }
0xae: {  	[spmem:s5] =	stream.indirect.scatter.add.f32 [tilespmem:s28], [sflag:$0x3], $0x80, s13, s26, $0xb8;
	[tilespmem:$0x1B5C0] =	vst v63  }
0xaf: {  	v1 =	vld [tilespmem:s11+$0x15140];
	_ =	sdelay $0x7  }
0xb0: {  	[tilespmem:v1+s22+$0x0] =	vst.idx.add.f32.msk $0xffff, v0  }
0xb1: {  	v1 =	vld [tilespmem:s11+$0x15150];
	_ =	sdelay $0x7  }
0xb2: {  	[tilespmem:v1+s22+$0x0] =	vst.idx.add.f32.msk $0xffff, v0  }
0xb3: {  	v1 =	vld [tilespmem:s11+$0x15160];
	_ =	sdelay $0x7  }
0xb4: {  	[tilespmem:v1+s22+$0x0] =	vst.idx.add.f32.msk $0xffff, v0  }
0xb5: {  	v1 =	vld [tilespmem:s11+$0x15170];
	_ =	sdelay $0x7  }
0xb6: {  	[tilespmem:v1+s22+$0x0] =	vst.idx.add.f32.msk $0xffff, v0  }
0xb7: {  	_ =	swait.ge [sflag:s2], $0x2000  }
0xb8: {  	[sflag:s2] =	ssyncset.done $0x0  }
0xb9: {  	s13 =	sadd.s32 $0x151C0, s11;
	[sflag:s2] =	ssyncadd.s32 $0xFFFFE000  }
0xba: {  	[spmem:s5] =	stream.indirect.scatter.add.f32 [tilespmem:s30], [sflag:$0x4], $0x80, s13, s26, $0xb8;
	[tilespmem:$0x1B5C0] =	vst v63  }
0xbb: {  	v1 =	vld [tilespmem:s11+$0x151C0];
	_ =	sdelay $0x7  }
0xbc: {  	[tilespmem:v1+s22+$0x0] =	vst.idx.add.f32.msk $0xffff, v0  }
0xbd: {  	v1 =	vld [tilespmem:s11+$0x151D0];
	_ =	sdelay $0x7  }
0xbe: {  	[tilespmem:v1+s22+$0x0] =	vst.idx.add.f32.msk $0xffff, v0  }
0xbf: {  	v1 =	vld [tilespmem:s11+$0x151E0];
	_ =	sdelay $0x7  }
0xc0: {  	[tilespmem:v1+s22+$0x0] =	vst.idx.add.f32.msk $0xffff, v0  }
0xc1: {  	v1 =	vld [tilespmem:s11+$0x151F0];
	_ =	sdelay $0x7  }
0xc2: {  	[tilespmem:v1+s22+$0x0] =	vst.idx.add.f32.msk $0xffff, v0  }
0xc3: {  	_ =	swait.ge [sflag:s3], $0x2000  }
0xc4: {  	[sflag:s3] =	ssyncset.done $0x0  }
0xc5: {  	p3 =	sne.s32 s10, $0x3800;
	s13 =	sadd.s32 $0x14240, s11;
	[sflag:s3] =	ssyncadd.s32 $0xFFFFE000  }
0xc6: {  	[tilespmem:s28], [sflag:$0x1] =	stream.indirect.gather [spmem:s6], $0x80, s13, s26, $0xb8;
	[tilespmem:$0x1B5C0] =	vst v63  }
.Ltmp7:
0xc7: {  	_ = 	snop;
	(pc) =	sbr.rel @p3 .LBB2_4-.Ltmp7, $4  }
0xc8: {  	_ =	swait.ge [sflag:s4], $0x2000  }
0xc9: {  	[sflag:s4] =	ssyncset.done $0x0  }
0xca: {  	s10 =	sadd.s32 $0x400, s10;
	s11 =	sadd.s32 $0x142C0, s11;
	[sflag:s4] =	ssyncadd.s32 $0xFFFFE000  }
0xcb: {  	[tilespmem:s30], [sflag:$0x2] =	stream.indirect.gather [spmem:s6], $0x80, s11, s26, $0xb8;
	[tilespmem:$0x1B5C0] =	vst v63  }
0xcc: {  	_ =	swait.ge [sflag:s31], $0x2000  }
0xcd: {  	[sflag:s31] =	ssyncset.done $0x0  }
0xce: {  	[sflag:s31] =	ssyncadd.s32 $0xFFFFE000  }
0xcf: {  	[spmem:s5] =	stream.indirect.scatter.add.f32 [tilespmem:s28], [sflag:$0x3], $0x80, s14, s26, $0xb8;
	[tilespmem:$0x1B5C0] =	vst v63  }
0xd0: {  	v1 =	vld [tilespmem:$0x16040];
	_ =	sdelay $0x7  }
0xd1: {  	[tilespmem:v1+s22+$0x0] =	vst.idx.add.f32.msk $0xffff, v0  }
0xd2: {  	v1 =	vld [tilespmem:$0x16050];
	_ =	sdelay $0x7  }
0xd3: {  	[tilespmem:v1+s22+$0x0] =	vst.idx.add.f32.msk $0xffff, v0  }
0xd4: {  	v1 =	vld [tilespmem:$0x16060];
	_ =	sdelay $0x7  }
0xd5: {  	[tilespmem:v1+s22+$0x0] =	vst.idx.add.f32.msk $0xffff, v0  }
0xd6: {  	v1 =	vld [tilespmem:$0x16070];
	_ =	sdelay $0x7  }
0xd7: {  	[tilespmem:v1+s22+$0x0] =	vst.idx.add.f32.msk $0xffff, v0  }
0xd8: {  	_ =	swait.ge [sflag:s2], $0x2000  }
0xd9: {  	[sflag:s2] =	ssyncset.done $0x0  }
0xda: {  	[sflag:s2] =	ssyncadd.s32 $0xFFFFE000  }
0xdb: {  	[spmem:s5] =	stream.indirect.scatter.add.f32 [tilespmem:s30], [sflag:$0x4], $0x80, s16, s26, $0xb8;
	[tilespmem:$0x1B5C0] =	vst v63  }
0xdc: {  	v1 =	vld [tilespmem:$0x160C0];
	_ =	sdelay $0x7  }
0xdd: {  	[tilespmem:v1+s22+$0x0] =	vst.idx.add.f32.msk $0xffff, v0  }
0xde: {  	v1 =	vld [tilespmem:$0x160D0];
	_ =	sdelay $0x7  }
0xdf: {  	[tilespmem:v1+s22+$0x0] =	vst.idx.add.f32.msk $0xffff, v0  }
0xe0: {  	v1 =	vld [tilespmem:$0x160E0];
	_ =	sdelay $0x7  }
0xe1: {  	[tilespmem:v1+s22+$0x0] =	vst.idx.add.f32.msk $0xffff, v0  }
0xe2: {  	v1 =	vld [tilespmem:$0x160F0];
	_ =	sdelay $0x7  }
0xe3: {  	s8 =	sadd.s32 $0x1, s8;
	[tilespmem:v1+s22+$0x0] =	vst.idx.add.f32.msk $0xffff, v0  }
0xe4: {  	p3 =	sne.s32 s8, $0x5;
	_ =	swait.ge [sflag:s3], $0x2000  }
.Ltmp8:
0xe5: {  	[sflag:s3] =	ssyncset.done $0x0;
	(pc) =	sbr.rel @p3 .LBB2_3-.Ltmp8, $4  }
0xe6: {  	[sflag:s3] =	ssyncadd.s32 $0xFFFFE000  }
0xe7: {  	_ =	swait.ge [sflag:s4], $0x2000  }
0xe8: {  	[sflag:s4] =	ssyncset.done $0x0  }
0xe9: {  	[sflag:s4] =	ssyncadd.s32 $0xFFFFE000  }
0xea: {  	s8 =	simm.s32 $0x28  }
0xeb: {  	[spmem:s7] =	stream.indirect.scatter.add.f32 [tilespmem:s22], [sflag:$0x5], $0x80, s23, s8, $0xb8;
	[tilespmem:$0x1B5C0] =	vst v63  }
0xec: {  	_ =	swait.ge [sflag:s21], $0x1400  }
0xed: {  	[sflag:s21] =	ssyncset.done $0x0  }
0xee: {  	[sflag:s21] =	ssyncadd.s32 $0xFFFFEC00  }
0xef: {  	[bflag:$0x0] =	sbarrier.arrive $0xFFFF  }
0xf0: {  	s17 =	rddreg [dreg:$0xd]  }
0xf1: {  	[hbm:s17], [sflag:s12] =	dma.local [spmem:s20], $0x1400  }
.Ltmp9:
0xf2: {  	_ = 	snop;
	(pc) =	sbr.rel @!p2 .LBB2_13-.Ltmp9, $4  }
.Ltmp10:
0xf3: {  	_ =	swait.ge [sflag:s21], $0x1400;
	(pc) =	sbr.rel @p2 .LBB2_12-.Ltmp10, $4  }
0xf4: {  	[sflag:s21] =	ssyncset.done $0x0  }
0xf5: {  	[sflag:s21] =	ssyncadd.s32 $0xFFFFEC00  }
0xf6: {  	s8 =	rddreg [dreg:$0x3]  }
0xf7: {  	_ = 	snop  }
.LBB2_14:
0xf8: {  	_ =	sfence.sel $0x180000  }
0xf9: {  	[bflag:$0x0] =	sbarrier.arrive $0xFFFF  }
0xfa: {  	_ =	strace $0x90000047  }
0xfb: {  	[bflag:$0x2] =	sbarrier.arrive $0xFFFF  }
0xfc: {  	s0 =	rddreg [dreg:$0x8]  }
0xfd: {  	s0 =	sadd.s32 @!p1 $0x100000, s0  }
0xfe: {  	[sflag:s0] =	ssyncadd.tile.s32 @!p1 $0x1;
	_ =	shalt  }
.Lfunc_end2:
_tile_overlayer_lowered:
.L_overlay_start_2:
0xff: {  	(tag) =	ssettag $0x2  }
0x100: {  	s0 =	rddreg [dreg:$0x0];
	s2 =	stileid.u32  }
0x101: {  	s1 =	rddreg [dreg:$0x1];
	p0 =	sne.s32 s2, $0x0  }
0x102: {  	s3 =	rddreg [dreg:$0x2];
	[bflag:$0x3] =	sbarrier.arrive $0xFFFF;
	s2 =	simm.s32 @!p0 $0x1C05  }
0x103: {  	[timem:s3], [sflag:s2] =	dma.local @!p0 [hbm:s0], s1  }
0x104: {  	s0 =	simm.s32 @!p0 $0x5  }
0x105: {  	_ =	swait.ge @!p0 [sflag:s0], s1  }
0x106: {  	s1 =	ssub.s32 @!p0 $0x0, s1;
	[sflag:s0] =	ssyncset.done @!p0 $0x0  }
0x107: {  	[sflag:s0] =	ssyncadd.s32 @!p0 s1  }
0x108: {  	[bflag:$0x3] =	sbarrier.arrive $0xFFFF  }
0x109: {  	_ =	shalt  }

</sc_bundles>
